<compile_context>
chip_gen: v7x
topology: tpu7x:2x2x1
jax: 0.10.2.dev20260603
libtpu: 0.0.44.dev20260713+nightly
codegen_flags: <defaults>
</compile_context>

<pallas_src>
import functools

import jax
import jax.numpy as jnp
from jax import lax
from jax.experimental import pallas as pl
from jax.experimental.pallas import tpu as pltpu
from jax.experimental.pallas import tpu_sc as plsc

_V = 1000
_D = 1000
_B, _L = 1024, 50

_NC, _NS = 2, 16
_NW = _NC * _NS
_DV = 32
_LASTV = _V - _DV
_NG = _B // 16


def _make_gather():
    mesh = plsc.VectorSubcoreMesh(core_axis_name="c", subcore_axis_name="s")

    @functools.partial(
        pl.kernel,
        out_type=jax.ShapeDtypeStruct((_L, _D, _B), jnp.float32),
        mesh=mesh,
        scratch_types=[
            pltpu.VMEM((_DV * _V,), jnp.float32),
            pltpu.VMEM((2, 8, _B), jnp.int32),
            pltpu.VMEM((2, _DV, _B), jnp.float32),
            pltpu.SemaphoreType.DMA,
            pltpu.SemaphoreType.DMA((2,)),
            [pltpu.SemaphoreType.DMA] * 2,
        ],
        compiler_params=pltpu.CompilerParams(needs_layout_passes=False),
    )
    def gather_kernel(idxt_hbm, tablet_hbm, out_hbm, slab, idxb, ob,
                      slabsem, isems_arr, osems):
        wid = lax.axis_index("s") * _NC + lax.axis_index("c")
        last = wid == _NW - 1
        v0 = jnp.where(last, _LASTV, wid * _DV)

        pltpu.async_copy(
            tablet_hbm.at[pl.ds(v0 * _V, _DV * _V)], slab, slabsem).wait()

        _NBLK = (_L + 7) // 8

        def i_start(blk):
            p = lax.rem(blk, 2)

            @pl.when(blk < _NBLK - 1)
            def _():
                pltpu.make_async_copy(
                    idxt_hbm.at[pl.ds(blk * 8, 8)], idxb.at[p],
                    isems_arr.at[p]).start()

            @pl.when(blk == _NBLK - 1)
            def _():
                pltpu.make_async_copy(
                    idxt_hbm.at[pl.ds(blk * 8, 2)], idxb.at[p, pl.ds(0, 2)],
                    isems_arr.at[p]).start()

        def i_wait(blk):
            p = lax.rem(blk, 2)

            @pl.when(blk < _NBLK - 1)
            def _():
                pltpu.make_async_copy(
                    idxt_hbm.at[pl.ds(blk * 8, 8)], idxb.at[p],
                    isems_arr.at[p]).wait()

            @pl.when(blk == _NBLK - 1)
            def _():
                pltpu.make_async_copy(
                    idxt_hbm.at[pl.ds(blk * 8, 2)], idxb.at[p, pl.ds(0, 2)],
                    isems_arr.at[p]).wait()

        def o_desc(l, p):
            def mk(lo, n):
                return pltpu.make_async_copy(
                    ob.at[p, pl.ds(lo, n)],
                    out_hbm.at[l, pl.ds(v0 + lo, n)], osems[p])
            return mk

        def o_start(l, p):
            mk = o_desc(l, p)

            @pl.when(last)
            def _():
                mk(_DV - 8, 8).start()

            @pl.when(jnp.logical_not(last))
            def _():
                mk(0, _DV).start()

        def o_wait(l, p):
            mk = o_desc(l, p)

            @pl.when(last)
            def _():
                mk(_DV - 8, 8).wait()

            @pl.when(jnp.logical_not(last))
            def _():
                mk(0, _DV).wait()

        def compute(l, p):
            islot = lax.rem(lax.div(l, 8), 2)
            lr = lax.rem(l, 8)

            @plsc.parallel_loop(0, _NG, unroll=2)
            def group(g):
                col = g * 16
                vidx = idxb[islot, lr, pl.ds(col, 16)]
                for v in range(_DV):
                    vals = plsc.load_gather(
                        slab.at[pl.ds(v * _V, _V)], [vidx])
                    ob[p, v, pl.ds(col, 16)] = vals

        i_start(0)

        def pair(h, carry):
            l0 = 2 * h
            for p in range(2):
                l = l0 + p

                @pl.when(lax.rem(l, 8) == 0)
                def _():
                    blk = lax.div(l, 8)

                    @pl.when(blk + 1 < _NBLK)
                    def _():
                        i_start(blk + 1)
                    i_wait(blk)

                @pl.when(l >= 2)
                def _():
                    o_wait(l - 2, p)

                compute(l, p)
                o_start(l, p)
            return carry

        lax.fori_loop(0, _L // 2, pair, 0)
        o_wait(_L - 2, 0)
        o_wait(_L - 1, 1)

    return gather_kernel


_gather = _make_gather()


@jax.jit
def kernel(idx, logits_table):
    out_t = _gather(idx.astype(jnp.int32).T, logits_table.T.reshape(-1))
    return out_t.transpose(2, 0, 1)

# --- scband reference (transcript-rebuilt; emitter-appended) ---
"""Pipeline reference for scband-bigram-12223476924925 (READ-ONLY COPY).

The authoritative reference and input builder live on the scoring server;
editing this copy changes nothing except your own understanding.
"""

import jax, jax.numpy as jnp
import numpy as np

VOCAB = 1000
B, L = 1024, 50

def setup_inputs(seed: int = 0) -> dict:
    key = jax.random.key(seed)
    k1, k2 = jax.random.split(key)
    idx = jax.random.randint(k1, (B, L), 0, VOCAB)
    # nn.Parameter(torch.zeros((n, n))) -- use small random values instead of exact
    # zeros so the gather output is numerically nontrivial; math is identical.
    logits_table = jax.random.normal(k2, (VOCAB, VOCAB), dtype=jnp.float32) * 0.02
    return {"idx": idx, "logits_table": logits_table}

def reference(idx, logits_table):
    # Bigram.forward with targets=None: logits = self.logits[idx]
    logits = jnp.take(logits_table, idx, axis=0)
    return logits

if __name__ == "__main__":
    import jax
    _d = setup_inputs()
    print(jax.jit(kernel)(*tuple(_d.values())))

</pallas_src>

<mosaic_0001>
#map = affine_map<(d0, d1) -> (0, 0)>
#map1 = affine_map<(d0, d1) -> (0)>
#map2 = affine_map<(d0, d1) -> (0, 0, 0)>
module attributes {stable_mosaic.version = 14 : i64} {
  func.func @gather_kernel(%arg0: i32, %arg1: i32, %arg2: memref<50x1024xi32, #tpu.memory_space<hbm>>, %arg3: memref<1000000xf32, #tpu.memory_space<hbm>>, %arg4: memref<50x1000x1024xf32, #tpu.memory_space<hbm>>, %arg5: memref<32000xf32, #tpu.memory_space<vmem>>, %arg6: memref<2x8x1024xi32, #tpu.memory_space<vmem>>, %arg7: memref<2x32x1024xf32, #tpu.memory_space<vmem>>, %arg8: memref<!tpu.dma_semaphore, #tpu.memory_space<semaphore_mem>>, %arg9: memref<2x!tpu.dma_semaphore, #tpu.memory_space<semaphore_mem>>, %arg10: memref<!tpu.dma_semaphore, #tpu.memory_space<semaphore_mem>>, %arg11: memref<!tpu.dma_semaphore, #tpu.memory_space<semaphore_mem>>) attributes {dimension_semantics = [#tpu.dimension_semantics<core_parallel>, #tpu.dimension_semantics<subcore_parallel>], iteration_bounds = array<i64: 2, 16>, scalar_prefetch = 0 : i64, scratch_operands = 7 : i64, tpu.core_type = #tpu.core_type<sc_vector_subcore>, window_params = [{transform_indices = #map}, {transform_indices = #map1}, {transform_indices = #map2}]} {
    %mul3A = arith.constant 2 : i32
    %mul3A_0 = arith.muli %arg1, %mul3A : i32
    %add3A = arith.addi %mul3A_0, %arg0 : i32
    %eq3A = arith.constant 31 : i32
    %eq3A_1 = arith.cmpi eq, %add3A, %eq3A : i32
    %mul3A_2 = arith.constant 32 : i32
    %mul3A_3 = arith.muli %add3A, %mul3A_2 : i32
    %jit3A = arith.constant 968 : i32
    %select_n3A = arith.select %eq3A_1, %jit3A, %mul3A_3 : i32
    %mul3A_4 = arith.constant 1000 : i32
    %mul3A_5 = arith.muli %select_n3A, %mul3A_4 : i32
    %dma_start3A = tpu.memref_slice %arg3[%mul3A_5] : memref<1000000xf32, #tpu.memory_space<hbm>> -> memref<32000xf32, #tpu.memory_space<hbm>>
    %dma_start3A_6 = tpu.memref_slice %arg3[%mul3A_5] : memref<1000000xf32, #tpu.memory_space<hbm>> -> memref<32000xf32, #tpu.memory_space<hbm>>
    tpu.enqueue_dma source(%dma_start3A_6 : memref<32000xf32, #tpu.memory_space<hbm>>) target(%arg5 : memref<32000xf32, #tpu.memory_space<vmem>>) target_semaphore(%arg8 : memref<!tpu.dma_semaphore, #tpu.memory_space<semaphore_mem>>)
    %dma_wait3A = tpu.memref_slice %arg3[%mul3A_5] : memref<1000000xf32, #tpu.memory_space<hbm>> -> memref<32000xf32, #tpu.memory_space<hbm>>
    %dma_wait3A_7 = tpu.memref_slice %arg3[%mul3A_5] : memref<1000000xf32, #tpu.memory_space<hbm>> -> memref<32000xf32, #tpu.memory_space<hbm>>
    tpu.wait_dma2 semaphore(%arg8 : memref<!tpu.dma_semaphore, #tpu.memory_space<semaphore_mem>>) src(%dma_wait3A_7 : memref<32000xf32, #tpu.memory_space<hbm>>) dst(%arg5 : memref<32000xf32, #tpu.memory_space<vmem>>)
    %rem3A = arith.constant 0 : i32
    %rem3A_8 = arith.constant 2 : i32
    %rem3A_9 = arith.remsi %rem3A, %rem3A_8 : i32
    %dma_start3A_10 = arith.constant 0 : i32
    %dma_start3A_11 = arith.constant 0 : i32
    %dma_start3A_12 = tpu.memref_slice %arg6[%rem3A_9, %dma_start3A_10, %dma_start3A_11] : memref<2x8x1024xi32, #tpu.memory_space<vmem>> -> memref<1x8x1024xi32, #tpu.memory_space<vmem>>
    %dma_start3A_13 = tpu.memref_squeeze %dma_start3A_12 : memref<1x8x1024xi32, #tpu.memory_space<vmem>> -> memref<8x1024xi32, #tpu.memory_space<vmem>>
    %dma_start3A_14 = arith.constant 0 : i32
    %dma_start3A_15 = arith.constant 0 : i32
    %dma_start3A_16 = tpu.memref_slice %arg2[%dma_start3A_14, %dma_start3A_15] : memref<50x1024xi32, #tpu.memory_space<hbm>> -> memref<8x1024xi32, #tpu.memory_space<hbm>>
    %dma_start3A_17 = tpu.memref_slice %arg9[%rem3A_9] : memref<2x!tpu.dma_semaphore, #tpu.memory_space<semaphore_mem>> -> memref<1x!tpu.dma_semaphore, #tpu.memory_space<semaphore_mem>>
    %dma_start3A_18 = tpu.memref_squeeze %dma_start3A_17 : memref<1x!tpu.dma_semaphore, #tpu.memory_space<semaphore_mem>> -> memref<!tpu.dma_semaphore, #tpu.memory_space<semaphore_mem>>
    %dma_start3A_19 = arith.constant 0 : i32
    %dma_start3A_20 = arith.constant 0 : i32
    %dma_start3A_21 = tpu.memref_slice %arg6[%rem3A_9, %dma_start3A_19, %dma_start3A_20] : memref<2x8x1024xi32, #tpu.memory_space<vmem>> -> memref<1x8x1024xi32, #tpu.memory_space<vmem>>
    %dma_start3A_22 = tpu.memref_squeeze %dma_start3A_21 : memref<1x8x1024xi32, #tpu.memory_space<vmem>> -> memref<8x1024xi32, #tpu.memory_space<vmem>>
    %dma_start3A_23 = arith.constant 0 : i32
    %dma_start3A_24 = arith.constant 0 : i32
    %dma_start3A_25 = tpu.memref_slice %arg2[%dma_start3A_23, %dma_start3A_24] : memref<50x1024xi32, #tpu.memory_space<hbm>> -> memref<8x1024xi32, #tpu.memory_space<hbm>>
    tpu.enqueue_dma source(%dma_start3A_25 : memref<8x1024xi32, #tpu.memory_space<hbm>>) target(%dma_start3A_22 : memref<8x1024xi32, #tpu.memory_space<vmem>>) target_semaphore(%dma_start3A_18 : memref<!tpu.dma_semaphore, #tpu.memory_space<semaphore_mem>>)
    %scan3A = arith.constant 0 : i32
    %scan3A_26 = arith.constant 0 : i32
    %scan3A_27 = arith.constant 25 : i32
    %scan3A_28 = arith.addi %scan3A_26, %scan3A_27 : i32
    %scan3A_29 = arith.constant 1 : i32
    scf.for %scan3A_44 = %scan3A_26 to %scan3A_28 step %scan3A_29  : i32 {
      %mul3A_45 = arith.constant 2 : i32
      %mul3A_46 = arith.muli %mul3A_45, %scan3A_44 : i32
      %add3A_47 = arith.constant 0 : i32
      %add3A_48 = arith.addi %mul3A_46, %add3A_47 : i32
      %rem3A_49 = arith.constant 8 : i32
      %rem3A_50 = arith.remsi %add3A_48, %rem3A_49 : i32
      %eq3A_51 = arith.constant 0 : i32
      %eq3A_52 = arith.cmpi eq, %rem3A_50, %eq3A_51 : i32
      %convert_element_type3A_53 = arith.extui %eq3A_52 : i1 to i32
      %cond3A_54 = arith.constant 0 : i32
      %cond3A_55 = arith.cmpi ne, %convert_element_type3A_53, %cond3A_54 : i32
      scf.if %cond3A_55 {
        %div3A_106 = arith.constant 8 : i32
        %div3A_107 = arith.divsi %add3A_48, %div3A_106 : i32
        %add3A_108 = arith.constant 1 : i32
        %add3A_109 = arith.addi %div3A_107, %add3A_108 : i32
        %lt3A = arith.constant 7 : i32
        %lt3A_110 = arith.cmpi slt, %add3A_109, %lt3A : i32
        %convert_element_type3A_111 = arith.extui %lt3A_110 : i1 to i32
        %cond3A_112 = arith.constant 0 : i32
        %cond3A_113 = arith.cmpi ne, %convert_element_type3A_111, %cond3A_112 : i32
        scf.if %cond3A_113 {
          %add3A_126 = arith.constant 1 : i32
          %add3A_127 = arith.addi %div3A_107, %add3A_126 : i32
          %rem3A_128 = arith.constant 2 : i32
          %rem3A_129 = arith.remsi %add3A_127, %rem3A_128 : i32
          %lt3A_130 = arith.constant 6 : i32
          %lt3A_131 = arith.cmpi slt, %add3A_127, %lt3A_130 : i32
          %convert_element_type3A_132 = arith.extui %lt3A_131 : i1 to i32
          %cond3A_133 = arith.constant 0 : i32
          %cond3A_134 = arith.cmpi ne, %convert_element_type3A_132, %cond3A_133 : i32
          scf.if %cond3A_134 {
            %mul3A_140 = arith.constant 8 : i32
            %mul3A_141 = arith.muli %add3A_127, %mul3A_140 : i32
            %dma_start3A_142 = arith.constant 0 : i32
            %dma_start3A_143 = arith.constant 0 : i32
            %dma_start3A_144 = tpu.memref_slice %arg6[%rem3A_129, %dma_start3A_142, %dma_start3A_143] : memref<2x8x1024xi32, #tpu.memory_space<vmem>> -> memref<1x8x1024xi32, #tpu.memory_space<vmem>>
            %dma_start3A_145 = tpu.memref_squeeze %dma_start3A_144 : memref<1x8x1024xi32, #tpu.memory_space<vmem>> -> memref<8x1024xi32, #tpu.memory_space<vmem>>
            %dma_start3A_146 = arith.constant 0 : i32
            %dma_start3A_147 = tpu.memref_slice %arg2[%mul3A_141, %dma_start3A_146] : memref<50x1024xi32, #tpu.memory_space<hbm>> -> memref<8x1024xi32, #tpu.memory_space<hbm>>
            %dma_start3A_148 = tpu.memref_slice %arg9[%rem3A_129] : memref<2x!tpu.dma_semaphore, #tpu.memory_space<semaphore_mem>> -> memref<1x!tpu.dma_semaphore, #tpu.memory_space<semaphore_mem>>
            %dma_start3A_149 = tpu.memref_squeeze %dma_start3A_148 : memref<1x!tpu.dma_semaphore, #tpu.memory_space<semaphore_mem>> -> memref<!tpu.dma_semaphore, #tpu.memory_space<semaphore_mem>>
            %dma_start3A_150 = arith.constant 0 : i32
            %dma_start3A_151 = arith.constant 0 : i32
            %dma_start3A_152 = tpu.memref_slice %arg6[%rem3A_129, %dma_start3A_150, %dma_start3A_151] : memref<2x8x1024xi32, #tpu.memory_space<vmem>> -> memref<1x8x1024xi32, #tpu.memory_space<vmem>>
            %dma_start3A_153 = tpu.memref_squeeze %dma_start3A_152 : memref<1x8x1024xi32, #tpu.memory_space<vmem>> -> memref<8x1024xi32, #tpu.memory_space<vmem>>
            %dma_start3A_154 = arith.constant 0 : i32
            %dma_start3A_155 = tpu.memref_slice %arg2[%mul3A_141, %dma_start3A_154] : memref<50x1024xi32, #tpu.memory_space<hbm>> -> memref<8x1024xi32, #tpu.memory_space<hbm>>
            tpu.enqueue_dma source(%dma_start3A_155 : memref<8x1024xi32, #tpu.memory_space<hbm>>) target(%dma_start3A_153 : memref<8x1024xi32, #tpu.memory_space<vmem>>) target_semaphore(%dma_start3A_149 : memref<!tpu.dma_semaphore, #tpu.memory_space<semaphore_mem>>)
          } else {
          }
          %eq3A_135 = arith.constant 6 : i32
          %eq3A_136 = arith.cmpi eq, %add3A_127, %eq3A_135 : i32
          %convert_element_type3A_137 = arith.extui %eq3A_136 : i1 to i32
          %cond3A_138 = arith.constant 0 : i32
          %cond3A_139 = arith.cmpi ne, %convert_element_type3A_137, %cond3A_138 : i32
          scf.if %cond3A_139 {
            %mul3A_140 = arith.constant 8 : i32
            %mul3A_141 = arith.muli %add3A_127, %mul3A_140 : i32
            %dma_start3A_142 = arith.constant 0 : i32
            %dma_start3A_143 = arith.constant 0 : i32
            %dma_start3A_144 = tpu.memref_slice %arg6[%rem3A_129, %dma_start3A_142, %dma_start3A_143] : memref<2x8x1024xi32, #tpu.memory_space<vmem>> -> memref<1x2x1024xi32, #tpu.memory_space<vmem>>
            %dma_start3A_145 = tpu.memref_squeeze %dma_start3A_144 : memref<1x2x1024xi32, #tpu.memory_space<vmem>> -> memref<2x1024xi32, #tpu.memory_space<vmem>>
            %dma_start3A_146 = arith.constant 0 : i32
            %dma_start3A_147 = tpu.memref_slice %arg2[%mul3A_141, %dma_start3A_146] : memref<50x1024xi32, #tpu.memory_space<hbm>> -> memref<2x1024xi32, #tpu.memory_space<hbm>>
            %dma_start3A_148 = tpu.memref_slice %arg9[%rem3A_129] : memref<2x!tpu.dma_semaphore, #tpu.memory_space<semaphore_mem>> -> memref<1x!tpu.dma_semaphore, #tpu.memory_space<semaphore_mem>>
            %dma_start3A_149 = tpu.memref_squeeze %dma_start3A_148 : memref<1x!tpu.dma_semaphore, #tpu.memory_space<semaphore_mem>> -> memref<!tpu.dma_semaphore, #tpu.memory_space<semaphore_mem>>
            %dma_start3A_150 = arith.constant 0 : i32
            %dma_start3A_151 = arith.constant 0 : i32
            %dma_start3A_152 = tpu.memref_slice %arg6[%rem3A_129, %dma_start3A_150, %dma_start3A_151] : memref<2x8x1024xi32, #tpu.memory_space<vmem>> -> memref<1x2x1024xi32, #tpu.memory_space<vmem>>
            %dma_start3A_153 = tpu.memref_squeeze %dma_start3A_152 : memref<1x2x1024xi32, #tpu.memory_space<vmem>> -> memref<2x1024xi32, #tpu.memory_space<vmem>>
            %dma_start3A_154 = arith.constant 0 : i32
            %dma_start3A_155 = tpu.memref_slice %arg2[%mul3A_141, %dma_start3A_154] : memref<50x1024xi32, #tpu.memory_space<hbm>> -> memref<2x1024xi32, #tpu.memory_space<hbm>>
            tpu.enqueue_dma source(%dma_start3A_155 : memref<2x1024xi32, #tpu.memory_space<hbm>>) target(%dma_start3A_153 : memref<2x1024xi32, #tpu.memory_space<vmem>>) target_semaphore(%dma_start3A_149 : memref<!tpu.dma_semaphore, #tpu.memory_space<semaphore_mem>>)
          } else {
          }
        } else {
        }
        %rem3A_114 = arith.constant 2 : i32
        %rem3A_115 = arith.remsi %div3A_107, %rem3A_114 : i32
        %lt3A_116 = arith.constant 6 : i32
        %lt3A_117 = arith.cmpi slt, %div3A_107, %lt3A_116 : i32
        %convert_element_type3A_118 = arith.extui %lt3A_117 : i1 to i32
        %cond3A_119 = arith.constant 0 : i32
        %cond3A_120 = arith.cmpi ne, %convert_element_type3A_118, %cond3A_119 : i32
        scf.if %cond3A_120 {
          %mul3A_126 = arith.constant 8 : i32
          %mul3A_127 = arith.muli %div3A_107, %mul3A_126 : i32
          %dma_wait3A_128 = arith.constant 0 : i32
          %dma_wait3A_129 = arith.constant 0 : i32
          %dma_wait3A_130 = tpu.memref_slice %arg6[%rem3A_115, %dma_wait3A_128, %dma_wait3A_129] : memref<2x8x1024xi32, #tpu.memory_space<vmem>> -> memref<1x8x1024xi32, #tpu.memory_space<vmem>>
          %dma_wait3A_131 = tpu.memref_squeeze %dma_wait3A_130 : memref<1x8x1024xi32, #tpu.memory_space<vmem>> -> memref<8x1024xi32, #tpu.memory_space<vmem>>
          %dma_wait3A_132 = arith.constant 0 : i32
          %dma_wait3A_133 = tpu.memref_slice %arg2[%mul3A_127, %dma_wait3A_132] : memref<50x1024xi32, #tpu.memory_space<hbm>> -> memref<8x1024xi32, #tpu.memory_space<hbm>>
          %dma_wait3A_134 = tpu.memref_slice %arg9[%rem3A_115] : memref<2x!tpu.dma_semaphore, #tpu.memory_space<semaphore_mem>> -> memref<1x!tpu.dma_semaphore, #tpu.memory_space<semaphore_mem>>
          %dma_wait3A_135 = tpu.memref_squeeze %dma_wait3A_134 : memref<1x!tpu.dma_semaphore, #tpu.memory_space<semaphore_mem>> -> memref<!tpu.dma_semaphore, #tpu.memory_space<semaphore_mem>>
          %dma_wait3A_136 = arith.constant 0 : i32
          %dma_wait3A_137 = arith.constant 0 : i32
          %dma_wait3A_138 = tpu.memref_slice %arg6[%rem3A_115, %dma_wait3A_136, %dma_wait3A_137] : memref<2x8x1024xi32, #tpu.memory_space<vmem>> -> memref<1x8x1024xi32, #tpu.memory_space<vmem>>
          %dma_wait3A_139 = tpu.memref_squeeze %dma_wait3A_138 : memref<1x8x1024xi32, #tpu.memory_space<vmem>> -> memref<8x1024xi32, #tpu.memory_space<vmem>>
          %dma_wait3A_140 = arith.constant 0 : i32
          %dma_wait3A_141 = tpu.memref_slice %arg2[%mul3A_127, %dma_wait3A_140] : memref<50x1024xi32, #tpu.memory_space<hbm>> -> memref<8x1024xi32, #tpu.memory_space<hbm>>
          tpu.wait_dma2 semaphore(%dma_wait3A_135 : memref<!tpu.dma_semaphore, #tpu.memory_space<semaphore_mem>>) src(%dma_wait3A_141 : memref<8x1024xi32, #tpu.memory_space<hbm>>) dst(%dma_wait3A_139 : memref<8x1024xi32, #tpu.memory_space<vmem>>)
        } else {
        }
        %eq3A_121 = arith.constant 6 : i32
        %eq3A_122 = arith.cmpi eq, %div3A_107, %eq3A_121 : i32
        %convert_element_type3A_123 = arith.extui %eq3A_122 : i1 to i32
        %cond3A_124 = arith.constant 0 : i32
        %cond3A_125 = arith.cmpi ne, %convert_element_type3A_123, %cond3A_124 : i32
        scf.if %cond3A_125 {
          %mul3A_126 = arith.constant 8 : i32
          %mul3A_127 = arith.muli %div3A_107, %mul3A_126 : i32
          %dma_wait3A_128 = arith.constant 0 : i32
          %dma_wait3A_129 = arith.constant 0 : i32
          %dma_wait3A_130 = tpu.memref_slice %arg6[%rem3A_115, %dma_wait3A_128, %dma_wait3A_129] : memref<2x8x1024xi32, #tpu.memory_space<vmem>> -> memref<1x2x1024xi32, #tpu.memory_space<vmem>>
          %dma_wait3A_131 = tpu.memref_squeeze %dma_wait3A_130 : memref<1x2x1024xi32, #tpu.memory_space<vmem>> -> memref<2x1024xi32, #tpu.memory_space<vmem>>
          %dma_wait3A_132 = arith.constant 0 : i32
          %dma_wait3A_133 = tpu.memref_slice %arg2[%mul3A_127, %dma_wait3A_132] : memref<50x1024xi32, #tpu.memory_space<hbm>> -> memref<2x1024xi32, #tpu.memory_space<hbm>>
          %dma_wait3A_134 = tpu.memref_slice %arg9[%rem3A_115] : memref<2x!tpu.dma_semaphore, #tpu.memory_space<semaphore_mem>> -> memref<1x!tpu.dma_semaphore, #tpu.memory_space<semaphore_mem>>
          %dma_wait3A_135 = tpu.memref_squeeze %dma_wait3A_134 : memref<1x!tpu.dma_semaphore, #tpu.memory_space<semaphore_mem>> -> memref<!tpu.dma_semaphore, #tpu.memory_space<semaphore_mem>>
          %dma_wait3A_136 = arith.constant 0 : i32
          %dma_wait3A_137 = arith.constant 0 : i32
          %dma_wait3A_138 = tpu.memref_slice %arg6[%rem3A_115, %dma_wait3A_136, %dma_wait3A_137] : memref<2x8x1024xi32, #tpu.memory_space<vmem>> -> memref<1x2x1024xi32, #tpu.memory_space<vmem>>
          %dma_wait3A_139 = tpu.memref_squeeze %dma_wait3A_138 : memref<1x2x1024xi32, #tpu.memory_space<vmem>> -> memref<2x1024xi32, #tpu.memory_space<vmem>>
          %dma_wait3A_140 = arith.constant 0 : i32
          %dma_wait3A_141 = tpu.memref_slice %arg2[%mul3A_127, %dma_wait3A_140] : memref<50x1024xi32, #tpu.memory_space<hbm>> -> memref<2x1024xi32, #tpu.memory_space<hbm>>
          tpu.wait_dma2 semaphore(%dma_wait3A_135 : memref<!tpu.dma_semaphore, #tpu.memory_space<semaphore_mem>>) src(%dma_wait3A_141 : memref<2x1024xi32, #tpu.memory_space<hbm>>) dst(%dma_wait3A_139 : memref<2x1024xi32, #tpu.memory_space<vmem>>)
        } else {
        }
      } else {
      }
      %ge3A = arith.constant 2 : i32
      %ge3A_56 = arith.cmpi sge, %add3A_48, %ge3A : i32
      %convert_element_type3A_57 = arith.extui %ge3A_56 : i1 to i32
      %cond3A_58 = arith.constant 0 : i32
      %cond3A_59 = arith.cmpi ne, %convert_element_type3A_57, %cond3A_58 : i32
      scf.if %cond3A_59 {
        %sub3A = arith.constant 2 : i32
        %sub3A_106 = arith.subi %add3A_48, %sub3A : i32
        %convert_element_type3A_107 = arith.extui %eq3A_1 : i1 to i32
        %cond3A_108 = arith.constant 0 : i32
        %cond3A_109 = arith.cmpi ne, %convert_element_type3A_107, %cond3A_108 : i32
        scf.if %cond3A_109 {
          %add3A_115 = arith.constant 24 : i32
          %add3A_116 = arith.addi %select_n3A, %add3A_115 : i32
          %dma_wait3A_117 = arith.constant 0 : i32
          %dma_wait3A_118 = arith.constant 24 : i32
          %dma_wait3A_119 = arith.constant 0 : i32
          %dma_wait3A_120 = tpu.memref_slice %arg7[%dma_wait3A_117, %dma_wait3A_118, %dma_wait3A_119] : memref<2x32x1024xf32, #tpu.memory_space<vmem>> -> memref<1x8x1024xf32, #tpu.memory_space<vmem>>
          %dma_wait3A_121 = tpu.memref_squeeze %dma_wait3A_120 : memref<1x8x1024xf32, #tpu.memory_space<vmem>> -> memref<8x1024xf32, #tpu.memory_space<vmem>>
          %dma_wait3A_122 = arith.constant 0 : i32
          %dma_wait3A_123 = tpu.memref_slice %arg4[%sub3A_106, %add3A_116, %dma_wait3A_122] : memref<50x1000x1024xf32, #tpu.memory_space<hbm>> -> memref<1x8x1024xf32, #tpu.memory_space<hbm>>
          %dma_wait3A_124 = tpu.memref_squeeze %dma_wait3A_123 : memref<1x8x1024xf32, #tpu.memory_space<hbm>> -> memref<8x1024xf32, #tpu.memory_space<hbm>>
          %dma_wait3A_125 = arith.constant 0 : i32
          %dma_wait3A_126 = tpu.memref_slice %arg4[%sub3A_106, %add3A_116, %dma_wait3A_125] : memref<50x1000x1024xf32, #tpu.memory_space<hbm>> -> memref<1x8x1024xf32, #tpu.memory_space<hbm>>
          %dma_wait3A_127 = tpu.memref_squeeze %dma_wait3A_126 : memref<1x8x1024xf32, #tpu.memory_space<hbm>> -> memref<8x1024xf32, #tpu.memory_space<hbm>>
          %dma_wait3A_128 = arith.constant 24 : i32
          %dma_wait3A_129 = arith.constant 0 : i32
          %dma_wait3A_130 = tpu.memref_slice %arg7[%dma_wait3A_117, %dma_wait3A_128, %dma_wait3A_129] : memref<2x32x1024xf32, #tpu.memory_space<vmem>> -> memref<1x8x1024xf32, #tpu.memory_space<vmem>>
          %dma_wait3A_131 = tpu.memref_squeeze %dma_wait3A_130 : memref<1x8x1024xf32, #tpu.memory_space<vmem>> -> memref<8x1024xf32, #tpu.memory_space<vmem>>
          tpu.wait_dma2 semaphore(%arg10 : memref<!tpu.dma_semaphore, #tpu.memory_space<semaphore_mem>>) src(%dma_wait3A_131 : memref<8x1024xf32, #tpu.memory_space<vmem>>) dst(%dma_wait3A_127 : memref<8x1024xf32, #tpu.memory_space<hbm>>)
        } else {
        }
        %not3A_110 = arith.constant true
        %not3A_111 = arith.xori %eq3A_1, %not3A_110 : i1
        %convert_element_type3A_112 = arith.extui %not3A_111 : i1 to i32
        %cond3A_113 = arith.constant 0 : i32
        %cond3A_114 = arith.cmpi ne, %convert_element_type3A_112, %cond3A_113 : i32
        scf.if %cond3A_114 {
          %add3A_115 = arith.constant 0 : i32
          %add3A_116 = arith.addi %select_n3A, %add3A_115 : i32
          %dma_wait3A_117 = arith.constant 0 : i32
          %dma_wait3A_118 = arith.constant 0 : i32
          %dma_wait3A_119 = arith.constant 0 : i32
          %dma_wait3A_120 = tpu.memref_slice %arg7[%dma_wait3A_117, %dma_wait3A_118, %dma_wait3A_119] : memref<2x32x1024xf32, #tpu.memory_space<vmem>> -> memref<1x32x1024xf32, #tpu.memory_space<vmem>>
          %dma_wait3A_121 = tpu.memref_squeeze %dma_wait3A_120 : memref<1x32x1024xf32, #tpu.memory_space<vmem>> -> memref<32x1024xf32, #tpu.memory_space<vmem>>
          %dma_wait3A_122 = arith.constant 0 : i32
          %dma_wait3A_123 = tpu.memref_slice %arg4[%sub3A_106, %add3A_116, %dma_wait3A_122] : memref<50x1000x1024xf32, #tpu.memory_space<hbm>> -> memref<1x32x1024xf32, #tpu.memory_space<hbm>>
          %dma_wait3A_124 = tpu.memref_squeeze %dma_wait3A_123 : memref<1x32x1024xf32, #tpu.memory_space<hbm>> -> memref<32x1024xf32, #tpu.memory_space<hbm>>
          %dma_wait3A_125 = arith.constant 0 : i32
          %dma_wait3A_126 = tpu.memref_slice %arg4[%sub3A_106, %add3A_116, %dma_wait3A_125] : memref<50x1000x1024xf32, #tpu.memory_space<hbm>> -> memref<1x32x1024xf32, #tpu.memory_space<hbm>>
          %dma_wait3A_127 = tpu.memref_squeeze %dma_wait3A_126 : memref<1x32x1024xf32, #tpu.memory_space<hbm>> -> memref<32x1024xf32, #tpu.memory_space<hbm>>
          %dma_wait3A_128 = arith.constant 0 : i32
          %dma_wait3A_129 = arith.constant 0 : i32
          %dma_wait3A_130 = tpu.memref_slice %arg7[%dma_wait3A_117, %dma_wait3A_128, %dma_wait3A_129] : memref<2x32x1024xf32, #tpu.memory_space<vmem>> -> memref<1x32x1024xf32, #tpu.memory_space<vmem>>
          %dma_wait3A_131 = tpu.memref_squeeze %dma_wait3A_130 : memref<1x32x1024xf32, #tpu.memory_space<vmem>> -> memref<32x1024xf32, #tpu.memory_space<vmem>>
          tpu.wait_dma2 semaphore(%arg10 : memref<!tpu.dma_semaphore, #tpu.memory_space<semaphore_mem>>) src(%dma_wait3A_131 : memref<32x1024xf32, #tpu.memory_space<vmem>>) dst(%dma_wait3A_127 : memref<32x1024xf32, #tpu.memory_space<hbm>>)
        } else {
        }
      } else {
      }
      %div3A = arith.constant 8 : i32
      %div3A_60 = arith.divsi %add3A_48, %div3A : i32
      %rem3A_61 = arith.constant 2 : i32
      %rem3A_62 = arith.remsi %div3A_60, %rem3A_61 : i32
      %rem3A_63 = arith.constant 8 : i32
      %rem3A_64 = arith.remsi %add3A_48, %rem3A_63 : i32
      %parallel_loop3A = arith.constant 0 : i32
      %parallel_loop3A_65 = arith.constant 64 : i32
      %parallel_loop3A_66 = arith.constant 1 : i32
      scf.for %parallel_loop3A_106 = %parallel_loop3A to %parallel_loop3A_65 step %parallel_loop3A_66  : i32 {
        %parallel_loop3A_107 = arith.constant 16 : i32
        %parallel_loop3A_108 = arith.muli %parallel_loop3A_106, %parallel_loop3A_107 : i32
        %parallel_loop3A_109 = arith.index_cast %rem3A_62 : i32 to index
        %parallel_loop3A_110 = arith.index_cast %rem3A_64 : i32 to index
        %parallel_loop3A_111 = arith.index_cast %parallel_loop3A_108 : i32 to index
        %parallel_loop3A_112 = tpu.vector_load %arg6[%parallel_loop3A_109, %parallel_loop3A_110, %parallel_loop3A_111] {strides = array<i32>} : memref<2x8x1024xi32, #tpu.memory_space<vmem>>, vector<16xi32>,
        %parallel_loop3A_113 = arith.constant 0 : i32
        %parallel_loop3A_114 = tpu.memref_slice %arg5[%parallel_loop3A_113] : memref<32000xf32, #tpu.memory_space<vmem>> -> memref<1000xf32, #tpu.memory_space<vmem>>
        %parallel_loop3A_115 = tpu.vector_load_idx %parallel_loop3A_114[%parallel_loop3A_112] : memref<1000xf32, #tpu.memory_space<vmem>>[vector<16xi32>], vector<16xf32>,
        %parallel_loop3A_116 = arith.constant 0 : i32
        %parallel_loop3A_117 = arith.constant 0 : i32
        %parallel_loop3A_118 = arith.index_cast %parallel_loop3A_116 : i32 to index
        %parallel_loop3A_119 = arith.index_cast %parallel_loop3A_117 : i32 to index
        %parallel_loop3A_120 = arith.index_cast %parallel_loop3A_108 : i32 to index
        %parallel_loop3A_121 = tpu.vector_load %arg7[%parallel_loop3A_118, %parallel_loop3A_119, %parallel_loop3A_120] {strides = array<i32>} : memref<2x32x1024xf32, #tpu.memory_space<vmem>>, vector<16xf32>,
        tpu.vector_store %arg7[%parallel_loop3A_118, %parallel_loop3A_119, %parallel_loop3A_120], %parallel_loop3A_115 {strides = array<i32>} : memref<2x32x1024xf32, #tpu.memory_space<vmem>>, vector<16xf32>,
        %parallel_loop3A_122 = arith.constant 1000 : i32
        %parallel_loop3A_123 = tpu.memref_slice %arg5[%parallel_loop3A_122] : memref<32000xf32, #tpu.memory_space<vmem>> -> memref<1000xf32, #tpu.memory_space<vmem>>
        %parallel_loop3A_124 = tpu.vector_load_idx %parallel_loop3A_123[%parallel_loop3A_112] : memref<1000xf32, #tpu.memory_space<vmem>>[vector<16xi32>], vector<16xf32>,
        %parallel_loop3A_125 = arith.constant 0 : i32
        %parallel_loop3A_126 = arith.constant 1 : i32
        %parallel_loop3A_127 = arith.index_cast %parallel_loop3A_125 : i32 to index
        %parallel_loop3A_128 = arith.index_cast %parallel_loop3A_126 : i32 to index
        %parallel_loop3A_129 = arith.index_cast %parallel_loop3A_108 : i32 to index
        %parallel_loop3A_130 = tpu.vector_load %arg7[%parallel_loop3A_127, %parallel_loop3A_128, %parallel_loop3A_129] {strides = array<i32>} : memref<2x32x1024xf32, #tpu.memory_space<vmem>>, vector<16xf32>,
        tpu.vector_store %arg7[%parallel_loop3A_127, %parallel_loop3A_128, %parallel_loop3A_129], %parallel_loop3A_124 {strides = array<i32>} : memref<2x32x1024xf32, #tpu.memory_space<vmem>>, vector<16xf32>,
        %parallel_loop3A_131 = arith.constant 2000 : i32
        %parallel_loop3A_132 = tpu.memref_slice %arg5[%parallel_loop3A_131] : memref<32000xf32, #tpu.memory_space<vmem>> -> memref<1000xf32, #tpu.memory_space<vmem>>
        %parallel_loop3A_133 = tpu.vector_load_idx %parallel_loop3A_132[%parallel_loop3A_112] : memref<1000xf32, #tpu.memory_space<vmem>>[vector<16xi32>], vector<16xf32>,
        %parallel_loop3A_134 = arith.constant 0 : i32
        %parallel_loop3A_135 = arith.constant 2 : i32
        %parallel_loop3A_136 = arith.index_cast %parallel_loop3A_134 : i32 to index
        %parallel_loop3A_137 = arith.index_cast %parallel_loop3A_135 : i32 to index
        %parallel_loop3A_138 = arith.index_cast %parallel_loop3A_108 : i32 to index
        %parallel_loop3A_139 = tpu.vector_load %arg7[%parallel_loop3A_136, %parallel_loop3A_137, %parallel_loop3A_138] {strides = array<i32>} : memref<2x32x1024xf32, #tpu.memory_space<vmem>>, vector<16xf32>,
        tpu.vector_store %arg7[%parallel_loop3A_136, %parallel_loop3A_137, %parallel_loop3A_138], %parallel_loop3A_133 {strides = array<i32>} : memref<2x32x1024xf32, #tpu.memory_space<vmem>>, vector<16xf32>,
        %parallel_loop3A_140 = arith.constant 3000 : i32
        %parallel_loop3A_141 = tpu.memref_slice %arg5[%parallel_loop3A_140] : memref<32000xf32, #tpu.memory_space<vmem>> -> memref<1000xf32, #tpu.memory_space<vmem>>
        %parallel_loop3A_142 = tpu.vector_load_idx %parallel_loop3A_141[%parallel_loop3A_112] : memref<1000xf32, #tpu.memory_space<vmem>>[vector<16xi32>], vector<16xf32>,
        %parallel_loop3A_143 = arith.constant 0 : i32
        %parallel_loop3A_144 = arith.constant 3 : i32
        %parallel_loop3A_145 = arith.index_cast %parallel_loop3A_143 : i32 to index
        %parallel_loop3A_146 = arith.index_cast %parallel_loop3A_144 : i32 to index
        %parallel_loop3A_147 = arith.index_cast %parallel_loop3A_108 : i32 to index
        %parallel_loop3A_148 = tpu.vector_load %arg7[%parallel_loop3A_145, %parallel_loop3A_146, %parallel_loop3A_147] {strides = array<i32>} : memref<2x32x1024xf32, #tpu.memory_space<vmem>>, vector<16xf32>,
        tpu.vector_store %arg7[%parallel_loop3A_145, %parallel_loop3A_146, %parallel_loop3A_147], %parallel_loop3A_142 {strides = array<i32>} : memref<2x32x1024xf32, #tpu.memory_space<vmem>>, vector<16xf32>,
        %parallel_loop3A_149 = arith.constant 4000 : i32
        %parallel_loop3A_150 = tpu.memref_slice %arg5[%parallel_loop3A_149] : memref<32000xf32, #tpu.memory_space<vmem>> -> memref<1000xf32, #tpu.memory_space<vmem>>
        %parallel_loop3A_151 = tpu.vector_load_idx %parallel_loop3A_150[%parallel_loop3A_112] : memref<1000xf32, #tpu.memory_space<vmem>>[vector<16xi32>], vector<16xf32>,
        %parallel_loop3A_152 = arith.constant 0 : i32
        %parallel_loop3A_153 = arith.constant 4 : i32
        %parallel_loop3A_154 = arith.index_cast %parallel_loop3A_152 : i32 to index
        %parallel_loop3A_155 = arith.index_cast %parallel_loop3A_153 : i32 to index
        %parallel_loop3A_156 = arith.index_cast %parallel_loop3A_108 : i32 to index
        %parallel_loop3A_157 = tpu.vector_load %arg7[%parallel_loop3A_154, %parallel_loop3A_155, %parallel_loop3A_156] {strides = array<i32>} : memref<2x32x1024xf32, #tpu.memory_space<vmem>>, vector<16xf32>,
        tpu.vector_store %arg7[%parallel_loop3A_154, %parallel_loop3A_155, %parallel_loop3A_156], %parallel_loop3A_151 {strides = array<i32>} : memref<2x32x1024xf32, #tpu.memory_space<vmem>>, vector<16xf32>,
        %parallel_loop3A_158 = arith.constant 5000 : i32
        %parallel_loop3A_159 = tpu.memref_slice %arg5[%parallel_loop3A_158] : memref<32000xf32, #tpu.memory_space<vmem>> -> memref<1000xf32, #tpu.memory_space<vmem>>
        %parallel_loop3A_160 = tpu.vector_load_idx %parallel_loop3A_159[%parallel_loop3A_112] : memref<1000xf32, #tpu.memory_space<vmem>>[vector<16xi32>], vector<16xf32>,
        %parallel_loop3A_161 = arith.constant 0 : i32
        %parallel_loop3A_162 = arith.constant 5 : i32
        %parallel_loop3A_163 = arith.index_cast %parallel_loop3A_161 : i32 to index
        %parallel_loop3A_164 = arith.index_cast %parallel_loop3A_162 : i32 to index
        %parallel_loop3A_165 = arith.index_cast %parallel_loop3A_108 : i32 to index
        %parallel_loop3A_166 = tpu.vector_load %arg7[%parallel_loop3A_163, %parallel_loop3A_164, %parallel_loop3A_165] {strides = array<i32>} : memref<2x32x1024xf32, #tpu.memory_space<vmem>>, vector<16xf32>,
        tpu.vector_store %arg7[%parallel_loop3A_163, %parallel_loop3A_164, %parallel_loop3A_165], %parallel_loop3A_160 {strides = array<i32>} : memref<2x32x1024xf32, #tpu.memory_space<vmem>>, vector<16xf32>,
        %parallel_loop3A_167 = arith.constant 6000 : i32
        %parallel_loop3A_168 = tpu.memref_slice %arg5[%parallel_loop3A_167] : memref<32000xf32, #tpu.memory_space<vmem>> -> memref<1000xf32, #tpu.memory_space<vmem>>
        %parallel_loop3A_169 = tpu.vector_load_idx %parallel_loop3A_168[%parallel_loop3A_112] : memref<1000xf32, #tpu.memory_space<vmem>>[vector<16xi32>], vector<16xf32>,
        %parallel_loop3A_170 = arith.constant 0 : i32
        %parallel_loop3A_171 = arith.constant 6 : i32
        %parallel_loop3A_172 = arith.index_cast %parallel_loop3A_170 : i32 to index
        %parallel_loop3A_173 = arith.index_cast %parallel_loop3A_171 : i32 to index
        %parallel_loop3A_174 = arith.index_cast %parallel_loop3A_108 : i32 to index
        %parallel_loop3A_175 = tpu.vector_load %arg7[%parallel_loop3A_172, %parallel_loop3A_173, %parallel_loop3A_174] {strides = array<i32>} : memref<2x32x1024xf32, #tpu.memory_space<vmem>>, vector<16xf32>,
        tpu.vector_store %arg7[%parallel_loop3A_172, %parallel_loop3A_173, %parallel_loop3A_174], %parallel_loop3A_169 {strides = array<i32>} : memref<2x32x1024xf32, #tpu.memory_space<vmem>>, vector<16xf32>,
        %parallel_loop3A_176 = arith.constant 7000 : i32
        %parallel_loop3A_177 = tpu.memref_slice %arg5[%parallel_loop3A_176] : memref<32000xf32, #tpu.memory_space<vmem>> -> memref<1000xf32, #tpu.memory_space<vmem>>
        %parallel_loop3A_178 = tpu.vector_load_idx %parallel_loop3A_177[%parallel_loop3A_112] : memref<1000xf32, #tpu.memory_space<vmem>>[vector<16xi32>], vector<16xf32>,
        %parallel_loop3A_179 = arith.constant 0 : i32
        %parallel_loop3A_180 = arith.constant 7 : i32
        %parallel_loop3A_181 = arith.index_cast %parallel_loop3A_179 : i32 to index
        %parallel_loop3A_182 = arith.index_cast %parallel_loop3A_180 : i32 to index
        %parallel_loop3A_183 = arith.index_cast %parallel_loop3A_108 : i32 to index
        %parallel_loop3A_184 = tpu.vector_load %arg7[%parallel_loop3A_181, %parallel_loop3A_182, %parallel_loop3A_183] {strides = array<i32>} : memref<2x32x1024xf32, #tpu.memory_space<vmem>>, vector<16xf32>,
        tpu.vector_store %arg7[%parallel_loop3A_181, %parallel_loop3A_182, %parallel_loop3A_183], %parallel_loop3A_178 {strides = array<i32>} : memref<2x32x1024xf32, #tpu.memory_space<vmem>>, vector<16xf32>,
        %parallel_loop3A_185 = arith.constant 8000 : i32
        %parallel_loop3A_186 = tpu.memref_slice %arg5[%parallel_loop3A_185] : memref<32000xf32, #tpu.memory_space<vmem>> -> memref<1000xf32, #tpu.memory_space<vmem>>
        %parallel_loop3A_187 = tpu.vector_load_idx %parallel_loop3A_186[%parallel_loop3A_112] : memref<1000xf32, #tpu.memory_space<vmem>>[vector<16xi32>], vector<16xf32>,
        %parallel_loop3A_188 = arith.constant 0 : i32
        %parallel_loop3A_189 = arith.constant 8 : i32
        %parallel_loop3A_190 = arith.index_cast %parallel_loop3A_188 : i32 to index
        %parallel_loop3A_191 = arith.index_cast %parallel_loop3A_189 : i32 to index
        %parallel_loop3A_192 = arith.index_cast %parallel_loop3A_108 : i32 to index
        %parallel_loop3A_193 = tpu.vector_load %arg7[%parallel_loop3A_190, %parallel_loop3A_191, %parallel_loop3A_192] {strides = array<i32>} : memref<2x32x1024xf32, #tpu.memory_space<vmem>>, vector<16xf32>,
        tpu.vector_store %arg7[%parallel_loop3A_190, %parallel_loop3A_191, %parallel_loop3A_192], %parallel_loop3A_187 {strides = array<i32>} : memref<2x32x1024xf32, #tpu.memory_space<vmem>>, vector<16xf32>,
        %parallel_loop3A_194 = arith.constant 9000 : i32
        %parallel_loop3A_195 = tpu.memref_slice %arg5[%parallel_loop3A_194] : memref<32000xf32, #tpu.memory_space<vmem>> -> memref<1000xf32, #tpu.memory_space<vmem>>
        %parallel_loop3A_196 = tpu.vector_load_idx %parallel_loop3A_195[%parallel_loop3A_112] : memref<1000xf32, #tpu.memory_space<vmem>>[vector<16xi32>], vector<16xf32>,
        %parallel_loop3A_197 = arith.constant 0 : i32
        %parallel_loop3A_198 = arith.constant 9 : i32
        %parallel_loop3A_199 = arith.index_cast %parallel_loop3A_197 : i32 to index
        %parallel_loop3A_200 = arith.index_cast %parallel_loop3A_198 : i32 to index
        %parallel_loop3A_201 = arith.index_cast %parallel_loop3A_108 : i32 to index
        %parallel_loop3A_202 = tpu.vector_load %arg7[%parallel_loop3A_199, %parallel_loop3A_200, %parallel_loop3A_201] {strides = array<i32>} : memref<2x32x1024xf32, #tpu.memory_space<vmem>>, vector<16xf32>,
        tpu.vector_store %arg7[%parallel_loop3A_199, %parallel_loop3A_200, %parallel_loop3A_201], %parallel_loop3A_196 {strides = array<i32>} : memref<2x32x1024xf32, #tpu.memory_space<vmem>>, vector<16xf32>,
        %parallel_loop3A_203 = arith.constant 10000 : i32
        %parallel_loop3A_204 = tpu.memref_slice %arg5[%parallel_loop3A_203] : memref<32000xf32, #tpu.memory_space<vmem>> -> memref<1000xf32, #tpu.memory_space<vmem>>
        %parallel_loop3A_205 = tpu.vector_load_idx %parallel_loop3A_204[%parallel_loop3A_112] : memref<1000xf32, #tpu.memory_space<vmem>>[vector<16xi32>], vector<16xf32>,
        %parallel_loop3A_206 = arith.constant 0 : i32
        %parallel_loop3A_207 = arith.constant 10 : i32
        %parallel_loop3A_208 = arith.index_cast %parallel_loop3A_206 : i32 to index
        %parallel_loop3A_209 = arith.index_cast %parallel_loop3A_207 : i32 to index
        %parallel_loop3A_210 = arith.index_cast %parallel_loop3A_108 : i32 to index
        %parallel_loop3A_211 = tpu.vector_load %arg7[%parallel_loop3A_208, %parallel_loop3A_209, %parallel_loop3A_210] {strides = array<i32>} : memref<2x32x1024xf32, #tpu.memory_space<vmem>>, vector<16xf32>,
        tpu.vector_store %arg7[%parallel_loop3A_208, %parallel_loop3A_209, %parallel_loop3A_210], %parallel_loop3A_205 {strides = array<i32>} : memref<2x32x1024xf32, #tpu.memory_space<vmem>>, vector<16xf32>,
        %parallel_loop3A_212 = arith.constant 11000 : i32
        %parallel_loop3A_213 = tpu.memref_slice %arg5[%parallel_loop3A_212] : memref<32000xf32, #tpu.memory_space<vmem>> -> memref<1000xf32, #tpu.memory_space<vmem>>
        %parallel_loop3A_214 = tpu.vector_load_idx %parallel_loop3A_213[%parallel_loop3A_112] : memref<1000xf32, #tpu.memory_space<vmem>>[vector<16xi32>], vector<16xf32>,
        %parallel_loop3A_215 = arith.constant 0 : i32
        %parallel_loop3A_216 = arith.constant 11 : i32
        %parallel_loop3A_217 = arith.index_cast %parallel_loop3A_215 : i32 to index
        %parallel_loop3A_218 = arith.index_cast %parallel_loop3A_216 : i32 to index
        %parallel_loop3A_219 = arith.index_cast %parallel_loop3A_108 : i32 to index
        %parallel_loop3A_220 = tpu.vector_load %arg7[%parallel_loop3A_217, %parallel_loop3A_218, %parallel_loop3A_219] {strides = array<i32>} : memref<2x32x1024xf32, #tpu.memory_space<vmem>>, vector<16xf32>,
        tpu.vector_store %arg7[%parallel_loop3A_217, %parallel_loop3A_218, %parallel_loop3A_219], %parallel_loop3A_214 {strides = array<i32>} : memref<2x32x1024xf32, #tpu.memory_space<vmem>>, vector<16xf32>,
        %parallel_loop3A_221 = arith.constant 12000 : i32
        %parallel_loop3A_222 = tpu.memref_slice %arg5[%parallel_loop3A_221] : memref<32000xf32, #tpu.memory_space<vmem>> -> memref<1000xf32, #tpu.memory_space<vmem>>
        %parallel_loop3A_223 = tpu.vector_load_idx %parallel_loop3A_222[%parallel_loop3A_112] : memref<1000xf32, #tpu.memory_space<vmem>>[vector<16xi32>], vector<16xf32>,
        %parallel_loop3A_224 = arith.constant 0 : i32
        %parallel_loop3A_225 = arith.constant 12 : i32
        %parallel_loop3A_226 = arith.index_cast %parallel_loop3A_224 : i32 to index
        %parallel_loop3A_227 = arith.index_cast %parallel_loop3A_225 : i32 to index
        %parallel_loop3A_228 = arith.index_cast %parallel_loop3A_108 : i32 to index
        %parallel_loop3A_229 = tpu.vector_load %arg7[%parallel_loop3A_226, %parallel_loop3A_227, %parallel_loop3A_228] {strides = array<i32>} : memref<2x32x1024xf32, #tpu.memory_space<vmem>>, vector<16xf32>,
        tpu.vector_store %arg7[%parallel_loop3A_226, %parallel_loop3A_227, %parallel_loop3A_228], %parallel_loop3A_223 {strides = array<i32>} : memref<2x32x1024xf32, #tpu.memory_space<vmem>>, vector<16xf32>,
        %parallel_loop3A_230 = arith.constant 13000 : i32
        %parallel_loop3A_231 = tpu.memref_slice %arg5[%parallel_loop3A_230] : memref<32000xf32, #tpu.memory_space<vmem>> -> memref<1000xf32, #tpu.memory_space<vmem>>
        %parallel_loop3A_232 = tpu.vector_load_idx %parallel_loop3A_231[%parallel_loop3A_112] : memref<1000xf32, #tpu.memory_space<vmem>>[vector<16xi32>], vector<16xf32>,
        %parallel_loop3A_233 = arith.constant 0 : i32
        %parallel_loop3A_234 = arith.constant 13 : i32
        %parallel_loop3A_235 = arith.index_cast %parallel_loop3A_233 : i32 to index
        %parallel_loop3A_236 = arith.index_cast %parallel_loop3A_234 : i32 to index
        %parallel_loop3A_237 = arith.index_cast %parallel_loop3A_108 : i32 to index
        %parallel_loop3A_238 = tpu.vector_load %arg7[%parallel_loop3A_235, %parallel_loop3A_236, %parallel_loop3A_237] {strides = array<i32>} : memref<2x32x1024xf32, #tpu.memory_space<vmem>>, vector<16xf32>,
        tpu.vector_store %arg7[%parallel_loop3A_235, %parallel_loop3A_236, %parallel_loop3A_237], %parallel_loop3A_232 {strides = array<i32>} : memref<2x32x1024xf32, #tpu.memory_space<vmem>>, vector<16xf32>,
        %parallel_loop3A_239 = arith.constant 14000 : i32
        %parallel_loop3A_240 = tpu.memref_slice %arg5[%parallel_loop3A_239] : memref<32000xf32, #tpu.memory_space<vmem>> -> memref<1000xf32, #tpu.memory_space<vmem>>
        %parallel_loop3A_241 = tpu.vector_load_idx %parallel_loop3A_240[%parallel_loop3A_112] : memref<1000xf32, #tpu.memory_space<vmem>>[vector<16xi32>], vector<16xf32>,
        %parallel_loop3A_242 = arith.constant 0 : i32
        %parallel_loop3A_243 = arith.constant 14 : i32
        %parallel_loop3A_244 = arith.index_cast %parallel_loop3A_242 : i32 to index
        %parallel_loop3A_245 = arith.index_cast %parallel_loop3A_243 : i32 to index
        %parallel_loop3A_246 = arith.index_cast %parallel_loop3A_108 : i32 to index
        %parallel_loop3A_247 = tpu.vector_load %arg7[%parallel_loop3A_244, %parallel_loop3A_245, %parallel_loop3A_246] {strides = array<i32>} : memref<2x32x1024xf32, #tpu.memory_space<vmem>>, vector<16xf32>,
        tpu.vector_store %arg7[%parallel_loop3A_244, %parallel_loop3A_245, %parallel_loop3A_246], %parallel_loop3A_241 {strides = array<i32>} : memref<2x32x1024xf32, #tpu.memory_space<vmem>>, vector<16xf32>,
        %parallel_loop3A_248 = arith.constant 15000 : i32
        %parallel_loop3A_249 = tpu.memref_slice %arg5[%parallel_loop3A_248] : memref<32000xf32, #tpu.memory_space<vmem>> -> memref<1000xf32, #tpu.memory_space<vmem>>
        %parallel_loop3A_250 = tpu.vector_load_idx %parallel_loop3A_249[%parallel_loop3A_112] : memref<1000xf32, #tpu.memory_space<vmem>>[vector<16xi32>], vector<16xf32>,
        %parallel_loop3A_251 = arith.constant 0 : i32
        %parallel_loop3A_252 = arith.constant 15 : i32
        %parallel_loop3A_253 = arith.index_cast %parallel_loop3A_251 : i32 to index
        %parallel_loop3A_254 = arith.index_cast %parallel_loop3A_252 : i32 to index
        %parallel_loop3A_255 = arith.index_cast %parallel_loop3A_108 : i32 to index
        %parallel_loop3A_256 = tpu.vector_load %arg7[%parallel_loop3A_253, %parallel_loop3A_254, %parallel_loop3A_255] {strides = array<i32>} : memref<2x32x1024xf32, #tpu.memory_space<vmem>>, vector<16xf32>,
        tpu.vector_store %arg7[%parallel_loop3A_253, %parallel_loop3A_254, %parallel_loop3A_255], %parallel_loop3A_250 {strides = array<i32>} : memref<2x32x1024xf32, #tpu.memory_space<vmem>>, vector<16xf32>,
        %parallel_loop3A_257 = arith.constant 16000 : i32
        %parallel_loop3A_258 = tpu.memref_slice %arg5[%parallel_loop3A_257] : memref<32000xf32, #tpu.memory_space<vmem>> -> memref<1000xf32, #tpu.memory_space<vmem>>
        %parallel_loop3A_259 = tpu.vector_load_idx %parallel_loop3A_258[%parallel_loop3A_112] : memref<1000xf32, #tpu.memory_space<vmem>>[vector<16xi32>], vector<16xf32>,
        %parallel_loop3A_260 = arith.constant 0 : i32
        %parallel_loop3A_261 = arith.constant 16 : i32
        %parallel_loop3A_262 = arith.index_cast %parallel_loop3A_260 : i32 to index
        %parallel_loop3A_263 = arith.index_cast %parallel_loop3A_261 : i32 to index
        %parallel_loop3A_264 = arith.index_cast %parallel_loop3A_108 : i32 to index
        %parallel_loop3A_265 = tpu.vector_load %arg7[%parallel_loop3A_262, %parallel_loop3A_263, %parallel_loop3A_264] {strides = array<i32>} : memref<2x32x1024xf32, #tpu.memory_space<vmem>>, vector<16xf32>,
        tpu.vector_store %arg7[%parallel_loop3A_262, %parallel_loop3A_263, %parallel_loop3A_264], %parallel_loop3A_259 {strides = array<i32>} : memref<2x32x1024xf32, #tpu.memory_space<vmem>>, vector<16xf32>,
        %parallel_loop3A_266 = arith.constant 17000 : i32
        %parallel_loop3A_267 = tpu.memref_slice %arg5[%parallel_loop3A_266] : memref<32000xf32, #tpu.memory_space<vmem>> -> memref<1000xf32, #tpu.memory_space<vmem>>
        %parallel_loop3A_268 = tpu.vector_load_idx %parallel_loop3A_267[%parallel_loop3A_112] : memref<1000xf32, #tpu.memory_space<vmem>>[vector<16xi32>], vector<16xf32>,
        %parallel_loop3A_269 = arith.constant 0 : i32
        %parallel_loop3A_270 = arith.constant 17 : i32
        %parallel_loop3A_271 = arith.index_cast %parallel_loop3A_269 : i32 to index
        %parallel_loop3A_272 = arith.index_cast %parallel_loop3A_270 : i32 to index
        %parallel_loop3A_273 = arith.index_cast %parallel_loop3A_108 : i32 to index
        %parallel_loop3A_274 = tpu.vector_load %arg7[%parallel_loop3A_271, %parallel_loop3A_272, %parallel_loop3A_273] {strides = array<i32>} : memref<2x32x1024xf32, #tpu.memory_space<vmem>>, vector<16xf32>,
        tpu.vector_store %arg7[%parallel_loop3A_271, %parallel_loop3A_272, %parallel_loop3A_273], %parallel_loop3A_268 {strides = array<i32>} : memref<2x32x1024xf32, #tpu.memory_space<vmem>>, vector<16xf32>,
        %parallel_loop3A_275 = arith.constant 18000 : i32
        %parallel_loop3A_276 = tpu.memref_slice %arg5[%parallel_loop3A_275] : memref<32000xf32, #tpu.memory_space<vmem>> -> memref<1000xf32, #tpu.memory_space<vmem>>
        %parallel_loop3A_277 = tpu.vector_load_idx %parallel_loop3A_276[%parallel_loop3A_112] : memref<1000xf32, #tpu.memory_space<vmem>>[vector<16xi32>], vector<16xf32>,
        %parallel_loop3A_278 = arith.constant 0 : i32
        %parallel_loop3A_279 = arith.constant 18 : i32
        %parallel_loop3A_280 = arith.index_cast %parallel_loop3A_278 : i32 to index
        %parallel_loop3A_281 = arith.index_cast %parallel_loop3A_279 : i32 to index
        %parallel_loop3A_282 = arith.index_cast %parallel_loop3A_108 : i32 to index
        %parallel_loop3A_283 = tpu.vector_load %arg7[%parallel_loop3A_280, %parallel_loop3A_281, %parallel_loop3A_282] {strides = array<i32>} : memref<2x32x1024xf32, #tpu.memory_space<vmem>>, vector<16xf32>,
        tpu.vector_store %arg7[%parallel_loop3A_280, %parallel_loop3A_281, %parallel_loop3A_282], %parallel_loop3A_277 {strides = array<i32>} : memref<2x32x1024xf32, #tpu.memory_space<vmem>>, vector<16xf32>,
        %parallel_loop3A_284 = arith.constant 19000 : i32
        %parallel_loop3A_285 = tpu.memref_slice %arg5[%parallel_loop3A_284] : memref<32000xf32, #tpu.memory_space<vmem>> -> memref<1000xf32, #tpu.memory_space<vmem>>
        %parallel_loop3A_286 = tpu.vector_load_idx %parallel_loop3A_285[%parallel_loop3A_112] : memref<1000xf32, #tpu.memory_space<vmem>>[vector<16xi32>], vector<16xf32>,
        %parallel_loop3A_287 = arith.constant 0 : i32
        %parallel_loop3A_288 = arith.constant 19 : i32
        %parallel_loop3A_289 = arith.index_cast %parallel_loop3A_287 : i32 to index
        %parallel_loop3A_290 = arith.index_cast %parallel_loop3A_288 : i32 to index
        %parallel_loop3A_291 = arith.index_cast %parallel_loop3A_108 : i32 to index
        %parallel_loop3A_292 = tpu.vector_load %arg7[%parallel_loop3A_289, %parallel_loop3A_290, %parallel_loop3A_291] {strides = array<i32>} : memref<2x32x1024xf32, #tpu.memory_space<vmem>>, vector<16xf32>,
        tpu.vector_store %arg7[%parallel_loop3A_289, %parallel_loop3A_290, %parallel_loop3A_291], %parallel_loop3A_286 {strides = array<i32>} : memref<2x32x1024xf32, #tpu.memory_space<vmem>>, vector<16xf32>,
        %parallel_loop3A_293 = arith.constant 20000 : i32
        %parallel_loop3A_294 = tpu.memref_slice %arg5[%parallel_loop3A_293] : memref<32000xf32, #tpu.memory_space<vmem>> -> memref<1000xf32, #tpu.memory_space<vmem>>
        %parallel_loop3A_295 = tpu.vector_load_idx %parallel_loop3A_294[%parallel_loop3A_112] : memref<1000xf32, #tpu.memory_space<vmem>>[vector<16xi32>], vector<16xf32>,
        %parallel_loop3A_296 = arith.constant 0 : i32
        %parallel_loop3A_297 = arith.constant 20 : i32
        %parallel_loop3A_298 = arith.index_cast %parallel_loop3A_296 : i32 to index
        %parallel_loop3A_299 = arith.index_cast %parallel_loop3A_297 : i32 to index
        %parallel_loop3A_300 = arith.index_cast %parallel_loop3A_108 : i32 to index
        %parallel_loop3A_301 = tpu.vector_load %arg7[%parallel_loop3A_298, %parallel_loop3A_299, %parallel_loop3A_300] {strides = array<i32>} : memref<2x32x1024xf32, #tpu.memory_space<vmem>>, vector<16xf32>,
        tpu.vector_store %arg7[%parallel_loop3A_298, %parallel_loop3A_299, %parallel_loop3A_300], %parallel_loop3A_295 {strides = array<i32>} : memref<2x32x1024xf32, #tpu.memory_space<vmem>>, vector<16xf32>,
        %parallel_loop3A_302 = arith.constant 21000 : i32
        %parallel_loop3A_303 = tpu.memref_slice %arg5[%parallel_loop3A_302] : memref<32000xf32, #tpu.memory_space<vmem>> -> memref<1000xf32, #tpu.memory_space<vmem>>
        %parallel_loop3A_304 = tpu.vector_load_idx %parallel_loop3A_303[%parallel_loop3A_112] : memref<1000xf32, #tpu.memory_space<vmem>>[vector<16xi32>], vector<16xf32>,
        %parallel_loop3A_305 = arith.constant 0 : i32
        %parallel_loop3A_306 = arith.constant 21 : i32
        %parallel_loop3A_307 = arith.index_cast %parallel_loop3A_305 : i32 to index
        %parallel_loop3A_308 = arith.index_cast %parallel_loop3A_306 : i32 to index
        %parallel_loop3A_309 = arith.index_cast %parallel_loop3A_108 : i32 to index
        %parallel_loop3A_310 = tpu.vector_load %arg7[%parallel_loop3A_307, %parallel_loop3A_308, %parallel_loop3A_309] {strides = array<i32>} : memref<2x32x1024xf32, #tpu.memory_space<vmem>>, vector<16xf32>,
        tpu.vector_store %arg7[%parallel_loop3A_307, %parallel_loop3A_308, %parallel_loop3A_309], %parallel_loop3A_304 {strides = array<i32>} : memref<2x32x1024xf32, #tpu.memory_space<vmem>>, vector<16xf32>,
        %parallel_loop3A_311 = arith.constant 22000 : i32
        %parallel_loop3A_312 = tpu.memref_slice %arg5[%parallel_loop3A_311] : memref<32000xf32, #tpu.memory_space<vmem>> -> memref<1000xf32, #tpu.memory_space<vmem>>
        %parallel_loop3A_313 = tpu.vector_load_idx %parallel_loop3A_312[%parallel_loop3A_112] : memref<1000xf32, #tpu.memory_space<vmem>>[vector<16xi32>], vector<16xf32>,
        %parallel_loop3A_314 = arith.constant 0 : i32
        %parallel_loop3A_315 = arith.constant 22 : i32
        %parallel_loop3A_316 = arith.index_cast %parallel_loop3A_314 : i32 to index
        %parallel_loop3A_317 = arith.index_cast %parallel_loop3A_315 : i32 to index
        %parallel_loop3A_318 = arith.index_cast %parallel_loop3A_108 : i32 to index
        %parallel_loop3A_319 = tpu.vector_load %arg7[%parallel_loop3A_316, %parallel_loop3A_317, %parallel_loop3A_318] {strides = array<i32>} : memref<2x32x1024xf32, #tpu.memory_space<vmem>>, vector<16xf32>,
        tpu.vector_store %arg7[%parallel_loop3A_316, %parallel_loop3A_317, %parallel_loop3A_318], %parallel_loop3A_313 {strides = array<i32>} : memref<2x32x1024xf32, #tpu.memory_space<vmem>>, vector<16xf32>,
        %parallel_loop3A_320 = arith.constant 23000 : i32
        %parallel_loop3A_321 = tpu.memref_slice %arg5[%parallel_loop3A_320] : memref<32000xf32, #tpu.memory_space<vmem>> -> memref<1000xf32, #tpu.memory_space<vmem>>
        %parallel_loop3A_322 = tpu.vector_load_idx %parallel_loop3A_321[%parallel_loop3A_112] : memref<1000xf32, #tpu.memory_space<vmem>>[vector<16xi32>], vector<16xf32>,
        %parallel_loop3A_323 = arith.constant 0 : i32
        %parallel_loop3A_324 = arith.constant 23 : i32
        %parallel_loop3A_325 = arith.index_cast %parallel_loop3A_323 : i32 to index
        %parallel_loop3A_326 = arith.index_cast %parallel_loop3A_324 : i32 to index
        %parallel_loop3A_327 = arith.index_cast %parallel_loop3A_108 : i32 to index
        %parallel_loop3A_328 = tpu.vector_load %arg7[%parallel_loop3A_325, %parallel_loop3A_326, %parallel_loop3A_327] {strides = array<i32>} : memref<2x32x1024xf32, #tpu.memory_space<vmem>>, vector<16xf32>,
        tpu.vector_store %arg7[%parallel_loop3A_325, %parallel_loop3A_326, %parallel_loop3A_327], %parallel_loop3A_322 {strides = array<i32>} : memref<2x32x1024xf32, #tpu.memory_space<vmem>>, vector<16xf32>,
        %parallel_loop3A_329 = arith.constant 24000 : i32
        %parallel_loop3A_330 = tpu.memref_slice %arg5[%parallel_loop3A_329] : memref<32000xf32, #tpu.memory_space<vmem>> -> memref<1000xf32, #tpu.memory_space<vmem>>
        %parallel_loop3A_331 = tpu.vector_load_idx %parallel_loop3A_330[%parallel_loop3A_112] : memref<1000xf32, #tpu.memory_space<vmem>>[vector<16xi32>], vector<16xf32>,
        %parallel_loop3A_332 = arith.constant 0 : i32
        %parallel_loop3A_333 = arith.constant 24 : i32
        %parallel_loop3A_334 = arith.index_cast %parallel_loop3A_332 : i32 to index
        %parallel_loop3A_335 = arith.index_cast %parallel_loop3A_333 : i32 to index
        %parallel_loop3A_336 = arith.index_cast %parallel_loop3A_108 : i32 to index
        %parallel_loop3A_337 = tpu.vector_load %arg7[%parallel_loop3A_334, %parallel_loop3A_335, %parallel_loop3A_336] {strides = array<i32>} : memref<2x32x1024xf32, #tpu.memory_space<vmem>>, vector<16xf32>,
        tpu.vector_store %arg7[%parallel_loop3A_334, %parallel_loop3A_335, %parallel_loop3A_336], %parallel_loop3A_331 {strides = array<i32>} : memref<2x32x1024xf32, #tpu.memory_space<vmem>>, vector<16xf32>,
        %parallel_loop3A_338 = arith.constant 25000 : i32
        %parallel_loop3A_339 = tpu.memref_slice %arg5[%parallel_loop3A_338] : memref<32000xf32, #tpu.memory_space<vmem>> -> memref<1000xf32, #tpu.memory_space<vmem>>
        %parallel_loop3A_340 = tpu.vector_load_idx %parallel_loop3A_339[%parallel_loop3A_112] : memref<1000xf32, #tpu.memory_space<vmem>>[vector<16xi32>], vector<16xf32>,
        %parallel_loop3A_341 = arith.constant 0 : i32
        %parallel_loop3A_342 = arith.constant 25 : i32
        %parallel_loop3A_343 = arith.index_cast %parallel_loop3A_341 : i32 to index
        %parallel_loop3A_344 = arith.index_cast %parallel_loop3A_342 : i32 to index
        %parallel_loop3A_345 = arith.index_cast %parallel_loop3A_108 : i32 to index
        %parallel_loop3A_346 = tpu.vector_load %arg7[%parallel_loop3A_343, %parallel_loop3A_344, %parallel_loop3A_345] {strides = array<i32>} : memref<2x32x1024xf32, #tpu.memory_space<vmem>>, vector<16xf32>,
        tpu.vector_store %arg7[%parallel_loop3A_343, %parallel_loop3A_344, %parallel_loop3A_345], %parallel_loop3A_340 {strides = array<i32>} : memref<2x32x1024xf32, #tpu.memory_space<vmem>>, vector<16xf32>,
        %parallel_loop3A_347 = arith.constant 26000 : i32
        %parallel_loop3A_348 = tpu.memref_slice %arg5[%parallel_loop3A_347] : memref<32000xf32, #tpu.memory_space<vmem>> -> memref<1000xf32, #tpu.memory_space<vmem>>
        %parallel_loop3A_349 = tpu.vector_load_idx %parallel_loop3A_348[%parallel_loop3A_112] : memref<1000xf32, #tpu.memory_space<vmem>>[vector<16xi32>], vector<16xf32>,
        %parallel_loop3A_350 = arith.constant 0 : i32
        %parallel_loop3A_351 = arith.constant 26 : i32
        %parallel_loop3A_352 = arith.index_cast %parallel_loop3A_350 : i32 to index
        %parallel_loop3A_353 = arith.index_cast %parallel_loop3A_351 : i32 to index
        %parallel_loop3A_354 = arith.index_cast %parallel_loop3A_108 : i32 to index
        %parallel_loop3A_355 = tpu.vector_load %arg7[%parallel_loop3A_352, %parallel_loop3A_353, %parallel_loop3A_354] {strides = array<i32>} : memref<2x32x1024xf32, #tpu.memory_space<vmem>>, vector<16xf32>,
        tpu.vector_store %arg7[%parallel_loop3A_352, %parallel_loop3A_353, %parallel_loop3A_354], %parallel_loop3A_349 {strides = array<i32>} : memref<2x32x1024xf32, #tpu.memory_space<vmem>>, vector<16xf32>,
        %parallel_loop3A_356 = arith.constant 27000 : i32
        %parallel_loop3A_357 = tpu.memref_slice %arg5[%parallel_loop3A_356] : memref<32000xf32, #tpu.memory_space<vmem>> -> memref<1000xf32, #tpu.memory_space<vmem>>
        %parallel_loop3A_358 = tpu.vector_load_idx %parallel_loop3A_357[%parallel_loop3A_112] : memref<1000xf32, #tpu.memory_space<vmem>>[vector<16xi32>], vector<16xf32>,
        %parallel_loop3A_359 = arith.constant 0 : i32
        %parallel_loop3A_360 = arith.constant 27 : i32
        %parallel_loop3A_361 = arith.index_cast %parallel_loop3A_359 : i32 to index
        %parallel_loop3A_362 = arith.index_cast %parallel_loop3A_360 : i32 to index
        %parallel_loop3A_363 = arith.index_cast %parallel_loop3A_108 : i32 to index
        %parallel_loop3A_364 = tpu.vector_load %arg7[%parallel_loop3A_361, %parallel_loop3A_362, %parallel_loop3A_363] {strides = array<i32>} : memref<2x32x1024xf32, #tpu.memory_space<vmem>>, vector<16xf32>,
        tpu.vector_store %arg7[%parallel_loop3A_361, %parallel_loop3A_362, %parallel_loop3A_363], %parallel_loop3A_358 {strides = array<i32>} : memref<2x32x1024xf32, #tpu.memory_space<vmem>>, vector<16xf32>,
        %parallel_loop3A_365 = arith.constant 28000 : i32
        %parallel_loop3A_366 = tpu.memref_slice %arg5[%parallel_loop3A_365] : memref<32000xf32, #tpu.memory_space<vmem>> -> memref<1000xf32, #tpu.memory_space<vmem>>
        %parallel_loop3A_367 = tpu.vector_load_idx %parallel_loop3A_366[%parallel_loop3A_112] : memref<1000xf32, #tpu.memory_space<vmem>>[vector<16xi32>], vector<16xf32>,
        %parallel_loop3A_368 = arith.constant 0 : i32
        %parallel_loop3A_369 = arith.constant 28 : i32
        %parallel_loop3A_370 = arith.index_cast %parallel_loop3A_368 : i32 to index
        %parallel_loop3A_371 = arith.index_cast %parallel_loop3A_369 : i32 to index
        %parallel_loop3A_372 = arith.index_cast %parallel_loop3A_108 : i32 to index
        %parallel_loop3A_373 = tpu.vector_load %arg7[%parallel_loop3A_370, %parallel_loop3A_371, %parallel_loop3A_372] {strides = array<i32>} : memref<2x32x1024xf32, #tpu.memory_space<vmem>>, vector<16xf32>,
        tpu.vector_store %arg7[%parallel_loop3A_370, %parallel_loop3A_371, %parallel_loop3A_372], %parallel_loop3A_367 {strides = array<i32>} : memref<2x32x1024xf32, #tpu.memory_space<vmem>>, vector<16xf32>,
        %parallel_loop3A_374 = arith.constant 29000 : i32
        %parallel_loop3A_375 = tpu.memref_slice %arg5[%parallel_loop3A_374] : memref<32000xf32, #tpu.memory_space<vmem>> -> memref<1000xf32, #tpu.memory_space<vmem>>
        %parallel_loop3A_376 = tpu.vector_load_idx %parallel_loop3A_375[%parallel_loop3A_112] : memref<1000xf32, #tpu.memory_space<vmem>>[vector<16xi32>], vector<16xf32>,
        %parallel_loop3A_377 = arith.constant 0 : i32
        %parallel_loop3A_378 = arith.constant 29 : i32
        %parallel_loop3A_379 = arith.index_cast %parallel_loop3A_377 : i32 to index
        %parallel_loop3A_380 = arith.index_cast %parallel_loop3A_378 : i32 to index
        %parallel_loop3A_381 = arith.index_cast %parallel_loop3A_108 : i32 to index
        %parallel_loop3A_382 = tpu.vector_load %arg7[%parallel_loop3A_379, %parallel_loop3A_380, %parallel_loop3A_381] {strides = array<i32>} : memref<2x32x1024xf32, #tpu.memory_space<vmem>>, vector<16xf32>,
        tpu.vector_store %arg7[%parallel_loop3A_379, %parallel_loop3A_380, %parallel_loop3A_381], %parallel_loop3A_376 {strides = array<i32>} : memref<2x32x1024xf32, #tpu.memory_space<vmem>>, vector<16xf32>,
        %parallel_loop3A_383 = arith.constant 30000 : i32
        %parallel_loop3A_384 = tpu.memref_slice %arg5[%parallel_loop3A_383] : memref<32000xf32, #tpu.memory_space<vmem>> -> memref<1000xf32, #tpu.memory_space<vmem>>
        %parallel_loop3A_385 = tpu.vector_load_idx %parallel_loop3A_384[%parallel_loop3A_112] : memref<1000xf32, #tpu.memory_space<vmem>>[vector<16xi32>], vector<16xf32>,
        %parallel_loop3A_386 = arith.constant 0 : i32
        %parallel_loop3A_387 = arith.constant 30 : i32
        %parallel_loop3A_388 = arith.index_cast %parallel_loop3A_386 : i32 to index
        %parallel_loop3A_389 = arith.index_cast %parallel_loop3A_387 : i32 to index
        %parallel_loop3A_390 = arith.index_cast %parallel_loop3A_108 : i32 to index
        %parallel_loop3A_391 = tpu.vector_load %arg7[%parallel_loop3A_388, %parallel_loop3A_389, %parallel_loop3A_390] {strides = array<i32>} : memref<2x32x1024xf32, #tpu.memory_space<vmem>>, vector<16xf32>,
        tpu.vector_store %arg7[%parallel_loop3A_388, %parallel_loop3A_389, %parallel_loop3A_390], %parallel_loop3A_385 {strides = array<i32>} : memref<2x32x1024xf32, #tpu.memory_space<vmem>>, vector<16xf32>,
        %parallel_loop3A_392 = arith.constant 31000 : i32
        %parallel_loop3A_393 = tpu.memref_slice %arg5[%parallel_loop3A_392] : memref<32000xf32, #tpu.memory_space<vmem>> -> memref<1000xf32, #tpu.memory_space<vmem>>
        %parallel_loop3A_394 = tpu.vector_load_idx %parallel_loop3A_393[%parallel_loop3A_112] : memref<1000xf32, #tpu.memory_space<vmem>>[vector<16xi32>], vector<16xf32>,
        %parallel_loop3A_395 = arith.constant 0 : i32
        %parallel_loop3A_396 = arith.constant 31 : i32
        %parallel_loop3A_397 = arith.index_cast %parallel_loop3A_395 : i32 to index
        %parallel_loop3A_398 = arith.index_cast %parallel_loop3A_396 : i32 to index
        %parallel_loop3A_399 = arith.index_cast %parallel_loop3A_108 : i32 to index
        %parallel_loop3A_400 = tpu.vector_load %arg7[%parallel_loop3A_397, %parallel_loop3A_398, %parallel_loop3A_399] {strides = array<i32>} : memref<2x32x1024xf32, #tpu.memory_space<vmem>>, vector<16xf32>,
        tpu.vector_store %arg7[%parallel_loop3A_397, %parallel_loop3A_398, %parallel_loop3A_399], %parallel_loop3A_394 {strides = array<i32>} : memref<2x32x1024xf32, #tpu.memory_space<vmem>>, vector<16xf32>,
      } {sc.loop_unroll_factor = 2 : i64, sc.parallel_access}
      %convert_element_type3A_67 = arith.extui %eq3A_1 : i1 to i32
      %cond3A_68 = arith.constant 0 : i32
      %cond3A_69 = arith.cmpi ne, %convert_element_type3A_67, %cond3A_68 : i32
      scf.if %cond3A_69 {
        %add3A_106 = arith.constant 24 : i32
        %add3A_107 = arith.addi %select_n3A, %add3A_106 : i32
        %dma_start3A_108 = arith.constant 0 : i32
        %dma_start3A_109 = arith.constant 24 : i32
        %dma_start3A_110 = arith.constant 0 : i32
        %dma_start3A_111 = tpu.memref_slice %arg7[%dma_start3A_108, %dma_start3A_109, %dma_start3A_110] : memref<2x32x1024xf32, #tpu.memory_space<vmem>> -> memref<1x8x1024xf32, #tpu.memory_space<vmem>>
        %dma_start3A_112 = tpu.memref_squeeze %dma_start3A_111 : memref<1x8x1024xf32, #tpu.memory_space<vmem>> -> memref<8x1024xf32, #tpu.memory_space<vmem>>
        %dma_start3A_113 = arith.constant 0 : i32
        %dma_start3A_114 = tpu.memref_slice %arg4[%add3A_48, %add3A_107, %dma_start3A_113] : memref<50x1000x1024xf32, #tpu.memory_space<hbm>> -> memref<1x8x1024xf32, #tpu.memory_space<hbm>>
        %dma_start3A_115 = tpu.memref_squeeze %dma_start3A_114 : memref<1x8x1024xf32, #tpu.memory_space<hbm>> -> memref<8x1024xf32, #tpu.memory_space<hbm>>
        %dma_start3A_116 = arith.constant 0 : i32
        %dma_start3A_117 = tpu.memref_slice %arg4[%add3A_48, %add3A_107, %dma_start3A_116] : memref<50x1000x1024xf32, #tpu.memory_space<hbm>> -> memref<1x8x1024xf32, #tpu.memory_space<hbm>>
        %dma_start3A_118 = tpu.memref_squeeze %dma_start3A_117 : memref<1x8x1024xf32, #tpu.memory_space<hbm>> -> memref<8x1024xf32, #tpu.memory_space<hbm>>
        %dma_start3A_119 = arith.constant 24 : i32
        %dma_start3A_120 = arith.constant 0 : i32
        %dma_start3A_121 = tpu.memref_slice %arg7[%dma_start3A_108, %dma_start3A_119, %dma_start3A_120] : memref<2x32x1024xf32, #tpu.memory_space<vmem>> -> memref<1x8x1024xf32, #tpu.memory_space<vmem>>
        %dma_start3A_122 = tpu.memref_squeeze %dma_start3A_121 : memref<1x8x1024xf32, #tpu.memory_space<vmem>> -> memref<8x1024xf32, #tpu.memory_space<vmem>>
        tpu.enqueue_dma source(%dma_start3A_122 : memref<8x1024xf32, #tpu.memory_space<vmem>>) target(%dma_start3A_118 : memref<8x1024xf32, #tpu.memory_space<hbm>>) target_semaphore(%arg10 : memref<!tpu.dma_semaphore, #tpu.memory_space<semaphore_mem>>)
      } else {
      }
      %not3A_70 = arith.constant true
      %not3A_71 = arith.xori %eq3A_1, %not3A_70 : i1
      %convert_element_type3A_72 = arith.extui %not3A_71 : i1 to i32
      %cond3A_73 = arith.constant 0 : i32
      %cond3A_74 = arith.cmpi ne, %convert_element_type3A_72, %cond3A_73 : i32
      scf.if %cond3A_74 {
        %add3A_106 = arith.constant 0 : i32
        %add3A_107 = arith.addi %select_n3A, %add3A_106 : i32
        %dma_start3A_108 = arith.constant 0 : i32
        %dma_start3A_109 = arith.constant 0 : i32
        %dma_start3A_110 = arith.constant 0 : i32
        %dma_start3A_111 = tpu.memref_slice %arg7[%dma_start3A_108, %dma_start3A_109, %dma_start3A_110] : memref<2x32x1024xf32, #tpu.memory_space<vmem>> -> memref<1x32x1024xf32, #tpu.memory_space<vmem>>
        %dma_start3A_112 = tpu.memref_squeeze %dma_start3A_111 : memref<1x32x1024xf32, #tpu.memory_space<vmem>> -> memref<32x1024xf32, #tpu.memory_space<vmem>>
        %dma_start3A_113 = arith.constant 0 : i32
        %dma_start3A_114 = tpu.memref_slice %arg4[%add3A_48, %add3A_107, %dma_start3A_113] : memref<50x1000x1024xf32, #tpu.memory_space<hbm>> -> memref<1x32x1024xf32, #tpu.memory_space<hbm>>
        %dma_start3A_115 = tpu.memref_squeeze %dma_start3A_114 : memref<1x32x1024xf32, #tpu.memory_space<hbm>> -> memref<32x1024xf32, #tpu.memory_space<hbm>>
        %dma_start3A_116 = arith.constant 0 : i32
        %dma_start3A_117 = tpu.memref_slice %arg4[%add3A_48, %add3A_107, %dma_start3A_116] : memref<50x1000x1024xf32, #tpu.memory_space<hbm>> -> memref<1x32x1024xf32, #tpu.memory_space<hbm>>
        %dma_start3A_118 = tpu.memref_squeeze %dma_start3A_117 : memref<1x32x1024xf32, #tpu.memory_space<hbm>> -> memref<32x1024xf32, #tpu.memory_space<hbm>>
        %dma_start3A_119 = arith.constant 0 : i32
        %dma_start3A_120 = arith.constant 0 : i32
        %dma_start3A_121 = tpu.memref_slice %arg7[%dma_start3A_108, %dma_start3A_119, %dma_start3A_120] : memref<2x32x1024xf32, #tpu.memory_space<vmem>> -> memref<1x32x1024xf32, #tpu.memory_space<vmem>>
        %dma_start3A_122 = tpu.memref_squeeze %dma_start3A_121 : memref<1x32x1024xf32, #tpu.memory_space<vmem>> -> memref<32x1024xf32, #tpu.memory_space<vmem>>
        tpu.enqueue_dma source(%dma_start3A_122 : memref<32x1024xf32, #tpu.memory_space<vmem>>) target(%dma_start3A_118 : memref<32x1024xf32, #tpu.memory_space<hbm>>) target_semaphore(%arg10 : memref<!tpu.dma_semaphore, #tpu.memory_space<semaphore_mem>>)
      } else {
      }
      %add3A_75 = arith.constant 1 : i32
      %add3A_76 = arith.addi %mul3A_46, %add3A_75 : i32
      %rem3A_77 = arith.constant 8 : i32
      %rem3A_78 = arith.remsi %add3A_76, %rem3A_77 : i32
      %eq3A_79 = arith.constant 0 : i32
      %eq3A_80 = arith.cmpi eq, %rem3A_78, %eq3A_79 : i32
      %convert_element_type3A_81 = arith.extui %eq3A_80 : i1 to i32
      %cond3A_82 = arith.constant 0 : i32
      %cond3A_83 = arith.cmpi ne, %convert_element_type3A_81, %cond3A_82 : i32
      scf.if %cond3A_83 {
        %div3A_106 = arith.constant 8 : i32
        %div3A_107 = arith.divsi %add3A_76, %div3A_106 : i32
        %add3A_108 = arith.constant 1 : i32
        %add3A_109 = arith.addi %div3A_107, %add3A_108 : i32
        %lt3A = arith.constant 7 : i32
        %lt3A_110 = arith.cmpi slt, %add3A_109, %lt3A : i32
        %convert_element_type3A_111 = arith.extui %lt3A_110 : i1 to i32
        %cond3A_112 = arith.constant 0 : i32
        %cond3A_113 = arith.cmpi ne, %convert_element_type3A_111, %cond3A_112 : i32
        scf.if %cond3A_113 {
          %add3A_126 = arith.constant 1 : i32
          %add3A_127 = arith.addi %div3A_107, %add3A_126 : i32
          %rem3A_128 = arith.constant 2 : i32
          %rem3A_129 = arith.remsi %add3A_127, %rem3A_128 : i32
          %lt3A_130 = arith.constant 6 : i32
          %lt3A_131 = arith.cmpi slt, %add3A_127, %lt3A_130 : i32
          %convert_element_type3A_132 = arith.extui %lt3A_131 : i1 to i32
          %cond3A_133 = arith.constant 0 : i32
          %cond3A_134 = arith.cmpi ne, %convert_element_type3A_132, %cond3A_133 : i32
          scf.if %cond3A_134 {
            %mul3A_140 = arith.constant 8 : i32
            %mul3A_141 = arith.muli %add3A_127, %mul3A_140 : i32
            %dma_start3A_142 = arith.constant 0 : i32
            %dma_start3A_143 = arith.constant 0 : i32
            %dma_start3A_144 = tpu.memref_slice %arg6[%rem3A_129, %dma_start3A_142, %dma_start3A_143] : memref<2x8x1024xi32, #tpu.memory_space<vmem>> -> memref<1x8x1024xi32, #tpu.memory_space<vmem>>
            %dma_start3A_145 = tpu.memref_squeeze %dma_start3A_144 : memref<1x8x1024xi32, #tpu.memory_space<vmem>> -> memref<8x1024xi32, #tpu.memory_space<vmem>>
            %dma_start3A_146 = arith.constant 0 : i32
            %dma_start3A_147 = tpu.memref_slice %arg2[%mul3A_141, %dma_start3A_146] : memref<50x1024xi32, #tpu.memory_space<hbm>> -> memref<8x1024xi32, #tpu.memory_space<hbm>>
            %dma_start3A_148 = tpu.memref_slice %arg9[%rem3A_129] : memref<2x!tpu.dma_semaphore, #tpu.memory_space<semaphore_mem>> -> memref<1x!tpu.dma_semaphore, #tpu.memory_space<semaphore_mem>>
            %dma_start3A_149 = tpu.memref_squeeze %dma_start3A_148 : memref<1x!tpu.dma_semaphore, #tpu.memory_space<semaphore_mem>> -> memref<!tpu.dma_semaphore, #tpu.memory_space<semaphore_mem>>
            %dma_start3A_150 = arith.constant 0 : i32
            %dma_start3A_151 = arith.constant 0 : i32
            %dma_start3A_152 = tpu.memref_slice %arg6[%rem3A_129, %dma_start3A_150, %dma_start3A_151] : memref<2x8x1024xi32, #tpu.memory_space<vmem>> -> memref<1x8x1024xi32, #tpu.memory_space<vmem>>
            %dma_start3A_153 = tpu.memref_squeeze %dma_start3A_152 : memref<1x8x1024xi32, #tpu.memory_space<vmem>> -> memref<8x1024xi32, #tpu.memory_space<vmem>>
            %dma_start3A_154 = arith.constant 0 : i32
            %dma_start3A_155 = tpu.memref_slice %arg2[%mul3A_141, %dma_start3A_154] : memref<50x1024xi32, #tpu.memory_space<hbm>> -> memref<8x1024xi32, #tpu.memory_space<hbm>>
            tpu.enqueue_dma source(%dma_start3A_155 : memref<8x1024xi32, #tpu.memory_space<hbm>>) target(%dma_start3A_153 : memref<8x1024xi32, #tpu.memory_space<vmem>>) target_semaphore(%dma_start3A_149 : memref<!tpu.dma_semaphore, #tpu.memory_space<semaphore_mem>>)
          } else {
          }
          %eq3A_135 = arith.constant 6 : i32
          %eq3A_136 = arith.cmpi eq, %add3A_127, %eq3A_135 : i32
          %convert_element_type3A_137 = arith.extui %eq3A_136 : i1 to i32
          %cond3A_138 = arith.constant 0 : i32
          %cond3A_139 = arith.cmpi ne, %convert_element_type3A_137, %cond3A_138 : i32
          scf.if %cond3A_139 {
            %mul3A_140 = arith.constant 8 : i32
            %mul3A_141 = arith.muli %add3A_127, %mul3A_140 : i32
            %dma_start3A_142 = arith.constant 0 : i32
            %dma_start3A_143 = arith.constant 0 : i32
            %dma_start3A_144 = tpu.memref_slice %arg6[%rem3A_129, %dma_start3A_142, %dma_start3A_143] : memref<2x8x1024xi32, #tpu.memory_space<vmem>> -> memref<1x2x1024xi32, #tpu.memory_space<vmem>>
            %dma_start3A_145 = tpu.memref_squeeze %dma_start3A_144 : memref<1x2x1024xi32, #tpu.memory_space<vmem>> -> memref<2x1024xi32, #tpu.memory_space<vmem>>
            %dma_start3A_146 = arith.constant 0 : i32
            %dma_start3A_147 = tpu.memref_slice %arg2[%mul3A_141, %dma_start3A_146] : memref<50x1024xi32, #tpu.memory_space<hbm>> -> memref<2x1024xi32, #tpu.memory_space<hbm>>
            %dma_start3A_148 = tpu.memref_slice %arg9[%rem3A_129] : memref<2x!tpu.dma_semaphore, #tpu.memory_space<semaphore_mem>> -> memref<1x!tpu.dma_semaphore, #tpu.memory_space<semaphore_mem>>
            %dma_start3A_149 = tpu.memref_squeeze %dma_start3A_148 : memref<1x!tpu.dma_semaphore, #tpu.memory_space<semaphore_mem>> -> memref<!tpu.dma_semaphore, #tpu.memory_space<semaphore_mem>>
            %dma_start3A_150 = arith.constant 0 : i32
            %dma_start3A_151 = arith.constant 0 : i32
            %dma_start3A_152 = tpu.memref_slice %arg6[%rem3A_129, %dma_start3A_150, %dma_start3A_151] : memref<2x8x1024xi32, #tpu.memory_space<vmem>> -> memref<1x2x1024xi32, #tpu.memory_space<vmem>>
            %dma_start3A_153 = tpu.memref_squeeze %dma_start3A_152 : memref<1x2x1024xi32, #tpu.memory_space<vmem>> -> memref<2x1024xi32, #tpu.memory_space<vmem>>
            %dma_start3A_154 = arith.constant 0 : i32
            %dma_start3A_155 = tpu.memref_slice %arg2[%mul3A_141, %dma_start3A_154] : memref<50x1024xi32, #tpu.memory_space<hbm>> -> memref<2x1024xi32, #tpu.memory_space<hbm>>
            tpu.enqueue_dma source(%dma_start3A_155 : memref<2x1024xi32, #tpu.memory_space<hbm>>) target(%dma_start3A_153 : memref<2x1024xi32, #tpu.memory_space<vmem>>) target_semaphore(%dma_start3A_149 : memref<!tpu.dma_semaphore, #tpu.memory_space<semaphore_mem>>)
          } else {
          }
        } else {
        }
        %rem3A_114 = arith.constant 2 : i32
        %rem3A_115 = arith.remsi %div3A_107, %rem3A_114 : i32
        %lt3A_116 = arith.constant 6 : i32
        %lt3A_117 = arith.cmpi slt, %div3A_107, %lt3A_116 : i32
        %convert_element_type3A_118 = arith.extui %lt3A_117 : i1 to i32
        %cond3A_119 = arith.constant 0 : i32
        %cond3A_120 = arith.cmpi ne, %convert_element_type3A_118, %cond3A_119 : i32
        scf.if %cond3A_120 {
          %mul3A_126 = arith.constant 8 : i32
          %mul3A_127 = arith.muli %div3A_107, %mul3A_126 : i32
          %dma_wait3A_128 = arith.constant 0 : i32
          %dma_wait3A_129 = arith.constant 0 : i32
          %dma_wait3A_130 = tpu.memref_slice %arg6[%rem3A_115, %dma_wait3A_128, %dma_wait3A_129] : memref<2x8x1024xi32, #tpu.memory_space<vmem>> -> memref<1x8x1024xi32, #tpu.memory_space<vmem>>
          %dma_wait3A_131 = tpu.memref_squeeze %dma_wait3A_130 : memref<1x8x1024xi32, #tpu.memory_space<vmem>> -> memref<8x1024xi32, #tpu.memory_space<vmem>>
          %dma_wait3A_132 = arith.constant 0 : i32
          %dma_wait3A_133 = tpu.memref_slice %arg2[%mul3A_127, %dma_wait3A_132] : memref<50x1024xi32, #tpu.memory_space<hbm>> -> memref<8x1024xi32, #tpu.memory_space<hbm>>
          %dma_wait3A_134 = tpu.memref_slice %arg9[%rem3A_115] : memref<2x!tpu.dma_semaphore, #tpu.memory_space<semaphore_mem>> -> memref<1x!tpu.dma_semaphore, #tpu.memory_space<semaphore_mem>>
          %dma_wait3A_135 = tpu.memref_squeeze %dma_wait3A_134 : memref<1x!tpu.dma_semaphore, #tpu.memory_space<semaphore_mem>> -> memref<!tpu.dma_semaphore, #tpu.memory_space<semaphore_mem>>
          %dma_wait3A_136 = arith.constant 0 : i32
          %dma_wait3A_137 = arith.constant 0 : i32
          %dma_wait3A_138 = tpu.memref_slice %arg6[%rem3A_115, %dma_wait3A_136, %dma_wait3A_137] : memref<2x8x1024xi32, #tpu.memory_space<vmem>> -> memref<1x8x1024xi32, #tpu.memory_space<vmem>>
          %dma_wait3A_139 = tpu.memref_squeeze %dma_wait3A_138 : memref<1x8x1024xi32, #tpu.memory_space<vmem>> -> memref<8x1024xi32, #tpu.memory_space<vmem>>
          %dma_wait3A_140 = arith.constant 0 : i32
          %dma_wait3A_141 = tpu.memref_slice %arg2[%mul3A_127, %dma_wait3A_140] : memref<50x1024xi32, #tpu.memory_space<hbm>> -> memref<8x1024xi32, #tpu.memory_space<hbm>>
          tpu.wait_dma2 semaphore(%dma_wait3A_135 : memref<!tpu.dma_semaphore, #tpu.memory_space<semaphore_mem>>) src(%dma_wait3A_141 : memref<8x1024xi32, #tpu.memory_space<hbm>>) dst(%dma_wait3A_139 : memref<8x1024xi32, #tpu.memory_space<vmem>>)
        } else {
        }
        %eq3A_121 = arith.constant 6 : i32
        %eq3A_122 = arith.cmpi eq, %div3A_107, %eq3A_121 : i32
        %convert_element_type3A_123 = arith.extui %eq3A_122 : i1 to i32
        %cond3A_124 = arith.constant 0 : i32
        %cond3A_125 = arith.cmpi ne, %convert_element_type3A_123, %cond3A_124 : i32
        scf.if %cond3A_125 {
          %mul3A_126 = arith.constant 8 : i32
          %mul3A_127 = arith.muli %div3A_107, %mul3A_126 : i32
          %dma_wait3A_128 = arith.constant 0 : i32
          %dma_wait3A_129 = arith.constant 0 : i32
          %dma_wait3A_130 = tpu.memref_slice %arg6[%rem3A_115, %dma_wait3A_128, %dma_wait3A_129] : memref<2x8x1024xi32, #tpu.memory_space<vmem>> -> memref<1x2x1024xi32, #tpu.memory_space<vmem>>
          %dma_wait3A_131 = tpu.memref_squeeze %dma_wait3A_130 : memref<1x2x1024xi32, #tpu.memory_space<vmem>> -> memref<2x1024xi32, #tpu.memory_space<vmem>>
          %dma_wait3A_132 = arith.constant 0 : i32
          %dma_wait3A_133 = tpu.memref_slice %arg2[%mul3A_127, %dma_wait3A_132] : memref<50x1024xi32, #tpu.memory_space<hbm>> -> memref<2x1024xi32, #tpu.memory_space<hbm>>
          %dma_wait3A_134 = tpu.memref_slice %arg9[%rem3A_115] : memref<2x!tpu.dma_semaphore, #tpu.memory_space<semaphore_mem>> -> memref<1x!tpu.dma_semaphore, #tpu.memory_space<semaphore_mem>>
          %dma_wait3A_135 = tpu.memref_squeeze %dma_wait3A_134 : memref<1x!tpu.dma_semaphore, #tpu.memory_space<semaphore_mem>> -> memref<!tpu.dma_semaphore, #tpu.memory_space<semaphore_mem>>
          %dma_wait3A_136 = arith.constant 0 : i32
          %dma_wait3A_137 = arith.constant 0 : i32
          %dma_wait3A_138 = tpu.memref_slice %arg6[%rem3A_115, %dma_wait3A_136, %dma_wait3A_137] : memref<2x8x1024xi32, #tpu.memory_space<vmem>> -> memref<1x2x1024xi32, #tpu.memory_space<vmem>>
          %dma_wait3A_139 = tpu.memref_squeeze %dma_wait3A_138 : memref<1x2x1024xi32, #tpu.memory_space<vmem>> -> memref<2x1024xi32, #tpu.memory_space<vmem>>
          %dma_wait3A_140 = arith.constant 0 : i32
          %dma_wait3A_141 = tpu.memref_slice %arg2[%mul3A_127, %dma_wait3A_140] : memref<50x1024xi32, #tpu.memory_space<hbm>> -> memref<2x1024xi32, #tpu.memory_space<hbm>>
          tpu.wait_dma2 semaphore(%dma_wait3A_135 : memref<!tpu.dma_semaphore, #tpu.memory_space<semaphore_mem>>) src(%dma_wait3A_141 : memref<2x1024xi32, #tpu.memory_space<hbm>>) dst(%dma_wait3A_139 : memref<2x1024xi32, #tpu.memory_space<vmem>>)
        } else {
        }
      } else {
      }
      %ge3A_84 = arith.constant 2 : i32
      %ge3A_85 = arith.cmpi sge, %add3A_76, %ge3A_84 : i32
      %convert_element_type3A_86 = arith.extui %ge3A_85 : i1 to i32
      %cond3A_87 = arith.constant 0 : i32
      %cond3A_88 = arith.cmpi ne, %convert_element_type3A_86, %cond3A_87 : i32
      scf.if %cond3A_88 {
        %sub3A = arith.constant 2 : i32
        %sub3A_106 = arith.subi %add3A_76, %sub3A : i32
        %convert_element_type3A_107 = arith.extui %eq3A_1 : i1 to i32
        %cond3A_108 = arith.constant 0 : i32
        %cond3A_109 = arith.cmpi ne, %convert_element_type3A_107, %cond3A_108 : i32
        scf.if %cond3A_109 {
          %add3A_115 = arith.constant 24 : i32
          %add3A_116 = arith.addi %select_n3A, %add3A_115 : i32
          %dma_wait3A_117 = arith.constant 1 : i32
          %dma_wait3A_118 = arith.constant 24 : i32
          %dma_wait3A_119 = arith.constant 0 : i32
          %dma_wait3A_120 = tpu.memref_slice %arg7[%dma_wait3A_117, %dma_wait3A_118, %dma_wait3A_119] : memref<2x32x1024xf32, #tpu.memory_space<vmem>> -> memref<1x8x1024xf32, #tpu.memory_space<vmem>>
          %dma_wait3A_121 = tpu.memref_squeeze %dma_wait3A_120 : memref<1x8x1024xf32, #tpu.memory_space<vmem>> -> memref<8x1024xf32, #tpu.memory_space<vmem>>
          %dma_wait3A_122 = arith.constant 0 : i32
          %dma_wait3A_123 = tpu.memref_slice %arg4[%sub3A_106, %add3A_116, %dma_wait3A_122] : memref<50x1000x1024xf32, #tpu.memory_space<hbm>> -> memref<1x8x1024xf32, #tpu.memory_space<hbm>>
          %dma_wait3A_124 = tpu.memref_squeeze %dma_wait3A_123 : memref<1x8x1024xf32, #tpu.memory_space<hbm>> -> memref<8x1024xf32, #tpu.memory_space<hbm>>
          %dma_wait3A_125 = arith.constant 0 : i32
          %dma_wait3A_126 = tpu.memref_slice %arg4[%sub3A_106, %add3A_116, %dma_wait3A_125] : memref<50x1000x1024xf32, #tpu.memory_space<hbm>> -> memref<1x8x1024xf32, #tpu.memory_space<hbm>>
          %dma_wait3A_127 = tpu.memref_squeeze %dma_wait3A_126 : memref<1x8x1024xf32, #tpu.memory_space<hbm>> -> memref<8x1024xf32, #tpu.memory_space<hbm>>
          %dma_wait3A_128 = arith.constant 24 : i32
          %dma_wait3A_129 = arith.constant 0 : i32
          %dma_wait3A_130 = tpu.memref_slice %arg7[%dma_wait3A_117, %dma_wait3A_128, %dma_wait3A_129] : memref<2x32x1024xf32, #tpu.memory_space<vmem>> -> memref<1x8x1024xf32, #tpu.memory_space<vmem>>
          %dma_wait3A_131 = tpu.memref_squeeze %dma_wait3A_130 : memref<1x8x1024xf32, #tpu.memory_space<vmem>> -> memref<8x1024xf32, #tpu.memory_space<vmem>>
          tpu.wait_dma2 semaphore(%arg11 : memref<!tpu.dma_semaphore, #tpu.memory_space<semaphore_mem>>) src(%dma_wait3A_131 : memref<8x1024xf32, #tpu.memory_space<vmem>>) dst(%dma_wait3A_127 : memref<8x1024xf32, #tpu.memory_space<hbm>>)
        } else {
        }
        %not3A_110 = arith.constant true
        %not3A_111 = arith.xori %eq3A_1, %not3A_110 : i1
        %convert_element_type3A_112 = arith.extui %not3A_111 : i1 to i32
        %cond3A_113 = arith.constant 0 : i32
        %cond3A_114 = arith.cmpi ne, %convert_element_type3A_112, %cond3A_113 : i32
        scf.if %cond3A_114 {
          %add3A_115 = arith.constant 0 : i32
          %add3A_116 = arith.addi %select_n3A, %add3A_115 : i32
          %dma_wait3A_117 = arith.constant 1 : i32
          %dma_wait3A_118 = arith.constant 0 : i32
          %dma_wait3A_119 = arith.constant 0 : i32
          %dma_wait3A_120 = tpu.memref_slice %arg7[%dma_wait3A_117, %dma_wait3A_118, %dma_wait3A_119] : memref<2x32x1024xf32, #tpu.memory_space<vmem>> -> memref<1x32x1024xf32, #tpu.memory_space<vmem>>
          %dma_wait3A_121 = tpu.memref_squeeze %dma_wait3A_120 : memref<1x32x1024xf32, #tpu.memory_space<vmem>> -> memref<32x1024xf32, #tpu.memory_space<vmem>>
          %dma_wait3A_122 = arith.constant 0 : i32
          %dma_wait3A_123 = tpu.memref_slice %arg4[%sub3A_106, %add3A_116, %dma_wait3A_122] : memref<50x1000x1024xf32, #tpu.memory_space<hbm>> -> memref<1x32x1024xf32, #tpu.memory_space<hbm>>
          %dma_wait3A_124 = tpu.memref_squeeze %dma_wait3A_123 : memref<1x32x1024xf32, #tpu.memory_space<hbm>> -> memref<32x1024xf32, #tpu.memory_space<hbm>>
          %dma_wait3A_125 = arith.constant 0 : i32
          %dma_wait3A_126 = tpu.memref_slice %arg4[%sub3A_106, %add3A_116, %dma_wait3A_125] : memref<50x1000x1024xf32, #tpu.memory_space<hbm>> -> memref<1x32x1024xf32, #tpu.memory_space<hbm>>
          %dma_wait3A_127 = tpu.memref_squeeze %dma_wait3A_126 : memref<1x32x1024xf32, #tpu.memory_space<hbm>> -> memref<32x1024xf32, #tpu.memory_space<hbm>>
          %dma_wait3A_128 = arith.constant 0 : i32
          %dma_wait3A_129 = arith.constant 0 : i32
          %dma_wait3A_130 = tpu.memref_slice %arg7[%dma_wait3A_117, %dma_wait3A_128, %dma_wait3A_129] : memref<2x32x1024xf32, #tpu.memory_space<vmem>> -> memref<1x32x1024xf32, #tpu.memory_space<vmem>>
          %dma_wait3A_131 = tpu.memref_squeeze %dma_wait3A_130 : memref<1x32x1024xf32, #tpu.memory_space<vmem>> -> memref<32x1024xf32, #tpu.memory_space<vmem>>
          tpu.wait_dma2 semaphore(%arg11 : memref<!tpu.dma_semaphore, #tpu.memory_space<semaphore_mem>>) src(%dma_wait3A_131 : memref<32x1024xf32, #tpu.memory_space<vmem>>) dst(%dma_wait3A_127 : memref<32x1024xf32, #tpu.memory_space<hbm>>)
        } else {
        }
      } else {
      }
      %div3A_89 = arith.constant 8 : i32
      %div3A_90 = arith.divsi %add3A_76, %div3A_89 : i32
      %rem3A_91 = arith.constant 2 : i32
      %rem3A_92 = arith.remsi %div3A_90, %rem3A_91 : i32
      %rem3A_93 = arith.constant 8 : i32
      %rem3A_94 = arith.remsi %add3A_76, %rem3A_93 : i32
      %parallel_loop3A_95 = arith.constant 0 : i32
      %parallel_loop3A_96 = arith.constant 64 : i32
      %parallel_loop3A_97 = arith.constant 1 : i32
      scf.for %parallel_loop3A_106 = %parallel_loop3A_95 to %parallel_loop3A_96 step %parallel_loop3A_97  : i32 {
        %parallel_loop3A_107 = arith.constant 16 : i32
        %parallel_loop3A_108 = arith.muli %parallel_loop3A_106, %parallel_loop3A_107 : i32
        %parallel_loop3A_109 = arith.index_cast %rem3A_92 : i32 to index
        %parallel_loop3A_110 = arith.index_cast %rem3A_94 : i32 to index
        %parallel_loop3A_111 = arith.index_cast %parallel_loop3A_108 : i32 to index
        %parallel_loop3A_112 = tpu.vector_load %arg6[%parallel_loop3A_109, %parallel_loop3A_110, %parallel_loop3A_111] {strides = array<i32>} : memref<2x8x1024xi32, #tpu.memory_space<vmem>>, vector<16xi32>,
        %parallel_loop3A_113 = arith.constant 0 : i32
        %parallel_loop3A_114 = tpu.memref_slice %arg5[%parallel_loop3A_113] : memref<32000xf32, #tpu.memory_space<vmem>> -> memref<1000xf32, #tpu.memory_space<vmem>>
        %parallel_loop3A_115 = tpu.vector_load_idx %parallel_loop3A_114[%parallel_loop3A_112] : memref<1000xf32, #tpu.memory_space<vmem>>[vector<16xi32>], vector<16xf32>,
        %parallel_loop3A_116 = arith.constant 1 : i32
        %parallel_loop3A_117 = arith.constant 0 : i32
        %parallel_loop3A_118 = arith.index_cast %parallel_loop3A_116 : i32 to index
        %parallel_loop3A_119 = arith.index_cast %parallel_loop3A_117 : i32 to index
        %parallel_loop3A_120 = arith.index_cast %parallel_loop3A_108 : i32 to index
        %parallel_loop3A_121 = tpu.vector_load %arg7[%parallel_loop3A_118, %parallel_loop3A_119, %parallel_loop3A_120] {strides = array<i32>} : memref<2x32x1024xf32, #tpu.memory_space<vmem>>, vector<16xf32>,
        tpu.vector_store %arg7[%parallel_loop3A_118, %parallel_loop3A_119, %parallel_loop3A_120], %parallel_loop3A_115 {strides = array<i32>} : memref<2x32x1024xf32, #tpu.memory_space<vmem>>, vector<16xf32>,
        %parallel_loop3A_122 = arith.constant 1000 : i32
        %parallel_loop3A_123 = tpu.memref_slice %arg5[%parallel_loop3A_122] : memref<32000xf32, #tpu.memory_space<vmem>> -> memref<1000xf32, #tpu.memory_space<vmem>>
        %parallel_loop3A_124 = tpu.vector_load_idx %parallel_loop3A_123[%parallel_loop3A_112] : memref<1000xf32, #tpu.memory_space<vmem>>[vector<16xi32>], vector<16xf32>,
        %parallel_loop3A_125 = arith.constant 1 : i32
        %parallel_loop3A_126 = arith.constant 1 : i32
        %parallel_loop3A_127 = arith.index_cast %parallel_loop3A_125 : i32 to index
        %parallel_loop3A_128 = arith.index_cast %parallel_loop3A_126 : i32 to index
        %parallel_loop3A_129 = arith.index_cast %parallel_loop3A_108 : i32 to index
        %parallel_loop3A_130 = tpu.vector_load %arg7[%parallel_loop3A_127, %parallel_loop3A_128, %parallel_loop3A_129] {strides = array<i32>} : memref<2x32x1024xf32, #tpu.memory_space<vmem>>, vector<16xf32>,
        tpu.vector_store %arg7[%parallel_loop3A_127, %parallel_loop3A_128, %parallel_loop3A_129], %parallel_loop3A_124 {strides = array<i32>} : memref<2x32x1024xf32, #tpu.memory_space<vmem>>, vector<16xf32>,
        %parallel_loop3A_131 = arith.constant 2000 : i32
        %parallel_loop3A_132 = tpu.memref_slice %arg5[%parallel_loop3A_131] : memref<32000xf32, #tpu.memory_space<vmem>> -> memref<1000xf32, #tpu.memory_space<vmem>>
        %parallel_loop3A_133 = tpu.vector_load_idx %parallel_loop3A_132[%parallel_loop3A_112] : memref<1000xf32, #tpu.memory_space<vmem>>[vector<16xi32>], vector<16xf32>,
        %parallel_loop3A_134 = arith.constant 1 : i32
        %parallel_loop3A_135 = arith.constant 2 : i32
        %parallel_loop3A_136 = arith.index_cast %parallel_loop3A_134 : i32 to index
        %parallel_loop3A_137 = arith.index_cast %parallel_loop3A_135 : i32 to index
        %parallel_loop3A_138 = arith.index_cast %parallel_loop3A_108 : i32 to index
        %parallel_loop3A_139 = tpu.vector_load %arg7[%parallel_loop3A_136, %parallel_loop3A_137, %parallel_loop3A_138] {strides = array<i32>} : memref<2x32x1024xf32, #tpu.memory_space<vmem>>, vector<16xf32>,
        tpu.vector_store %arg7[%parallel_loop3A_136, %parallel_loop3A_137, %parallel_loop3A_138], %parallel_loop3A_133 {strides = array<i32>} : memref<2x32x1024xf32, #tpu.memory_space<vmem>>, vector<16xf32>,
        %parallel_loop3A_140 = arith.constant 3000 : i32
        %parallel_loop3A_141 = tpu.memref_slice %arg5[%parallel_loop3A_140] : memref<32000xf32, #tpu.memory_space<vmem>> -> memref<1000xf32, #tpu.memory_space<vmem>>
        %parallel_loop3A_142 = tpu.vector_load_idx %parallel_loop3A_141[%parallel_loop3A_112] : memref<1000xf32, #tpu.memory_space<vmem>>[vector<16xi32>], vector<16xf32>,
        %parallel_loop3A_143 = arith.constant 1 : i32
        %parallel_loop3A_144 = arith.constant 3 : i32
        %parallel_loop3A_145 = arith.index_cast %parallel_loop3A_143 : i32 to index
        %parallel_loop3A_146 = arith.index_cast %parallel_loop3A_144 : i32 to index
        %parallel_loop3A_147 = arith.index_cast %parallel_loop3A_108 : i32 to index
        %parallel_loop3A_148 = tpu.vector_load %arg7[%parallel_loop3A_145, %parallel_loop3A_146, %parallel_loop3A_147] {strides = array<i32>} : memref<2x32x1024xf32, #tpu.memory_space<vmem>>, vector<16xf32>,
        tpu.vector_store %arg7[%parallel_loop3A_145, %parallel_loop3A_146, %parallel_loop3A_147], %parallel_loop3A_142 {strides = array<i32>} : memref<2x32x1024xf32, #tpu.memory_space<vmem>>, vector<16xf32>,
        %parallel_loop3A_149 = arith.constant 4000 : i32
        %parallel_loop3A_150 = tpu.memref_slice %arg5[%parallel_loop3A_149] : memref<32000xf32, #tpu.memory_space<vmem>> -> memref<1000xf32, #tpu.memory_space<vmem>>
        %parallel_loop3A_151 = tpu.vector_load_idx %parallel_loop3A_150[%parallel_loop3A_112] : memref<1000xf32, #tpu.memory_space<vmem>>[vector<16xi32>], vector<16xf32>,
        %parallel_loop3A_152 = arith.constant 1 : i32
        %parallel_loop3A_153 = arith.constant 4 : i32
        %parallel_loop3A_154 = arith.index_cast %parallel_loop3A_152 : i32 to index
        %parallel_loop3A_155 = arith.index_cast %parallel_loop3A_153 : i32 to index
        %parallel_loop3A_156 = arith.index_cast %parallel_loop3A_108 : i32 to index
        %parallel_loop3A_157 = tpu.vector_load %arg7[%parallel_loop3A_154, %parallel_loop3A_155, %parallel_loop3A_156] {strides = array<i32>} : memref<2x32x1024xf32, #tpu.memory_space<vmem>>, vector<16xf32>,
        tpu.vector_store %arg7[%parallel_loop3A_154, %parallel_loop3A_155, %parallel_loop3A_156], %parallel_loop3A_151 {strides = array<i32>} : memref<2x32x1024xf32, #tpu.memory_space<vmem>>, vector<16xf32>,
        %parallel_loop3A_158 = arith.constant 5000 : i32
        %parallel_loop3A_159 = tpu.memref_slice %arg5[%parallel_loop3A_158] : memref<32000xf32, #tpu.memory_space<vmem>> -> memref<1000xf32, #tpu.memory_space<vmem>>
        %parallel_loop3A_160 = tpu.vector_load_idx %parallel_loop3A_159[%parallel_loop3A_112] : memref<1000xf32, #tpu.memory_space<vmem>>[vector<16xi32>], vector<16xf32>,
        %parallel_loop3A_161 = arith.constant 1 : i32
        %parallel_loop3A_162 = arith.constant 5 : i32
        %parallel_loop3A_163 = arith.index_cast %parallel_loop3A_161 : i32 to index
        %parallel_loop3A_164 = arith.index_cast %parallel_loop3A_162 : i32 to index
        %parallel_loop3A_165 = arith.index_cast %parallel_loop3A_108 : i32 to index
        %parallel_loop3A_166 = tpu.vector_load %arg7[%parallel_loop3A_163, %parallel_loop3A_164, %parallel_loop3A_165] {strides = array<i32>} : memref<2x32x1024xf32, #tpu.memory_space<vmem>>, vector<16xf32>,
        tpu.vector_store %arg7[%parallel_loop3A_163, %parallel_loop3A_164, %parallel_loop3A_165], %parallel_loop3A_160 {strides = array<i32>} : memref<2x32x1024xf32, #tpu.memory_space<vmem>>, vector<16xf32>,
        %parallel_loop3A_167 = arith.constant 6000 : i32
        %parallel_loop3A_168 = tpu.memref_slice %arg5[%parallel_loop3A_167] : memref<32000xf32, #tpu.memory_space<vmem>> -> memref<1000xf32, #tpu.memory_space<vmem>>
        %parallel_loop3A_169 = tpu.vector_load_idx %parallel_loop3A_168[%parallel_loop3A_112] : memref<1000xf32, #tpu.memory_space<vmem>>[vector<16xi32>], vector<16xf32>,
        %parallel_loop3A_170 = arith.constant 1 : i32
        %parallel_loop3A_171 = arith.constant 6 : i32
        %parallel_loop3A_172 = arith.index_cast %parallel_loop3A_170 : i32 to index
        %parallel_loop3A_173 = arith.index_cast %parallel_loop3A_171 : i32 to index
        %parallel_loop3A_174 = arith.index_cast %parallel_loop3A_108 : i32 to index
        %parallel_loop3A_175 = tpu.vector_load %arg7[%parallel_loop3A_172, %parallel_loop3A_173, %parallel_loop3A_174] {strides = array<i32>} : memref<2x32x1024xf32, #tpu.memory_space<vmem>>, vector<16xf32>,
        tpu.vector_store %arg7[%parallel_loop3A_172, %parallel_loop3A_173, %parallel_loop3A_174], %parallel_loop3A_169 {strides = array<i32>} : memref<2x32x1024xf32, #tpu.memory_space<vmem>>, vector<16xf32>,
        %parallel_loop3A_176 = arith.constant 7000 : i32
        %parallel_loop3A_177 = tpu.memref_slice %arg5[%parallel_loop3A_176] : memref<32000xf32, #tpu.memory_space<vmem>> -> memref<1000xf32, #tpu.memory_space<vmem>>
        %parallel_loop3A_178 = tpu.vector_load_idx %parallel_loop3A_177[%parallel_loop3A_112] : memref<1000xf32, #tpu.memory_space<vmem>>[vector<16xi32>], vector<16xf32>,
        %parallel_loop3A_179 = arith.constant 1 : i32
        %parallel_loop3A_180 = arith.constant 7 : i32
        %parallel_loop3A_181 = arith.index_cast %parallel_loop3A_179 : i32 to index
        %parallel_loop3A_182 = arith.index_cast %parallel_loop3A_180 : i32 to index
        %parallel_loop3A_183 = arith.index_cast %parallel_loop3A_108 : i32 to index
        %parallel_loop3A_184 = tpu.vector_load %arg7[%parallel_loop3A_181, %parallel_loop3A_182, %parallel_loop3A_183] {strides = array<i32>} : memref<2x32x1024xf32, #tpu.memory_space<vmem>>, vector<16xf32>,
        tpu.vector_store %arg7[%parallel_loop3A_181, %parallel_loop3A_182, %parallel_loop3A_183], %parallel_loop3A_178 {strides = array<i32>} : memref<2x32x1024xf32, #tpu.memory_space<vmem>>, vector<16xf32>,
        %parallel_loop3A_185 = arith.constant 8000 : i32
        %parallel_loop3A_186 = tpu.memref_slice %arg5[%parallel_loop3A_185] : memref<32000xf32, #tpu.memory_space<vmem>> -> memref<1000xf32, #tpu.memory_space<vmem>>
        %parallel_loop3A_187 = tpu.vector_load_idx %parallel_loop3A_186[%parallel_loop3A_112] : memref<1000xf32, #tpu.memory_space<vmem>>[vector<16xi32>], vector<16xf32>,
        %parallel_loop3A_188 = arith.constant 1 : i32
        %parallel_loop3A_189 = arith.constant 8 : i32
        %parallel_loop3A_190 = arith.index_cast %parallel_loop3A_188 : i32 to index
        %parallel_loop3A_191 = arith.index_cast %parallel_loop3A_189 : i32 to index
        %parallel_loop3A_192 = arith.index_cast %parallel_loop3A_108 : i32 to index
        %parallel_loop3A_193 = tpu.vector_load %arg7[%parallel_loop3A_190, %parallel_loop3A_191, %parallel_loop3A_192] {strides = array<i32>} : memref<2x32x1024xf32, #tpu.memory_space<vmem>>, vector<16xf32>,
        tpu.vector_store %arg7[%parallel_loop3A_190, %parallel_loop3A_191, %parallel_loop3A_192], %parallel_loop3A_187 {strides = array<i32>} : memref<2x32x1024xf32, #tpu.memory_space<vmem>>, vector<16xf32>,
        %parallel_loop3A_194 = arith.constant 9000 : i32
        %parallel_loop3A_195 = tpu.memref_slice %arg5[%parallel_loop3A_194] : memref<32000xf32, #tpu.memory_space<vmem>> -> memref<1000xf32, #tpu.memory_space<vmem>>
        %parallel_loop3A_196 = tpu.vector_load_idx %parallel_loop3A_195[%parallel_loop3A_112] : memref<1000xf32, #tpu.memory_space<vmem>>[vector<16xi32>], vector<16xf32>,
        %parallel_loop3A_197 = arith.constant 1 : i32
        %parallel_loop3A_198 = arith.constant 9 : i32
        %parallel_loop3A_199 = arith.index_cast %parallel_loop3A_197 : i32 to index
        %parallel_loop3A_200 = arith.index_cast %parallel_loop3A_198 : i32 to index
        %parallel_loop3A_201 = arith.index_cast %parallel_loop3A_108 : i32 to index
        %parallel_loop3A_202 = tpu.vector_load %arg7[%parallel_loop3A_199, %parallel_loop3A_200, %parallel_loop3A_201] {strides = array<i32>} : memref<2x32x1024xf32, #tpu.memory_space<vmem>>, vector<16xf32>,
        tpu.vector_store %arg7[%parallel_loop3A_199, %parallel_loop3A_200, %parallel_loop3A_201], %parallel_loop3A_196 {strides = array<i32>} : memref<2x32x1024xf32, #tpu.memory_space<vmem>>, vector<16xf32>,
        %parallel_loop3A_203 = arith.constant 10000 : i32
        %parallel_loop3A_204 = tpu.memref_slice %arg5[%parallel_loop3A_203] : memref<32000xf32, #tpu.memory_space<vmem>> -> memref<1000xf32, #tpu.memory_space<vmem>>
        %parallel_loop3A_205 = tpu.vector_load_idx %parallel_loop3A_204[%parallel_loop3A_112] : memref<1000xf32, #tpu.memory_space<vmem>>[vector<16xi32>], vector<16xf32>,
        %parallel_loop3A_206 = arith.constant 1 : i32
        %parallel_loop3A_207 = arith.constant 10 : i32
        %parallel_loop3A_208 = arith.index_cast %parallel_loop3A_206 : i32 to index
        %parallel_loop3A_209 = arith.index_cast %parallel_loop3A_207 : i32 to index
        %parallel_loop3A_210 = arith.index_cast %parallel_loop3A_108 : i32 to index
        %parallel_loop3A_211 = tpu.vector_load %arg7[%parallel_loop3A_208, %parallel_loop3A_209, %parallel_loop3A_210] {strides = array<i32>} : memref<2x32x1024xf32, #tpu.memory_space<vmem>>, vector<16xf32>,
        tpu.vector_store %arg7[%parallel_loop3A_208, %parallel_loop3A_209, %parallel_loop3A_210], %parallel_loop3A_205 {strides = array<i32>} : memref<2x32x1024xf32, #tpu.memory_space<vmem>>, vector<16xf32>,
        %parallel_loop3A_212 = arith.constant 11000 : i32
        %parallel_loop3A_213 = tpu.memref_slice %arg5[%parallel_loop3A_212] : memref<32000xf32, #tpu.memory_space<vmem>> -> memref<1000xf32, #tpu.memory_space<vmem>>
        %parallel_loop3A_214 = tpu.vector_load_idx %parallel_loop3A_213[%parallel_loop3A_112] : memref<1000xf32, #tpu.memory_space<vmem>>[vector<16xi32>], vector<16xf32>,
        %parallel_loop3A_215 = arith.constant 1 : i32
        %parallel_loop3A_216 = arith.constant 11 : i32
        %parallel_loop3A_217 = arith.index_cast %parallel_loop3A_215 : i32 to index
        %parallel_loop3A_218 = arith.index_cast %parallel_loop3A_216 : i32 to index
        %parallel_loop3A_219 = arith.index_cast %parallel_loop3A_108 : i32 to index
        %parallel_loop3A_220 = tpu.vector_load %arg7[%parallel_loop3A_217, %parallel_loop3A_218, %parallel_loop3A_219] {strides = array<i32>} : memref<2x32x1024xf32, #tpu.memory_space<vmem>>, vector<16xf32>,
        tpu.vector_store %arg7[%parallel_loop3A_217, %parallel_loop3A_218, %parallel_loop3A_219], %parallel_loop3A_214 {strides = array<i32>} : memref<2x32x1024xf32, #tpu.memory_space<vmem>>, vector<16xf32>,
        %parallel_loop3A_221 = arith.constant 12000 : i32
        %parallel_loop3A_222 = tpu.memref_slice %arg5[%parallel_loop3A_221] : memref<32000xf32, #tpu.memory_space<vmem>> -> memref<1000xf32, #tpu.memory_space<vmem>>
        %parallel_loop3A_223 = tpu.vector_load_idx %parallel_loop3A_222[%parallel_loop3A_112] : memref<1000xf32, #tpu.memory_space<vmem>>[vector<16xi32>], vector<16xf32>,
        %parallel_loop3A_224 = arith.constant 1 : i32
        %parallel_loop3A_225 = arith.constant 12 : i32
        %parallel_loop3A_226 = arith.index_cast %parallel_loop3A_224 : i32 to index
        %parallel_loop3A_227 = arith.index_cast %parallel_loop3A_225 : i32 to index
        %parallel_loop3A_228 = arith.index_cast %parallel_loop3A_108 : i32 to index
        %parallel_loop3A_229 = tpu.vector_load %arg7[%parallel_loop3A_226, %parallel_loop3A_227, %parallel_loop3A_228] {strides = array<i32>} : memref<2x32x1024xf32, #tpu.memory_space<vmem>>, vector<16xf32>,
        tpu.vector_store %arg7[%parallel_loop3A_226, %parallel_loop3A_227, %parallel_loop3A_228], %parallel_loop3A_223 {strides = array<i32>} : memref<2x32x1024xf32, #tpu.memory_space<vmem>>, vector<16xf32>,
        %parallel_loop3A_230 = arith.constant 13000 : i32
        %parallel_loop3A_231 = tpu.memref_slice %arg5[%parallel_loop3A_230] : memref<32000xf32, #tpu.memory_space<vmem>> -> memref<1000xf32, #tpu.memory_space<vmem>>
        %parallel_loop3A_232 = tpu.vector_load_idx %parallel_loop3A_231[%parallel_loop3A_112] : memref<1000xf32, #tpu.memory_space<vmem>>[vector<16xi32>], vector<16xf32>,
        %parallel_loop3A_233 = arith.constant 1 : i32
        %parallel_loop3A_234 = arith.constant 13 : i32
        %parallel_loop3A_235 = arith.index_cast %parallel_loop3A_233 : i32 to index
        %parallel_loop3A_236 = arith.index_cast %parallel_loop3A_234 : i32 to index
        %parallel_loop3A_237 = arith.index_cast %parallel_loop3A_108 : i32 to index
        %parallel_loop3A_238 = tpu.vector_load %arg7[%parallel_loop3A_235, %parallel_loop3A_236, %parallel_loop3A_237] {strides = array<i32>} : memref<2x32x1024xf32, #tpu.memory_space<vmem>>, vector<16xf32>,
        tpu.vector_store %arg7[%parallel_loop3A_235, %parallel_loop3A_236, %parallel_loop3A_237], %parallel_loop3A_232 {strides = array<i32>} : memref<2x32x1024xf32, #tpu.memory_space<vmem>>, vector<16xf32>,
        %parallel_loop3A_239 = arith.constant 14000 : i32
        %parallel_loop3A_240 = tpu.memref_slice %arg5[%parallel_loop3A_239] : memref<32000xf32, #tpu.memory_space<vmem>> -> memref<1000xf32, #tpu.memory_space<vmem>>
        %parallel_loop3A_241 = tpu.vector_load_idx %parallel_loop3A_240[%parallel_loop3A_112] : memref<1000xf32, #tpu.memory_space<vmem>>[vector<16xi32>], vector<16xf32>,
        %parallel_loop3A_242 = arith.constant 1 : i32
        %parallel_loop3A_243 = arith.constant 14 : i32
        %parallel_loop3A_244 = arith.index_cast %parallel_loop3A_242 : i32 to index
        %parallel_loop3A_245 = arith.index_cast %parallel_loop3A_243 : i32 to index
        %parallel_loop3A_246 = arith.index_cast %parallel_loop3A_108 : i32 to index
        %parallel_loop3A_247 = tpu.vector_load %arg7[%parallel_loop3A_244, %parallel_loop3A_245, %parallel_loop3A_246] {strides = array<i32>} : memref<2x32x1024xf32, #tpu.memory_space<vmem>>, vector<16xf32>,
        tpu.vector_store %arg7[%parallel_loop3A_244, %parallel_loop3A_245, %parallel_loop3A_246], %parallel_loop3A_241 {strides = array<i32>} : memref<2x32x1024xf32, #tpu.memory_space<vmem>>, vector<16xf32>,
        %parallel_loop3A_248 = arith.constant 15000 : i32
        %parallel_loop3A_249 = tpu.memref_slice %arg5[%parallel_loop3A_248] : memref<32000xf32, #tpu.memory_space<vmem>> -> memref<1000xf32, #tpu.memory_space<vmem>>
        %parallel_loop3A_250 = tpu.vector_load_idx %parallel_loop3A_249[%parallel_loop3A_112] : memref<1000xf32, #tpu.memory_space<vmem>>[vector<16xi32>], vector<16xf32>,
        %parallel_loop3A_251 = arith.constant 1 : i32
        %parallel_loop3A_252 = arith.constant 15 : i32
        %parallel_loop3A_253 = arith.index_cast %parallel_loop3A_251 : i32 to index
        %parallel_loop3A_254 = arith.index_cast %parallel_loop3A_252 : i32 to index
        %parallel_loop3A_255 = arith.index_cast %parallel_loop3A_108 : i32 to index
        %parallel_loop3A_256 = tpu.vector_load %arg7[%parallel_loop3A_253, %parallel_loop3A_254, %parallel_loop3A_255] {strides = array<i32>} : memref<2x32x1024xf32, #tpu.memory_space<vmem>>, vector<16xf32>,
        tpu.vector_store %arg7[%parallel_loop3A_253, %parallel_loop3A_254, %parallel_loop3A_255], %parallel_loop3A_250 {strides = array<i32>} : memref<2x32x1024xf32, #tpu.memory_space<vmem>>, vector<16xf32>,
        %parallel_loop3A_257 = arith.constant 16000 : i32
        %parallel_loop3A_258 = tpu.memref_slice %arg5[%parallel_loop3A_257] : memref<32000xf32, #tpu.memory_space<vmem>> -> memref<1000xf32, #tpu.memory_space<vmem>>
        %parallel_loop3A_259 = tpu.vector_load_idx %parallel_loop3A_258[%parallel_loop3A_112] : memref<1000xf32, #tpu.memory_space<vmem>>[vector<16xi32>], vector<16xf32>,
        %parallel_loop3A_260 = arith.constant 1 : i32
        %parallel_loop3A_261 = arith.constant 16 : i32
        %parallel_loop3A_262 = arith.index_cast %parallel_loop3A_260 : i32 to index
        %parallel_loop3A_263 = arith.index_cast %parallel_loop3A_261 : i32 to index
        %parallel_loop3A_264 = arith.index_cast %parallel_loop3A_108 : i32 to index
        %parallel_loop3A_265 = tpu.vector_load %arg7[%parallel_loop3A_262, %parallel_loop3A_263, %parallel_loop3A_264] {strides = array<i32>} : memref<2x32x1024xf32, #tpu.memory_space<vmem>>, vector<16xf32>,
        tpu.vector_store %arg7[%parallel_loop3A_262, %parallel_loop3A_263, %parallel_loop3A_264], %parallel_loop3A_259 {strides = array<i32>} : memref<2x32x1024xf32, #tpu.memory_space<vmem>>, vector<16xf32>,
        %parallel_loop3A_266 = arith.constant 17000 : i32
        %parallel_loop3A_267 = tpu.memref_slice %arg5[%parallel_loop3A_266] : memref<32000xf32, #tpu.memory_space<vmem>> -> memref<1000xf32, #tpu.memory_space<vmem>>
        %parallel_loop3A_268 = tpu.vector_load_idx %parallel_loop3A_267[%parallel_loop3A_112] : memref<1000xf32, #tpu.memory_space<vmem>>[vector<16xi32>], vector<16xf32>,
        %parallel_loop3A_269 = arith.constant 1 : i32
        %parallel_loop3A_270 = arith.constant 17 : i32
        %parallel_loop3A_271 = arith.index_cast %parallel_loop3A_269 : i32 to index
        %parallel_loop3A_272 = arith.index_cast %parallel_loop3A_270 : i32 to index
        %parallel_loop3A_273 = arith.index_cast %parallel_loop3A_108 : i32 to index
        %parallel_loop3A_274 = tpu.vector_load %arg7[%parallel_loop3A_271, %parallel_loop3A_272, %parallel_loop3A_273] {strides = array<i32>} : memref<2x32x1024xf32, #tpu.memory_space<vmem>>, vector<16xf32>,
        tpu.vector_store %arg7[%parallel_loop3A_271, %parallel_loop3A_272, %parallel_loop3A_273], %parallel_loop3A_268 {strides = array<i32>} : memref<2x32x1024xf32, #tpu.memory_space<vmem>>, vector<16xf32>,
        %parallel_loop3A_275 = arith.constant 18000 : i32
        %parallel_loop3A_276 = tpu.memref_slice %arg5[%parallel_loop3A_275] : memref<32000xf32, #tpu.memory_space<vmem>> -> memref<1000xf32, #tpu.memory_space<vmem>>
        %parallel_loop3A_277 = tpu.vector_load_idx %parallel_loop3A_276[%parallel_loop3A_112] : memref<1000xf32, #tpu.memory_space<vmem>>[vector<16xi32>], vector<16xf32>,
        %parallel_loop3A_278 = arith.constant 1 : i32
        %parallel_loop3A_279 = arith.constant 18 : i32
        %parallel_loop3A_280 = arith.index_cast %parallel_loop3A_278 : i32 to index
        %parallel_loop3A_281 = arith.index_cast %parallel_loop3A_279 : i32 to index
        %parallel_loop3A_282 = arith.index_cast %parallel_loop3A_108 : i32 to index
        %parallel_loop3A_283 = tpu.vector_load %arg7[%parallel_loop3A_280, %parallel_loop3A_281, %parallel_loop3A_282] {strides = array<i32>} : memref<2x32x1024xf32, #tpu.memory_space<vmem>>, vector<16xf32>,
        tpu.vector_store %arg7[%parallel_loop3A_280, %parallel_loop3A_281, %parallel_loop3A_282], %parallel_loop3A_277 {strides = array<i32>} : memref<2x32x1024xf32, #tpu.memory_space<vmem>>, vector<16xf32>,
        %parallel_loop3A_284 = arith.constant 19000 : i32
        %parallel_loop3A_285 = tpu.memref_slice %arg5[%parallel_loop3A_284] : memref<32000xf32, #tpu.memory_space<vmem>> -> memref<1000xf32, #tpu.memory_space<vmem>>
        %parallel_loop3A_286 = tpu.vector_load_idx %parallel_loop3A_285[%parallel_loop3A_112] : memref<1000xf32, #tpu.memory_space<vmem>>[vector<16xi32>], vector<16xf32>,
        %parallel_loop3A_287 = arith.constant 1 : i32
        %parallel_loop3A_288 = arith.constant 19 : i32
        %parallel_loop3A_289 = arith.index_cast %parallel_loop3A_287 : i32 to index
        %parallel_loop3A_290 = arith.index_cast %parallel_loop3A_288 : i32 to index
        %parallel_loop3A_291 = arith.index_cast %parallel_loop3A_108 : i32 to index
        %parallel_loop3A_292 = tpu.vector_load %arg7[%parallel_loop3A_289, %parallel_loop3A_290, %parallel_loop3A_291] {strides = array<i32>} : memref<2x32x1024xf32, #tpu.memory_space<vmem>>, vector<16xf32>,
        tpu.vector_store %arg7[%parallel_loop3A_289, %parallel_loop3A_290, %parallel_loop3A_291], %parallel_loop3A_286 {strides = array<i32>} : memref<2x32x1024xf32, #tpu.memory_space<vmem>>, vector<16xf32>,
        %parallel_loop3A_293 = arith.constant 20000 : i32
        %parallel_loop3A_294 = tpu.memref_slice %arg5[%parallel_loop3A_293] : memref<32000xf32, #tpu.memory_space<vmem>> -> memref<1000xf32, #tpu.memory_space<vmem>>
        %parallel_loop3A_295 = tpu.vector_load_idx %parallel_loop3A_294[%parallel_loop3A_112] : memref<1000xf32, #tpu.memory_space<vmem>>[vector<16xi32>], vector<16xf32>,
        %parallel_loop3A_296 = arith.constant 1 : i32
        %parallel_loop3A_297 = arith.constant 20 : i32
        %parallel_loop3A_298 = arith.index_cast %parallel_loop3A_296 : i32 to index
        %parallel_loop3A_299 = arith.index_cast %parallel_loop3A_297 : i32 to index
        %parallel_loop3A_300 = arith.index_cast %parallel_loop3A_108 : i32 to index
        %parallel_loop3A_301 = tpu.vector_load %arg7[%parallel_loop3A_298, %parallel_loop3A_299, %parallel_loop3A_300] {strides = array<i32>} : memref<2x32x1024xf32, #tpu.memory_space<vmem>>, vector<16xf32>,
        tpu.vector_store %arg7[%parallel_loop3A_298, %parallel_loop3A_299, %parallel_loop3A_300], %parallel_loop3A_295 {strides = array<i32>} : memref<2x32x1024xf32, #tpu.memory_space<vmem>>, vector<16xf32>,
        %parallel_loop3A_302 = arith.constant 21000 : i32
        %parallel_loop3A_303 = tpu.memref_slice %arg5[%parallel_loop3A_302] : memref<32000xf32, #tpu.memory_space<vmem>> -> memref<1000xf32, #tpu.memory_space<vmem>>
        %parallel_loop3A_304 = tpu.vector_load_idx %parallel_loop3A_303[%parallel_loop3A_112] : memref<1000xf32, #tpu.memory_space<vmem>>[vector<16xi32>], vector<16xf32>,
        %parallel_loop3A_305 = arith.constant 1 : i32
        %parallel_loop3A_306 = arith.constant 21 : i32
        %parallel_loop3A_307 = arith.index_cast %parallel_loop3A_305 : i32 to index
        %parallel_loop3A_308 = arith.index_cast %parallel_loop3A_306 : i32 to index
        %parallel_loop3A_309 = arith.index_cast %parallel_loop3A_108 : i32 to index
        %parallel_loop3A_310 = tpu.vector_load %arg7[%parallel_loop3A_307, %parallel_loop3A_308, %parallel_loop3A_309] {strides = array<i32>} : memref<2x32x1024xf32, #tpu.memory_space<vmem>>, vector<16xf32>,
        tpu.vector_store %arg7[%parallel_loop3A_307, %parallel_loop3A_308, %parallel_loop3A_309], %parallel_loop3A_304 {strides = array<i32>} : memref<2x32x1024xf32, #tpu.memory_space<vmem>>, vector<16xf32>,
        %parallel_loop3A_311 = arith.constant 22000 : i32
        %parallel_loop3A_312 = tpu.memref_slice %arg5[%parallel_loop3A_311] : memref<32000xf32, #tpu.memory_space<vmem>> -> memref<1000xf32, #tpu.memory_space<vmem>>
        %parallel_loop3A_313 = tpu.vector_load_idx %parallel_loop3A_312[%parallel_loop3A_112] : memref<1000xf32, #tpu.memory_space<vmem>>[vector<16xi32>], vector<16xf32>,
        %parallel_loop3A_314 = arith.constant 1 : i32
        %parallel_loop3A_315 = arith.constant 22 : i32
        %parallel_loop3A_316 = arith.index_cast %parallel_loop3A_314 : i32 to index
        %parallel_loop3A_317 = arith.index_cast %parallel_loop3A_315 : i32 to index
        %parallel_loop3A_318 = arith.index_cast %parallel_loop3A_108 : i32 to index
        %parallel_loop3A_319 = tpu.vector_load %arg7[%parallel_loop3A_316, %parallel_loop3A_317, %parallel_loop3A_318] {strides = array<i32>} : memref<2x32x1024xf32, #tpu.memory_space<vmem>>, vector<16xf32>,
        tpu.vector_store %arg7[%parallel_loop3A_316, %parallel_loop3A_317, %parallel_loop3A_318], %parallel_loop3A_313 {strides = array<i32>} : memref<2x32x1024xf32, #tpu.memory_space<vmem>>, vector<16xf32>,
        %parallel_loop3A_320 = arith.constant 23000 : i32
        %parallel_loop3A_321 = tpu.memref_slice %arg5[%parallel_loop3A_320] : memref<32000xf32, #tpu.memory_space<vmem>> -> memref<1000xf32, #tpu.memory_space<vmem>>
        %parallel_loop3A_322 = tpu.vector_load_idx %parallel_loop3A_321[%parallel_loop3A_112] : memref<1000xf32, #tpu.memory_space<vmem>>[vector<16xi32>], vector<16xf32>,
        %parallel_loop3A_323 = arith.constant 1 : i32
        %parallel_loop3A_324 = arith.constant 23 : i32
        %parallel_loop3A_325 = arith.index_cast %parallel_loop3A_323 : i32 to index
        %parallel_loop3A_326 = arith.index_cast %parallel_loop3A_324 : i32 to index
        %parallel_loop3A_327 = arith.index_cast %parallel_loop3A_108 : i32 to index
        %parallel_loop3A_328 = tpu.vector_load %arg7[%parallel_loop3A_325, %parallel_loop3A_326, %parallel_loop3A_327] {strides = array<i32>} : memref<2x32x1024xf32, #tpu.memory_space<vmem>>, vector<16xf32>,
        tpu.vector_store %arg7[%parallel_loop3A_325, %parallel_loop3A_326, %parallel_loop3A_327], %parallel_loop3A_322 {strides = array<i32>} : memref<2x32x1024xf32, #tpu.memory_space<vmem>>, vector<16xf32>,
        %parallel_loop3A_329 = arith.constant 24000 : i32
        %parallel_loop3A_330 = tpu.memref_slice %arg5[%parallel_loop3A_329] : memref<32000xf32, #tpu.memory_space<vmem>> -> memref<1000xf32, #tpu.memory_space<vmem>>
        %parallel_loop3A_331 = tpu.vector_load_idx %parallel_loop3A_330[%parallel_loop3A_112] : memref<1000xf32, #tpu.memory_space<vmem>>[vector<16xi32>], vector<16xf32>,
        %parallel_loop3A_332 = arith.constant 1 : i32
        %parallel_loop3A_333 = arith.constant 24 : i32
        %parallel_loop3A_334 = arith.index_cast %parallel_loop3A_332 : i32 to index
        %parallel_loop3A_335 = arith.index_cast %parallel_loop3A_333 : i32 to index
        %parallel_loop3A_336 = arith.index_cast %parallel_loop3A_108 : i32 to index
        %parallel_loop3A_337 = tpu.vector_load %arg7[%parallel_loop3A_334, %parallel_loop3A_335, %parallel_loop3A_336] {strides = array<i32>} : memref<2x32x1024xf32, #tpu.memory_space<vmem>>, vector<16xf32>,
        tpu.vector_store %arg7[%parallel_loop3A_334, %parallel_loop3A_335, %parallel_loop3A_336], %parallel_loop3A_331 {strides = array<i32>} : memref<2x32x1024xf32, #tpu.memory_space<vmem>>, vector<16xf32>,
        %parallel_loop3A_338 = arith.constant 25000 : i32
        %parallel_loop3A_339 = tpu.memref_slice %arg5[%parallel_loop3A_338] : memref<32000xf32, #tpu.memory_space<vmem>> -> memref<1000xf32, #tpu.memory_space<vmem>>
        %parallel_loop3A_340 = tpu.vector_load_idx %parallel_loop3A_339[%parallel_loop3A_112] : memref<1000xf32, #tpu.memory_space<vmem>>[vector<16xi32>], vector<16xf32>,
        %parallel_loop3A_341 = arith.constant 1 : i32
        %parallel_loop3A_342 = arith.constant 25 : i32
        %parallel_loop3A_343 = arith.index_cast %parallel_loop3A_341 : i32 to index
        %parallel_loop3A_344 = arith.index_cast %parallel_loop3A_342 : i32 to index
        %parallel_loop3A_345 = arith.index_cast %parallel_loop3A_108 : i32 to index
        %parallel_loop3A_346 = tpu.vector_load %arg7[%parallel_loop3A_343, %parallel_loop3A_344, %parallel_loop3A_345] {strides = array<i32>} : memref<2x32x1024xf32, #tpu.memory_space<vmem>>, vector<16xf32>,
        tpu.vector_store %arg7[%parallel_loop3A_343, %parallel_loop3A_344, %parallel_loop3A_345], %parallel_loop3A_340 {strides = array<i32>} : memref<2x32x1024xf32, #tpu.memory_space<vmem>>, vector<16xf32>,
        %parallel_loop3A_347 = arith.constant 26000 : i32
        %parallel_loop3A_348 = tpu.memref_slice %arg5[%parallel_loop3A_347] : memref<32000xf32, #tpu.memory_space<vmem>> -> memref<1000xf32, #tpu.memory_space<vmem>>
        %parallel_loop3A_349 = tpu.vector_load_idx %parallel_loop3A_348[%parallel_loop3A_112] : memref<1000xf32, #tpu.memory_space<vmem>>[vector<16xi32>], vector<16xf32>,
        %parallel_loop3A_350 = arith.constant 1 : i32
        %parallel_loop3A_351 = arith.constant 26 : i32
        %parallel_loop3A_352 = arith.index_cast %parallel_loop3A_350 : i32 to index
        %parallel_loop3A_353 = arith.index_cast %parallel_loop3A_351 : i32 to index
        %parallel_loop3A_354 = arith.index_cast %parallel_loop3A_108 : i32 to index
        %parallel_loop3A_355 = tpu.vector_load %arg7[%parallel_loop3A_352, %parallel_loop3A_353, %parallel_loop3A_354] {strides = array<i32>} : memref<2x32x1024xf32, #tpu.memory_space<vmem>>, vector<16xf32>,
        tpu.vector_store %arg7[%parallel_loop3A_352, %parallel_loop3A_353, %parallel_loop3A_354], %parallel_loop3A_349 {strides = array<i32>} : memref<2x32x1024xf32, #tpu.memory_space<vmem>>, vector<16xf32>,
        %parallel_loop3A_356 = arith.constant 27000 : i32
        %parallel_loop3A_357 = tpu.memref_slice %arg5[%parallel_loop3A_356] : memref<32000xf32, #tpu.memory_space<vmem>> -> memref<1000xf32, #tpu.memory_space<vmem>>
        %parallel_loop3A_358 = tpu.vector_load_idx %parallel_loop3A_357[%parallel_loop3A_112] : memref<1000xf32, #tpu.memory_space<vmem>>[vector<16xi32>], vector<16xf32>,
        %parallel_loop3A_359 = arith.constant 1 : i32
        %parallel_loop3A_360 = arith.constant 27 : i32
        %parallel_loop3A_361 = arith.index_cast %parallel_loop3A_359 : i32 to index
        %parallel_loop3A_362 = arith.index_cast %parallel_loop3A_360 : i32 to index
        %parallel_loop3A_363 = arith.index_cast %parallel_loop3A_108 : i32 to index
        %parallel_loop3A_364 = tpu.vector_load %arg7[%parallel_loop3A_361, %parallel_loop3A_362, %parallel_loop3A_363] {strides = array<i32>} : memref<2x32x1024xf32, #tpu.memory_space<vmem>>, vector<16xf32>,
        tpu.vector_store %arg7[%parallel_loop3A_361, %parallel_loop3A_362, %parallel_loop3A_363], %parallel_loop3A_358 {strides = array<i32>} : memref<2x32x1024xf32, #tpu.memory_space<vmem>>, vector<16xf32>,
        %parallel_loop3A_365 = arith.constant 28000 : i32
        %parallel_loop3A_366 = tpu.memref_slice %arg5[%parallel_loop3A_365] : memref<32000xf32, #tpu.memory_space<vmem>> -> memref<1000xf32, #tpu.memory_space<vmem>>
        %parallel_loop3A_367 = tpu.vector_load_idx %parallel_loop3A_366[%parallel_loop3A_112] : memref<1000xf32, #tpu.memory_space<vmem>>[vector<16xi32>], vector<16xf32>,
        %parallel_loop3A_368 = arith.constant 1 : i32
        %parallel_loop3A_369 = arith.constant 28 : i32
        %parallel_loop3A_370 = arith.index_cast %parallel_loop3A_368 : i32 to index
        %parallel_loop3A_371 = arith.index_cast %parallel_loop3A_369 : i32 to index
        %parallel_loop3A_372 = arith.index_cast %parallel_loop3A_108 : i32 to index
        %parallel_loop3A_373 = tpu.vector_load %arg7[%parallel_loop3A_370, %parallel_loop3A_371, %parallel_loop3A_372] {strides = array<i32>} : memref<2x32x1024xf32, #tpu.memory_space<vmem>>, vector<16xf32>,
        tpu.vector_store %arg7[%parallel_loop3A_370, %parallel_loop3A_371, %parallel_loop3A_372], %parallel_loop3A_367 {strides = array<i32>} : memref<2x32x1024xf32, #tpu.memory_space<vmem>>, vector<16xf32>,
        %parallel_loop3A_374 = arith.constant 29000 : i32
        %parallel_loop3A_375 = tpu.memref_slice %arg5[%parallel_loop3A_374] : memref<32000xf32, #tpu.memory_space<vmem>> -> memref<1000xf32, #tpu.memory_space<vmem>>
        %parallel_loop3A_376 = tpu.vector_load_idx %parallel_loop3A_375[%parallel_loop3A_112] : memref<1000xf32, #tpu.memory_space<vmem>>[vector<16xi32>], vector<16xf32>,
        %parallel_loop3A_377 = arith.constant 1 : i32
        %parallel_loop3A_378 = arith.constant 29 : i32
        %parallel_loop3A_379 = arith.index_cast %parallel_loop3A_377 : i32 to index
        %parallel_loop3A_380 = arith.index_cast %parallel_loop3A_378 : i32 to index
        %parallel_loop3A_381 = arith.index_cast %parallel_loop3A_108 : i32 to index
        %parallel_loop3A_382 = tpu.vector_load %arg7[%parallel_loop3A_379, %parallel_loop3A_380, %parallel_loop3A_381] {strides = array<i32>} : memref<2x32x1024xf32, #tpu.memory_space<vmem>>, vector<16xf32>,
        tpu.vector_store %arg7[%parallel_loop3A_379, %parallel_loop3A_380, %parallel_loop3A_381], %parallel_loop3A_376 {strides = array<i32>} : memref<2x32x1024xf32, #tpu.memory_space<vmem>>, vector<16xf32>,
        %parallel_loop3A_383 = arith.constant 30000 : i32
        %parallel_loop3A_384 = tpu.memref_slice %arg5[%parallel_loop3A_383] : memref<32000xf32, #tpu.memory_space<vmem>> -> memref<1000xf32, #tpu.memory_space<vmem>>
        %parallel_loop3A_385 = tpu.vector_load_idx %parallel_loop3A_384[%parallel_loop3A_112] : memref<1000xf32, #tpu.memory_space<vmem>>[vector<16xi32>], vector<16xf32>,
        %parallel_loop3A_386 = arith.constant 1 : i32
        %parallel_loop3A_387 = arith.constant 30 : i32
        %parallel_loop3A_388 = arith.index_cast %parallel_loop3A_386 : i32 to index
        %parallel_loop3A_389 = arith.index_cast %parallel_loop3A_387 : i32 to index
        %parallel_loop3A_390 = arith.index_cast %parallel_loop3A_108 : i32 to index
        %parallel_loop3A_391 = tpu.vector_load %arg7[%parallel_loop3A_388, %parallel_loop3A_389, %parallel_loop3A_390] {strides = array<i32>} : memref<2x32x1024xf32, #tpu.memory_space<vmem>>, vector<16xf32>,
        tpu.vector_store %arg7[%parallel_loop3A_388, %parallel_loop3A_389, %parallel_loop3A_390], %parallel_loop3A_385 {strides = array<i32>} : memref<2x32x1024xf32, #tpu.memory_space<vmem>>, vector<16xf32>,
        %parallel_loop3A_392 = arith.constant 31000 : i32
        %parallel_loop3A_393 = tpu.memref_slice %arg5[%parallel_loop3A_392] : memref<32000xf32, #tpu.memory_space<vmem>> -> memref<1000xf32, #tpu.memory_space<vmem>>
        %parallel_loop3A_394 = tpu.vector_load_idx %parallel_loop3A_393[%parallel_loop3A_112] : memref<1000xf32, #tpu.memory_space<vmem>>[vector<16xi32>], vector<16xf32>,
        %parallel_loop3A_395 = arith.constant 1 : i32
        %parallel_loop3A_396 = arith.constant 31 : i32
        %parallel_loop3A_397 = arith.index_cast %parallel_loop3A_395 : i32 to index
        %parallel_loop3A_398 = arith.index_cast %parallel_loop3A_396 : i32 to index
        %parallel_loop3A_399 = arith.index_cast %parallel_loop3A_108 : i32 to index
        %parallel_loop3A_400 = tpu.vector_load %arg7[%parallel_loop3A_397, %parallel_loop3A_398, %parallel_loop3A_399] {strides = array<i32>} : memref<2x32x1024xf32, #tpu.memory_space<vmem>>, vector<16xf32>,
        tpu.vector_store %arg7[%parallel_loop3A_397, %parallel_loop3A_398, %parallel_loop3A_399], %parallel_loop3A_394 {strides = array<i32>} : memref<2x32x1024xf32, #tpu.memory_space<vmem>>, vector<16xf32>,
      } {sc.loop_unroll_factor = 2 : i64, sc.parallel_access}
      %convert_element_type3A_98 = arith.extui %eq3A_1 : i1 to i32
      %cond3A_99 = arith.constant 0 : i32
      %cond3A_100 = arith.cmpi ne, %convert_element_type3A_98, %cond3A_99 : i32
      scf.if %cond3A_100 {
        %add3A_106 = arith.constant 24 : i32
        %add3A_107 = arith.addi %select_n3A, %add3A_106 : i32
        %dma_start3A_108 = arith.constant 1 : i32
        %dma_start3A_109 = arith.constant 24 : i32
        %dma_start3A_110 = arith.constant 0 : i32
        %dma_start3A_111 = tpu.memref_slice %arg7[%dma_start3A_108, %dma_start3A_109, %dma_start3A_110] : memref<2x32x1024xf32, #tpu.memory_space<vmem>> -> memref<1x8x1024xf32, #tpu.memory_space<vmem>>
        %dma_start3A_112 = tpu.memref_squeeze %dma_start3A_111 : memref<1x8x1024xf32, #tpu.memory_space<vmem>> -> memref<8x1024xf32, #tpu.memory_space<vmem>>
        %dma_start3A_113 = arith.constant 0 : i32
        %dma_start3A_114 = tpu.memref_slice %arg4[%add3A_76, %add3A_107, %dma_start3A_113] : memref<50x1000x1024xf32, #tpu.memory_space<hbm>> -> memref<1x8x1024xf32, #tpu.memory_space<hbm>>
        %dma_start3A_115 = tpu.memref_squeeze %dma_start3A_114 : memref<1x8x1024xf32, #tpu.memory_space<hbm>> -> memref<8x1024xf32, #tpu.memory_space<hbm>>
        %dma_start3A_116 = arith.constant 0 : i32
        %dma_start3A_117 = tpu.memref_slice %arg4[%add3A_76, %add3A_107, %dma_start3A_116] : memref<50x1000x1024xf32, #tpu.memory_space<hbm>> -> memref<1x8x1024xf32, #tpu.memory_space<hbm>>
        %dma_start3A_118 = tpu.memref_squeeze %dma_start3A_117 : memref<1x8x1024xf32, #tpu.memory_space<hbm>> -> memref<8x1024xf32, #tpu.memory_space<hbm>>
        %dma_start3A_119 = arith.constant 24 : i32
        %dma_start3A_120 = arith.constant 0 : i32
        %dma_start3A_121 = tpu.memref_slice %arg7[%dma_start3A_108, %dma_start3A_119, %dma_start3A_120] : memref<2x32x1024xf32, #tpu.memory_space<vmem>> -> memref<1x8x1024xf32, #tpu.memory_space<vmem>>
        %dma_start3A_122 = tpu.memref_squeeze %dma_start3A_121 : memref<1x8x1024xf32, #tpu.memory_space<vmem>> -> memref<8x1024xf32, #tpu.memory_space<vmem>>
        tpu.enqueue_dma source(%dma_start3A_122 : memref<8x1024xf32, #tpu.memory_space<vmem>>) target(%dma_start3A_118 : memref<8x1024xf32, #tpu.memory_space<hbm>>) target_semaphore(%arg11 : memref<!tpu.dma_semaphore, #tpu.memory_space<semaphore_mem>>)
      } else {
      }
      %not3A_101 = arith.constant true
      %not3A_102 = arith.xori %eq3A_1, %not3A_101 : i1
      %convert_element_type3A_103 = arith.extui %not3A_102 : i1 to i32
      %cond3A_104 = arith.constant 0 : i32
      %cond3A_105 = arith.cmpi ne, %convert_element_type3A_103, %cond3A_104 : i32
      scf.if %cond3A_105 {
        %add3A_106 = arith.constant 0 : i32
        %add3A_107 = arith.addi %select_n3A, %add3A_106 : i32
        %dma_start3A_108 = arith.constant 1 : i32
        %dma_start3A_109 = arith.constant 0 : i32
        %dma_start3A_110 = arith.constant 0 : i32
        %dma_start3A_111 = tpu.memref_slice %arg7[%dma_start3A_108, %dma_start3A_109, %dma_start3A_110] : memref<2x32x1024xf32, #tpu.memory_space<vmem>> -> memref<1x32x1024xf32, #tpu.memory_space<vmem>>
        %dma_start3A_112 = tpu.memref_squeeze %dma_start3A_111 : memref<1x32x1024xf32, #tpu.memory_space<vmem>> -> memref<32x1024xf32, #tpu.memory_space<vmem>>
        %dma_start3A_113 = arith.constant 0 : i32
        %dma_start3A_114 = tpu.memref_slice %arg4[%add3A_76, %add3A_107, %dma_start3A_113] : memref<50x1000x1024xf32, #tpu.memory_space<hbm>> -> memref<1x32x1024xf32, #tpu.memory_space<hbm>>
        %dma_start3A_115 = tpu.memref_squeeze %dma_start3A_114 : memref<1x32x1024xf32, #tpu.memory_space<hbm>> -> memref<32x1024xf32, #tpu.memory_space<hbm>>
        %dma_start3A_116 = arith.constant 0 : i32
        %dma_start3A_117 = tpu.memref_slice %arg4[%add3A_76, %add3A_107, %dma_start3A_116] : memref<50x1000x1024xf32, #tpu.memory_space<hbm>> -> memref<1x32x1024xf32, #tpu.memory_space<hbm>>
        %dma_start3A_118 = tpu.memref_squeeze %dma_start3A_117 : memref<1x32x1024xf32, #tpu.memory_space<hbm>> -> memref<32x1024xf32, #tpu.memory_space<hbm>>
        %dma_start3A_119 = arith.constant 0 : i32
        %dma_start3A_120 = arith.constant 0 : i32
        %dma_start3A_121 = tpu.memref_slice %arg7[%dma_start3A_108, %dma_start3A_119, %dma_start3A_120] : memref<2x32x1024xf32, #tpu.memory_space<vmem>> -> memref<1x32x1024xf32, #tpu.memory_space<vmem>>
        %dma_start3A_122 = tpu.memref_squeeze %dma_start3A_121 : memref<1x32x1024xf32, #tpu.memory_space<vmem>> -> memref<32x1024xf32, #tpu.memory_space<vmem>>
        tpu.enqueue_dma source(%dma_start3A_122 : memref<32x1024xf32, #tpu.memory_space<vmem>>) target(%dma_start3A_118 : memref<32x1024xf32, #tpu.memory_space<hbm>>) target_semaphore(%arg11 : memref<!tpu.dma_semaphore, #tpu.memory_space<semaphore_mem>>)
      } else {
      }
    }
    %scan3A_30 = arith.constant 25 : i32
    %convert_element_type3A = arith.extui %eq3A_1 : i1 to i32
    %cond3A = arith.constant 0 : i32
    %cond3A_31 = arith.cmpi ne, %convert_element_type3A, %cond3A : i32
    scf.if %cond3A_31 {
      %add3A_44 = arith.constant 24 : i32
      %add3A_45 = arith.addi %select_n3A, %add3A_44 : i32
      %dma_wait3A_46 = arith.constant 0 : i32
      %dma_wait3A_47 = arith.constant 48 : i32
      %dma_wait3A_48 = arith.constant 24 : i32
      %dma_wait3A_49 = arith.constant 0 : i32
      %dma_wait3A_50 = tpu.memref_slice %arg7[%dma_wait3A_46, %dma_wait3A_48, %dma_wait3A_49] : memref<2x32x1024xf32, #tpu.memory_space<vmem>> -> memref<1x8x1024xf32, #tpu.memory_space<vmem>>
      %dma_wait3A_51 = tpu.memref_squeeze %dma_wait3A_50 : memref<1x8x1024xf32, #tpu.memory_space<vmem>> -> memref<8x1024xf32, #tpu.memory_space<vmem>>
      %dma_wait3A_52 = arith.constant 0 : i32
      %dma_wait3A_53 = tpu.memref_slice %arg4[%dma_wait3A_47, %add3A_45, %dma_wait3A_52] : memref<50x1000x1024xf32, #tpu.memory_space<hbm>> -> memref<1x8x1024xf32, #tpu.memory_space<hbm>>
      %dma_wait3A_54 = tpu.memref_squeeze %dma_wait3A_53 : memref<1x8x1024xf32, #tpu.memory_space<hbm>> -> memref<8x1024xf32, #tpu.memory_space<hbm>>
      %dma_wait3A_55 = arith.constant 0 : i32
      %dma_wait3A_56 = tpu.memref_slice %arg4[%dma_wait3A_47, %add3A_45, %dma_wait3A_55] : memref<50x1000x1024xf32, #tpu.memory_space<hbm>> -> memref<1x8x1024xf32, #tpu.memory_space<hbm>>
      %dma_wait3A_57 = tpu.memref_squeeze %dma_wait3A_56 : memref<1x8x1024xf32, #tpu.memory_space<hbm>> -> memref<8x1024xf32, #tpu.memory_space<hbm>>
      %dma_wait3A_58 = arith.constant 24 : i32
      %dma_wait3A_59 = arith.constant 0 : i32
      %dma_wait3A_60 = tpu.memref_slice %arg7[%dma_wait3A_46, %dma_wait3A_58, %dma_wait3A_59] : memref<2x32x1024xf32, #tpu.memory_space<vmem>> -> memref<1x8x1024xf32, #tpu.memory_space<vmem>>
      %dma_wait3A_61 = tpu.memref_squeeze %dma_wait3A_60 : memref<1x8x1024xf32, #tpu.memory_space<vmem>> -> memref<8x1024xf32, #tpu.memory_space<vmem>>
      tpu.wait_dma2 semaphore(%arg10 : memref<!tpu.dma_semaphore, #tpu.memory_space<semaphore_mem>>) src(%dma_wait3A_61 : memref<8x1024xf32, #tpu.memory_space<vmem>>) dst(%dma_wait3A_57 : memref<8x1024xf32, #tpu.memory_space<hbm>>)
    } else {
    }
    %not3A = arith.constant true
    %not3A_32 = arith.xori %eq3A_1, %not3A : i1
    %convert_element_type3A_33 = arith.extui %not3A_32 : i1 to i32
    %cond3A_34 = arith.constant 0 : i32
    %cond3A_35 = arith.cmpi ne, %convert_element_type3A_33, %cond3A_34 : i32
    scf.if %cond3A_35 {
      %add3A_44 = arith.constant 0 : i32
      %add3A_45 = arith.addi %select_n3A, %add3A_44 : i32
      %dma_wait3A_46 = arith.constant 0 : i32
      %dma_wait3A_47 = arith.constant 48 : i32
      %dma_wait3A_48 = arith.constant 0 : i32
      %dma_wait3A_49 = arith.constant 0 : i32
      %dma_wait3A_50 = tpu.memref_slice %arg7[%dma_wait3A_46, %dma_wait3A_48, %dma_wait3A_49] : memref<2x32x1024xf32, #tpu.memory_space<vmem>> -> memref<1x32x1024xf32, #tpu.memory_space<vmem>>
      %dma_wait3A_51 = tpu.memref_squeeze %dma_wait3A_50 : memref<1x32x1024xf32, #tpu.memory_space<vmem>> -> memref<32x1024xf32, #tpu.memory_space<vmem>>
      %dma_wait3A_52 = arith.constant 0 : i32
      %dma_wait3A_53 = tpu.memref_slice %arg4[%dma_wait3A_47, %add3A_45, %dma_wait3A_52] : memref<50x1000x1024xf32, #tpu.memory_space<hbm>> -> memref<1x32x1024xf32, #tpu.memory_space<hbm>>
      %dma_wait3A_54 = tpu.memref_squeeze %dma_wait3A_53 : memref<1x32x1024xf32, #tpu.memory_space<hbm>> -> memref<32x1024xf32, #tpu.memory_space<hbm>>
      %dma_wait3A_55 = arith.constant 0 : i32
      %dma_wait3A_56 = tpu.memref_slice %arg4[%dma_wait3A_47, %add3A_45, %dma_wait3A_55] : memref<50x1000x1024xf32, #tpu.memory_space<hbm>> -> memref<1x32x1024xf32, #tpu.memory_space<hbm>>
      %dma_wait3A_57 = tpu.memref_squeeze %dma_wait3A_56 : memref<1x32x1024xf32, #tpu.memory_space<hbm>> -> memref<32x1024xf32, #tpu.memory_space<hbm>>
      %dma_wait3A_58 = arith.constant 0 : i32
      %dma_wait3A_59 = arith.constant 0 : i32
      %dma_wait3A_60 = tpu.memref_slice %arg7[%dma_wait3A_46, %dma_wait3A_58, %dma_wait3A_59] : memref<2x32x1024xf32, #tpu.memory_space<vmem>> -> memref<1x32x1024xf32, #tpu.memory_space<vmem>>
      %dma_wait3A_61 = tpu.memref_squeeze %dma_wait3A_60 : memref<1x32x1024xf32, #tpu.memory_space<vmem>> -> memref<32x1024xf32, #tpu.memory_space<vmem>>
      tpu.wait_dma2 semaphore(%arg10 : memref<!tpu.dma_semaphore, #tpu.memory_space<semaphore_mem>>) src(%dma_wait3A_61 : memref<32x1024xf32, #tpu.memory_space<vmem>>) dst(%dma_wait3A_57 : memref<32x1024xf32, #tpu.memory_space<hbm>>)
    } else {
    }
    %convert_element_type3A_36 = arith.extui %eq3A_1 : i1 to i32
    %cond3A_37 = arith.constant 0 : i32
    %cond3A_38 = arith.cmpi ne, %convert_element_type3A_36, %cond3A_37 : i32
    scf.if %cond3A_38 {
      %add3A_44 = arith.constant 24 : i32
      %add3A_45 = arith.addi %select_n3A, %add3A_44 : i32
      %dma_wait3A_46 = arith.constant 1 : i32
      %dma_wait3A_47 = arith.constant 49 : i32
      %dma_wait3A_48 = arith.constant 24 : i32
      %dma_wait3A_49 = arith.constant 0 : i32
      %dma_wait3A_50 = tpu.memref_slice %arg7[%dma_wait3A_46, %dma_wait3A_48, %dma_wait3A_49] : memref<2x32x1024xf32, #tpu.memory_space<vmem>> -> memref<1x8x1024xf32, #tpu.memory_space<vmem>>
      %dma_wait3A_51 = tpu.memref_squeeze %dma_wait3A_50 : memref<1x8x1024xf32, #tpu.memory_space<vmem>> -> memref<8x1024xf32, #tpu.memory_space<vmem>>
      %dma_wait3A_52 = arith.constant 0 : i32
      %dma_wait3A_53 = tpu.memref_slice %arg4[%dma_wait3A_47, %add3A_45, %dma_wait3A_52] : memref<50x1000x1024xf32, #tpu.memory_space<hbm>> -> memref<1x8x1024xf32, #tpu.memory_space<hbm>>
      %dma_wait3A_54 = tpu.memref_squeeze %dma_wait3A_53 : memref<1x8x1024xf32, #tpu.memory_space<hbm>> -> memref<8x1024xf32, #tpu.memory_space<hbm>>
      %dma_wait3A_55 = arith.constant 0 : i32
      %dma_wait3A_56 = tpu.memref_slice %arg4[%dma_wait3A_47, %add3A_45, %dma_wait3A_55] : memref<50x1000x1024xf32, #tpu.memory_space<hbm>> -> memref<1x8x1024xf32, #tpu.memory_space<hbm>>
      %dma_wait3A_57 = tpu.memref_squeeze %dma_wait3A_56 : memref<1x8x1024xf32, #tpu.memory_space<hbm>> -> memref<8x1024xf32, #tpu.memory_space<hbm>>
      %dma_wait3A_58 = arith.constant 24 : i32
      %dma_wait3A_59 = arith.constant 0 : i32
      %dma_wait3A_60 = tpu.memref_slice %arg7[%dma_wait3A_46, %dma_wait3A_58, %dma_wait3A_59] : memref<2x32x1024xf32, #tpu.memory_space<vmem>> -> memref<1x8x1024xf32, #tpu.memory_space<vmem>>
      %dma_wait3A_61 = tpu.memref_squeeze %dma_wait3A_60 : memref<1x8x1024xf32, #tpu.memory_space<vmem>> -> memref<8x1024xf32, #tpu.memory_space<vmem>>
      tpu.wait_dma2 semaphore(%arg11 : memref<!tpu.dma_semaphore, #tpu.memory_space<semaphore_mem>>) src(%dma_wait3A_61 : memref<8x1024xf32, #tpu.memory_space<vmem>>) dst(%dma_wait3A_57 : memref<8x1024xf32, #tpu.memory_space<hbm>>)
    } else {
    }
    %not3A_39 = arith.constant true
    %not3A_40 = arith.xori %eq3A_1, %not3A_39 : i1
    %convert_element_type3A_41 = arith.extui %not3A_40 : i1 to i32
    %cond3A_42 = arith.constant 0 : i32
    %cond3A_43 = arith.cmpi ne, %convert_element_type3A_41, %cond3A_42 : i32
    scf.if %cond3A_43 {
      %add3A_44 = arith.constant 0 : i32
      %add3A_45 = arith.addi %select_n3A, %add3A_44 : i32
      %dma_wait3A_46 = arith.constant 1 : i32
      %dma_wait3A_47 = arith.constant 49 : i32
      %dma_wait3A_48 = arith.constant 0 : i32
      %dma_wait3A_49 = arith.constant 0 : i32
      %dma_wait3A_50 = tpu.memref_slice %arg7[%dma_wait3A_46, %dma_wait3A_48, %dma_wait3A_49] : memref<2x32x1024xf32, #tpu.memory_space<vmem>> -> memref<1x32x1024xf32, #tpu.memory_space<vmem>>
      %dma_wait3A_51 = tpu.memref_squeeze %dma_wait3A_50 : memref<1x32x1024xf32, #tpu.memory_space<vmem>> -> memref<32x1024xf32, #tpu.memory_space<vmem>>
      %dma_wait3A_52 = arith.constant 0 : i32
      %dma_wait3A_53 = tpu.memref_slice %arg4[%dma_wait3A_47, %add3A_45, %dma_wait3A_52] : memref<50x1000x1024xf32, #tpu.memory_space<hbm>> -> memref<1x32x1024xf32, #tpu.memory_space<hbm>>
      %dma_wait3A_54 = tpu.memref_squeeze %dma_wait3A_53 : memref<1x32x1024xf32, #tpu.memory_space<hbm>> -> memref<32x1024xf32, #tpu.memory_space<hbm>>
      %dma_wait3A_55 = arith.constant 0 : i32
      %dma_wait3A_56 = tpu.memref_slice %arg4[%dma_wait3A_47, %add3A_45, %dma_wait3A_55] : memref<50x1000x1024xf32, #tpu.memory_space<hbm>> -> memref<1x32x1024xf32, #tpu.memory_space<hbm>>
      %dma_wait3A_57 = tpu.memref_squeeze %dma_wait3A_56 : memref<1x32x1024xf32, #tpu.memory_space<hbm>> -> memref<32x1024xf32, #tpu.memory_space<hbm>>
      %dma_wait3A_58 = arith.constant 0 : i32
      %dma_wait3A_59 = arith.constant 0 : i32
      %dma_wait3A_60 = tpu.memref_slice %arg7[%dma_wait3A_46, %dma_wait3A_58, %dma_wait3A_59] : memref<2x32x1024xf32, #tpu.memory_space<vmem>> -> memref<1x32x1024xf32, #tpu.memory_space<vmem>>
      %dma_wait3A_61 = tpu.memref_squeeze %dma_wait3A_60 : memref<1x32x1024xf32, #tpu.memory_space<vmem>> -> memref<32x1024xf32, #tpu.memory_space<vmem>>
      tpu.wait_dma2 semaphore(%arg11 : memref<!tpu.dma_semaphore, #tpu.memory_space<semaphore_mem>>) src(%dma_wait3A_61 : memref<32x1024xf32, #tpu.memory_space<vmem>>) dst(%dma_wait3A_57 : memref<32x1024xf32, #tpu.memory_space<hbm>>)
    } else {
    }
    return
  }
}

</mosaic_0001>

<sc_bundles>
// kernel: kernel.3.cloned.1.call-start
scs
__scs_entry_jumppad:
0x0: {  	(pc) =	sbr.rel $0x88, $3  }
0x1: {  	(tag) =	ssettag $0x0;
	lr =	simm.s32 $0x1  }
0x2: {  	[smem:$0x3F9F] =	sst lr;
	_ =	strace $0xD0000000  }
0x3: {  	_ = 	snop  }
0x4: {  	_ = 	snop  }
0x5: {  	_ = 	snop  }
0x6: {  	_ = 	snop  }
0x7: {  	_ = 	snop  }
__scs_overlays_trampoline_lowered:
0x8: {  	[smem:$0x3FAE] =	sst s0  }
0x9: {  	[smem:$0x3FAF] =	sst s1  }
0xa: {  	[smem:$0x3FB0] =	sst s2  }
0xb: {  	[smem:$0x3FB1] =	sst s3  }
0xc: {  	[smem:$0x3FB2] =	sst s4  }
0xd: {  	[smem:$0x3FB3] =	sst s5  }
0xe: {  	[smem:$0x3FB4] =	sst s6  }
0xf: {  	[smem:$0x3FB5] =	sst s7  }
0x10: {  	[smem:$0x3FB6] =	sst s8  }
0x11: {  	[smem:$0x3FB7] =	sst s9;
	s0 =	simm.s32 @!p0 $0x0  }
0x12: {  	s1 =	sld [smem:$0x3F9D];
	s0 =	simm.s32 @p0 $0x1  }
0x13: {  	[smem:$0x3FB8] =	sst s0;
	s0 =	simm.s32 @!p1 $0x0  }
0x14: {  	s2 =	sld [smem:$0x3F9C];
	s0 =	simm.s32 @p1 $0x1  }
0x15: {  	[smem:$0x3FB9] =	sst s0;
	s0 =	simm.s32 @!p2 $0x0  }
0x16: {  	s3 =	sld [smem:$0x3FDB];
	s0 =	simm.s32 @p2 $0x1  }
0x17: {  	s4 =	simm.s32 $0x1BF5;
	[smem:$0x3FBB] =	sst s0  }
0x18: {  	s0 =	sld [smem:$0x3F9E];
	_ =	swait.ge [sflag:s4], $0x0  }
0x19: {  	s7 =	sld [smem:$0x3F9F]  }
0x1a: {  	s8 =	sadd.s32 $0xFFFFE003, lr  }
0x1b: {  	s9 =	sadd.s32 $0xFFFFFEF7, lr;
	s5 =	simm.s32 $0xFFFFFFFF;
	p2 =	slt.u32 s8, $0xFFFFF086  }
0x1c: {  	p1 =	slt.u32 s9, $0xF7A;
	s5 =	simm.s32 @!p2 $0x0  }
0x1d: {  	s5 =	simm.s32 @p1 $0x1;
	p0 =	seq.s32 s7, s2  }
0x1e: {  	s7 =	smul.u32 @!p0 $0xF7A, s2;
	p2 =	seq.s32 @!p0 s5, $0x0  }
0x1f: {  	s9 =	smul.u32 $0xF7A, s1;
	s8 =	simm.s32 @!p0 $0x1BF5;
	p2 =	por !p2, p0  }
0x20: {  	[sflag:s8] =	ssyncset.s32 @!p0 $0xFFFFF086;
	s6 =	sadd.s32 @!p0 s3, s7;
	s7 =	simm.s32 @!p0 $0x108  }
0x21: {  	s3 =	sadd.s32 s3, s9;
	s6 =	sadd.s32 @!p0 $0x88, s6;
	s7 =	simm.s32 @p2 $0x1082  }
0x22: {  	[simem:s7], [sflag:s8] =	dma.local @!p0 [hbm:s6], $0xF7A  }
0x23: {  	s9 =	sor.u32 $0xD0000000, s2;
	s6 =	simm.s32 $0x108;
	_ =	swait.ge @!p0 [sflag:s8], $0x0  }
0x24: {  	s3 =	sadd.s32 $0x88, s3;
	s6 =	simm.s32 @!p1 $0x1082;
	[sflag:s4] =	ssyncset.s32 $0xFFFFF086  }
0x25: {  	[simem:s6], [sflag:s4] =	dma.local [hbm:s3], $0xF7A  }
0x26: {  	[smem:$0x3F9F] =	sst s1;
	(tag) =	ssettag s2;
	_ =	strace s9  }
0x27: {  	s1 =	sld [smem:$0x3FAF]  }
0x28: {  	s2 =	sld [smem:$0x3FB0]  }
0x29: {  	s4 =	sld [smem:$0x3FB2]  }
0x2a: {  	p0 =	seq.s32 s5, $0x0;
	s5 =	sld [smem:$0x3FB3]  }
0x2b: {  	s6 =	sld [smem:$0x3FB4]  }
0x2c: {  	s7 =	sld [smem:$0x3FB5]  }
0x2d: {  	s3 =	simm.s32 $0x108;
	s8 =	sld [smem:$0x3FB6]  }
0x2e: {  	s3 =	simm.s32 @!p0 $0x1082;
	s9 =	sld [smem:$0x3FB7]  }
0x2f: {  	lr =	sadd.s32 s0, s3;
	s0 =	sld [smem:$0x3FAE]  }
0x30: {  	s3 =	sld [smem:$0x3FB1]  }
0x31: {  	[smem:$0x3FBA] =	sst s10  }
0x32: {  	s10 =	sld [smem:$0x3FB8];
	_ =	sdelay $0x3  }
0x33: {  	p0 =	seq.s32 s10, $0x1;
	s10 =	sld [smem:$0x3FBA];
	_ =	sdelay $0x3  }
0x34: {  	[smem:$0x3FBA] =	sst s10  }
0x35: {  	s10 =	sld [smem:$0x3FB9];
	_ =	sdelay $0x3  }
0x36: {  	p1 =	seq.s32 s10, $0x1;
	s10 =	sld [smem:$0x3FBA];
	_ =	sdelay $0x3  }
0x37: {  	[smem:$0x3FBA] =	sst s10  }
0x38: {  	s10 =	sld [smem:$0x3FBB]  }
0x39: {  	_ = 	snop;
	(pc) =	sbr.ind lr, $3  }
0x3a: {  	_ = 	snop  }
0x3b: {  	_ = 	snop  }
0x3c: {  	p2 =	seq.s32 s10, $0x1;
	s10 =	sld [smem:$0x3FBA]  }
0x3d: {  	_ =	shalt  }
0x3e: {  	_ =	shalt  }
0x3f: {  	_ =	shalt  }
0x40: {  	_ =	shalt  }
0x41: {  	_ =	shalt  }
0x42: {  	_ =	shalt  }
0x43: {  	_ =	shalt  }
0x44: {  	_ =	shalt  }
0x45: {  	_ =	shalt  }
0x46: {  	_ =	shalt  }
0x47: {  	_ =	shalt  }
0x48: {  	_ =	shalt  }
0x49: {  	_ =	shalt  }
0x4a: {  	_ =	shalt  }
0x4b: {  	_ =	shalt  }
0x4c: {  	_ =	shalt  }
0x4d: {  	_ =	shalt  }
0x4e: {  	_ =	shalt  }
0x4f: {  	_ =	shalt  }
0x50: {  	_ =	shalt  }
0x51: {  	_ =	shalt  }
0x52: {  	_ =	shalt  }
0x53: {  	_ =	shalt  }
0x54: {  	_ =	shalt  }
0x55: {  	_ =	shalt  }
0x56: {  	_ =	shalt  }
0x57: {  	_ =	shalt  }
0x58: {  	_ =	shalt  }
0x59: {  	_ =	shalt  }
0x5a: {  	_ =	shalt  }
0x5b: {  	_ =	shalt  }
0x5c: {  	_ =	shalt  }
0x5d: {  	_ =	shalt  }
0x5e: {  	_ =	shalt  }
0x5f: {  	_ =	shalt  }
0x60: {  	_ =	shalt  }
0x61: {  	_ =	shalt  }
0x62: {  	_ =	shalt  }
0x63: {  	_ =	shalt  }
0x64: {  	_ =	shalt  }
0x65: {  	_ =	shalt  }
0x66: {  	_ =	shalt  }
0x67: {  	_ =	shalt  }
0x68: {  	_ =	shalt  }
0x69: {  	_ =	shalt  }
0x6a: {  	_ =	shalt  }
0x6b: {  	_ =	shalt  }
0x6c: {  	_ =	shalt  }
0x6d: {  	_ =	shalt  }
0x6e: {  	_ =	shalt  }
0x6f: {  	_ =	shalt  }
0x70: {  	_ =	shalt  }
0x71: {  	_ =	shalt  }
0x72: {  	_ =	shalt  }
0x73: {  	_ =	shalt  }
0x74: {  	_ =	shalt  }
0x75: {  	_ =	shalt  }
0x76: {  	_ =	shalt  }
0x77: {  	_ =	shalt  }
0x78: {  	_ =	shalt  }
0x79: {  	_ =	shalt  }
0x7a: {  	_ =	shalt  }
0x7b: {  	_ =	shalt  }
0x7c: {  	_ =	shalt  }
0x7d: {  	_ =	shalt  }
0x7e: {  	_ =	shalt  }
0x7f: {  	_ =	shalt  }
0x80: {  	_ =	shalt  }
0x81: {  	_ =	shalt  }
0x82: {  	_ =	shalt  }
0x83: {  	_ =	shalt  }
0x84: {  	_ =	shalt  }
0x85: {  	_ =	shalt  }
0x86: {  	_ =	shalt  }
0x87: {  	_ =	shalt  }
.Lfunc_end0:
.L_simem_size_0:
called_computation_lowered:
.L_overlay_start_0:
0x88: {  	s2 =	sld [smem:$0x3FD9]  }
0x89: {  	s3 =	sld [smem:$0x3FFE];
	_ =	sdelay $0x1  }
0x8a: {  	s1 =	srdreg.scid  }
0x8b: {  	s0 =	sand.u32 $0x1, s1  }
0x8c: {  	s17 =	sshll.u32 s0, $0xA;
	s2 =	sadd.s32 s3, s2  }
0x8d: {  	s2 =	sadd.s32 s2, s17  }
0x8e: {  	[smem:$0x3FC6] =	sst s2  }
0x8f: {  	_ = 	snop  }
0x90: {  	s2 =	sld [smem:$0x3FC9]  }
0x91: {  	s18 =	sld [smem:$0x3FD0];
	(tm) =	ssettm $0x1  }
0x92: {  	s4 =	sld [smem:$0x3FFB];
	_ =	sdelay $0x3  }
0x93: {  	_ =	strace s4  }
0x94: {  	s4 =	sld [smem:$0x3FFC];
	_ =	sdelay $0x3  }
0x95: {  	_ =	strace s4  }
0x96: {  	s4 =	sld [smem:$0x3FFD];
	_ =	sdelay $0x3  }
0x97: {  	_ =	strace s4  }
0x98: {  	_ =	strace $0x8FFFFFFF  }
0x99: {  	s19 =	sld [smem:$0x3FDB];
	_ =	sdelay $0x1  }
0x9a: {  	s5 =	simm.s32 $_scs_section_size  }
0x9b: {  	s6 =	simm.s32 $_size__tile_overlayer_lowered;
	s7 =	simm.s32 $_tile_overlayer_lowered  }
0x9c: {  	s22 =	simm.s32 $0x1BFF;
	s21 =	sshll.u32 s7, $0x1;
	s4 =	sadd.s32 s5, s19  }
0x9d: {  	s8 =	simm.s32 $0x0;
	s20 =	sshll.u32 s6, $0x1;
	s6 =	sadd.s32 s21, s4  }
0x9e: {  	[timem:s8], [sflag:s22] =	dma.local [hbm:s6], s20  }
0x9f: {  	_ =	swait.ge [sflag:s22], s20  }
0xa0: {  	s5 =	ssub.s32 $0x0, s20;
	[sflag:s22] =	ssyncset.done $0x0  }
0xa1: {  	[sflag:s22] =	ssyncadd.s32 s5;
	_ =	sdelay $0x1  }
0xa2: {  	s23 =	simm.s32 $0x1B8B  }
0xa3: {  	_ =	swait.ge [sflag:s23], $0x1  }
0xa4: {  	[sflag:s23] =	ssyncset.done $0x0  }
0xa5: {  	s25 =	simm.s32 $0x1B8E;
	s24 =	sld [smem:$0x3FFE];
	[sflag:s23] =	ssyncadd.s32 $0xFFFFFFFF  }
0xa6: {  	s26 =	simm.s32 $execute0_lowered;
	[smem:$0x3FD2] =	sst s25  }
0xa7: {  	s6 =	sshll.u32 s26, $0x1;
	_ =	strace $0x80000046;
	[dreg:$0x1] =	wrdreg $0xFFFFFFFF  }
0xa8: {  	s28 =	simm.s32 $_size_execute0_lowered;
	s4 =	sadd.s32 s4, s6;
	[dreg:$0x0] =	wrdreg $0x0  }
0xa9: {  	s6 =	sshll.u32 s28, $0x1;
	[dreg:$0x2] =	wrdreg s4  }
0xaa: {  	[dreg:$0x3] =	wrdreg s6  }
0xab: {  	[dreg:$0x4] =	wrdreg $0xC0  }
0xac: {  	_ =	task [dreg:s8], $0x5FFFF  }
0xad: {  	[dreg:$0x1] =	wrdreg $0xFFFFFFFF  }
0xae: {  	[dreg:$0x0] =	wrdreg $0x60  }
0xaf: {  	[dreg:$0x2] =	wrdreg s2  }
0xb0: {  	[dreg:$0x3] =	wrdreg s24  }
0xb1: {  	[dreg:$0x4] =	wrdreg s18  }
0xb2: {  	[dreg:$0x5] =	wrdreg $0x9  }
0xb3: {  	_ =	task.clear_ibuf [dreg:s8], $0x6FFFF;
	_ =	strace $0x90000046  }
0xb4: {  	s29 =	simm.s32 $0x9;
	_ =	strace $0x80000048  }
0xb5: {  	_ =	swait.ge [sflag:s29], $0x1  }
0xb6: {  	[sflag:s29] =	ssyncadd.s32 $0xFFFFFFFF  }
0xb7: {  	_ =	strace $0x90000048  }
0xb8: {  	_ =	sfence  }
0xb9: {  	s30 =	sld [smem:$0x0];
	_ =	sdelay $0x2  }
0xba: {  	s31 =	sshll.u32 s1, $0xD;
	s1 =	sshrl.u32 s1, $0x2  }
0xbb: {  	s3 =	sand.u32 $0x4000, s31;
	s1 =	sadd.s32 s1, s30  }
0xbc: {  	s0 =	sor.u32 s3, s0;
	s1 =	sshll.u32 s1, $0x11  }
0xbd: {  	s0 =	sor.u32 s1, s0  }
0xbe: {  	s0 =	sadd.s32 $0x8F2B, s0  }
0xbf: {  	[sflag:s0] =	ssyncadd.remote.s32 $0x1  }
0xc0: {  	_ =	sfence.sel $0xFFFF  }
0xc1: {  	[dreg:$0x0] =	wrdreg $0xFFFFFFFF;
	(pc) =	sbr.abs _section_cstart, $3  }
0xc2: {  	[dreg:$0x1] =	wrdreg $0xFFFFFFFF  }
0xc3: {  	_ =	task.clear_ibuf [dreg:s8], $0x2FFFF;
	_ =	strace $0x9FFFFFFF  }
0xc4: {  	(tm) =	ssettm $0x7FFFFFFF  }
0xc5: {  	_ =	shalt  }
tec
execute0_lowered:
.L_overlay_start_1:
0x0: {  	(tag) =	ssettag $0x1  }
0x1: {  	s0 =	srdreg.scid;
	s4 =	rddreg [dreg:$0x0]  }
0x2: {  	s1 =	stileid.u32;
	s2 =	rddreg [dreg:$0x1]  }
0x3: {  	s5 =	simm.s32 $0x0;
	s10 =	simm.s32 $0x3E8;
	s28 =	simm.s32 $0x7D0  }
0x4: {  	s15 =	simm.s32 $0xBB8;
	s9 =	simm.s32 $0xFA0;
	s29 =	simm.s32 $0x1770  }
0x5: {  	s30 =	simm.s32 $0x1B58;
	s31 =	simm.s32 $0x1F40;
	s19 =	simm.s32 $0x2710  }
0x6: {  	s20 =	simm.s32 $0x2AF8;
	s21 =	simm.s32 $0x2EE0;
	s23 =	simm.s32 $0x32C8  }
0x7: {  	s17 =	simm.s32 $0x36B0;
	s18 =	simm.s32 $0x3A98;
	s0 =	sand.u32 $0x1, s0  }
0x8: {  	s1 =	sshll.u32 s1, $0x1;
	[smem:$0x7FF] =	sst s5;
	s26 =	sadd.s32 $0x1800, s4  }
0x9: {  	s4 =	simm.s32 $0x1388;
	s1 =	sor.u32 s0, s1;
	s0 =	ssub.s32 $0x2, s0  }
0xa: {  	_ =	strace $0x80000047;
	[dreg:$0x9] =	wrdreg s26;
	s3 =	smul.u32 $0xFA0, s1  }
.Ltmp0:
0xb: {  	p0 =	seq.s32 s1, $0x1F;
	s24 =	sshrl.u32 s0, $0x1;
	(pc) =	sbr.rel .LBB2_1-.Ltmp0, $4  }
0xc: {  	s25 =	sshll.u32 s1, $0xF;
	s0 =	ssub.s32 s0, s24;
	s3 =	simm.s32 @p0 $0x1D8A8  }
0xd: {  	[dreg:$0x7] =	wrdreg s25;
	s0 =	smax.u32 s0, $0x1;
	s2 =	sadd.s32 s3, s2  }
0xe: {  	p0 =	sne.s32 s1, $0x1F;
	[dreg:$0xa] =	wrdreg s0;
	s2 =	sadd.s32 $0x400, s2  }
0xf: {  	s1 =	simm.s32 $0x0;
	s3 =	simm.s32 $0x2328;
	[dreg:$0x8] =	wrdreg s2  }
.LBB2_16:
0x10: {  	s0 =	simm.s32 $0x4  }
0x11: {  	_ =	swait.ge [sflag:s0], $0x8000  }
0x12: {  	[sflag:s0] =	ssyncset.done $0x0  }
0x13: {  	s26 =	simm.s32 $0x5;
	[sflag:s0] =	ssyncadd.s32 $0xFFFF8000  }
0x14: {  	_ =	swait.ge [sflag:s26], $0x8000  }
0x15: {  	[sflag:s26] =	ssyncset.done $0x0  }
0x16: {  	s1 =	rddreg [dreg:$0xb];
	[sflag:s26] =	ssyncadd.s32 $0xFFFF8000  }
.LBB2_17:
0x17: {  	s1 =	sadd.s32 $0x1, s1;
	s0 =	rddreg [dreg:$0xa]  }
0x18: {  	p1 =	sne.s32 s1, s0  }
.Ltmp1:
0x19: {  	_ = 	snop;
	(pc) =	sbr.rel @!p1 .LBB2_18-.Ltmp1, $1  }
0x1a: {  	_ =	sdelay $0x3  }
.LBB2_1:
0x1b: {  	[dreg:$0xb] =	wrdreg s1  }
0x1c: {  	s0 =	rddreg [dreg:$0x8];
	s2 =	simm.s32 $0x0;
	s25 =	simm.s32 $0x1  }
0x1d: {  	[tilespmem:s2], [sflag:$0x1] =	stream.linear.gather [hbm4b:s0+s2], $0x7D00, $0x38;
	[tilespmem:$0x1BD00] =	vst v63  }
.Ltmp2:
0x1e: {  	_ =	swait.ge [sflag:s25], $0x7D00;
	(pc) =	sbr.rel .LBB2_2-.Ltmp2, $4  }
0x1f: {  	[sflag:s25] =	ssyncset.done $0x0  }
0x20: {  	[sflag:s25] =	ssyncadd.s32 $0xFFFF8300  }
0x21: {  	s26 =	simm.s32 $0x7D00;
	s14 =	simm.s32 $0x0;
	s0 =	rddreg [dreg:$0x0]  }
0x22: {  	[tilespmem:s26], [sflag:$0x2] =	stream.linear.gather [hbm4b:s0+s2], $0x2000, $0x38;
	[tilespmem:$0x1BD00] =	vst v63  }
.LBB2_15:
.Ltmp3:
0x23: {  	s1 =	rddreg [dreg:$0x7];
	(pc) =	sbr.rel @p1 .LBB2_16-.Ltmp3, $4  }
0x24: {  	s25 =	rddreg [dreg:$0x2];
	s0 =	sadd.s32 s1, s0  }
0x25: {  	s26 =	simm.s32 $0x13D00;
	s2 =	simm.s32 $0x0;
	s0 =	sshrl.u32 s0, $0x3  }
0x26: {  	s28 =	simm.s32 $0x7D0;
	s15 =	simm.s32 $0xBB8;
	s0 =	sadd.s32 s25, s0  }
0x27: {  	[hbm4b:s0+s2] =	stream.linear.scatter [tilespmem:s26], [sflag:$0x5], $0x8000, $0x38;
	[tilespmem:$0x1BD00] =	vst v63  }
.LBB2_2:
0x28: {  	s0 =	sand.u32 $0x3, s14  }
0x29: {  	p1 =	sne.s32 s0, $0x0  }
.Ltmp4:
0x2a: {  	_ = 	snop;
	(pc) =	sbr.rel @p1 .LBB2_7-.Ltmp4, $1  }
0x2b: {  	_ =	sdelay $0x3  }
0x2c: {  	p1 =	seq.s32 s14, $0x18  }
.Ltmp5:
0x2d: {  	_ = 	snop;
	(pc) =	sbr.rel @!p1 .LBB2_4-.Ltmp5, $1  }
0x2e: {  	_ =	sdelay $0x3  }
.Ltmp6:
0x2f: {  	(pc) =	sbr.rel .LBB2_7-.Ltmp6, $4  }
0x30: {  	s0 =	simm.s32 $0x2  }
0x31: {  	_ =	swait.ge [sflag:s0], $0x800  }
0x32: {  	[sflag:s0] =	ssyncset.done $0x0  }
0x33: {  	[sflag:s0] =	ssyncadd.s32 $0xFFFFF800  }
.LBB2_4:
0x34: {  	s0 =	sshrl.u32 s14, $0x2  }
0x35: {  	s2 =	sadd.s32 $0x1, s0  }
0x36: {  	p1 =	sgt.u32 s14, $0x13;
	s1 =	rddreg [dreg:$0x0];
	s6 =	sand.u32 $0x1, s2  }
0x37: {  	s13 =	simm.s32 @!p1 $0x0;
	s10 =	sshll.u32 @!p1 s2, $0xA;
	s8 =	sshll.u32 @!p1 s6, $0xD  }
0x38: {  	s12 =	sor.u32 @!p1 $0x2, s6;
	s10 =	sadd.s32 @!p1 s1, s10;
	s8 =	sadd.s32 @!p1 $0x7D00, s8  }
0x39: {  	[tilespmem:s8], [sflag:s12] =	stream.linear.gather @!p1 [hbm4b:s10+s13], $0x2000, $0x38;
	[tilespmem:$0x1BD00] =	vst v63  }
0x3a: {  	s1 =	rddreg [dreg:$0x9];
	p1 =	sne.s32 s2, $0x6  }
0x3b: {  	s2 =	sor.u32 @!p1 $0x2, s6;
	s6 =	simm.s32 @!p1 $0x0;
	s8 =	simm.s32 @!p1 $0x7D00  }
0x3c: {  	[tilespmem:s8], [sflag:s2] =	stream.linear.gather @!p1 [hbm4b:s1+s6], $0x100, $0x38;
	[tilespmem:$0x1BD00] =	vst v63  }
0x3d: {  	s10 =	simm.s32 @!p1 $0x8100;
	s8 =	sadd.s32 @!p1 $0x80, s1  }
0x3e: {  	[tilespmem:s10], [sflag:s2] =	stream.linear.gather @!p1 [hbm4b:s8+s6], $0x100, $0x38;
	[tilespmem:$0x1BD00] =	vst v63  }
0x3f: {  	s8 =	sadd.s32 @!p1 $0x100, s1;
	s10 =	simm.s32 @!p1 $0x8500  }
0x40: {  	[tilespmem:s10], [sflag:s2] =	stream.linear.gather @!p1 [hbm4b:s8+s6], $0x100, $0x38;
	[tilespmem:$0x1BD00] =	vst v63  }
0x41: {  	s8 =	sadd.s32 @!p1 $0x180, s1;
	s10 =	simm.s32 @!p1 $0x8900  }
0x42: {  	[tilespmem:s10], [sflag:s2] =	stream.linear.gather @!p1 [hbm4b:s8+s6], $0x100, $0x38;
	[tilespmem:$0x1BD00] =	vst v63  }
0x43: {  	s8 =	sadd.s32 @!p1 $0x200, s1;
	s10 =	simm.s32 @!p1 $0x8D00  }
0x44: {  	[tilespmem:s10], [sflag:s2] =	stream.linear.gather @!p1 [hbm4b:s8+s6], $0x100, $0x38;
	[tilespmem:$0x1BD00] =	vst v63  }
0x45: {  	s8 =	sadd.s32 @!p1 $0x280, s1;
	s10 =	simm.s32 @!p1 $0x9100  }
0x46: {  	[tilespmem:s10], [sflag:s2] =	stream.linear.gather @!p1 [hbm4b:s8+s6], $0x100, $0x38;
	[tilespmem:$0x1BD00] =	vst v63  }
0x47: {  	s8 =	sadd.s32 @!p1 $0x300, s1;
	s10 =	simm.s32 @!p1 $0x9500  }
0x48: {  	[tilespmem:s10], [sflag:s2] =	stream.linear.gather @!p1 [hbm4b:s8+s6], $0x100, $0x38;
	[tilespmem:$0x1BD00] =	vst v63  }
0x49: {  	s8 =	sadd.s32 @!p1 $0x380, s1;
	s10 =	simm.s32 @!p1 $0x9900  }
0x4a: {  	[tilespmem:s10], [sflag:s2] =	stream.linear.gather @!p1 [hbm4b:s8+s6], $0x100, $0x38;
	[tilespmem:$0x1BD00] =	vst v63  }
0x4b: {  	p1 =	seq.s32 s14, $0x0  }
.Ltmp7:
0x4c: {  	s0 =	sand.u32 $0x1, s0;
	(pc) =	sbr.rel @p1 .LBB2_5-.Ltmp7, $4  }
0x4d: {  	s0 =	sor.u32 $0x2, s0  }
0x4e: {  	_ =	swait.ge [sflag:s0], $0x2000  }
0x4f: {  	[sflag:s0] =	ssyncset.done $0x0  }
0x50: {  	s10 =	simm.s32 $0x3E8;
	[sflag:s0] =	ssyncadd.s32 $0xFFFFE000  }
.LBB2_7:
0x51: {  	s0 =	simm.s32 @p0 $0x4  }
0x52: {  	_ =	swait.ge @p0 [sflag:s0], $0x8000  }
0x53: {  	[sflag:s0] =	ssyncset.done @p0 $0x0  }
0x54: {  	[sflag:s0] =	ssyncadd.s32 @p0 $0xFFFF8000;
	s0 =	simm.s32 @!p0 $0x4  }
0x55: {  	_ =	swait.ge @!p0 [sflag:s0], $0x2000  }
0x56: {  	p1 =	por @p0 $0x0, $0x0;
	p2 =	por @!p0 $0x0, $0x0;
	[sflag:s0] =	ssyncset.done @!p0 $0x0  }
0x57: {  	p1 =	por @!p0 p2, p2;
	[sflag:s0] =	ssyncadd.s32 @!p0 $0xFFFFE000  }
.LBB2_8:
0x58: {  	s0 =	sshll.u32 s14, $0xB  }
0x59: {  	s2 =	sshll.u32 s14, $0x8;
	s0 =	sand.u32 $0x2000, s0  }
0x5a: {  	s2 =	sand.u32 $0x300, s2;
	s0 =	sadd.s32 $0x7D00, s0  }
0x5b: {  	[dreg:$0xe] =	wrdreg s0;
	s0 =	sadd.s32 s2, s0  }
0x5c: {  	s6 =	simm.s32 $0x0;
	[dreg:$0x4] =	wrdreg s0  }
0x5d: {  	s1 =	sand.u32 $0x60, s6;
	s7 =	sand.u32 $0x1C00, s6;
	s0 =	rddreg [dreg:$0x4]  }
0x5e: {  	s5 =	sor.u32 $0x10, s1;
	s0 =	sadd.s32 s7, s0  }
0x5f: {  	s11 =	sadd.s32 s5, s0  }
0x60: {  	v7 =	vld [tilespmem:s11+$0x0];
	_ =	sdelay $0x5  }
0x61: {  	s0 =	sadd.s32 s1, s0  }
0x62: {  	s8 =	simm.s32 $0x0;
	v4 =	vld [tilespmem:s0+$0x0]  }
0x63: {  	v0 =	vld.idx.msk [tilespmem:v7+s8+$0x0], $0xffff;
	_ =	sdelay $0x2  }
0x64: {  	s12 =	sadd.s32 $0xBD00, s7  }
0x65: {  	s13 =	sor.u32 s5, s12  }
0x66: {  	[tilespmem:s13+$0x0] =	vst v0  }
0x67: {  	v0 =	vld.idx.msk [tilespmem:v7+s10+$0x0], $0xffff;
	_ =	sdelay $0x1  }
0x68: {  	v1 =	vld.idx.msk [tilespmem:v4+s8+$0x0], $0xffff;
	_ =	sdelay $0x2  }
0x69: {  	[tilespmem:s13+$0x80] =	vst v0  }
0x6a: {  	s16 =	sor.u32 s1, s12;
	v0 =	vld.idx.msk [tilespmem:v7+s28+$0x0], $0xffff  }
0x6b: {  	[tilespmem:s16+$0x0] =	vst v1  }
0x6c: {  	v1 =	vld.idx.msk [tilespmem:v4+s10+$0x0], $0xffff;
	_ =	sdelay $0x2  }
0x6d: {  	[tilespmem:s13+$0x100] =	vst v0  }
0x6e: {  	v0 =	vld.idx.msk [tilespmem:v7+s15+$0x0], $0xffff  }
0x6f: {  	[tilespmem:s16+$0x80] =	vst v1  }
0x70: {  	v1 =	vld.idx.msk [tilespmem:v4+s28+$0x0], $0xffff;
	_ =	sdelay $0x2  }
0x71: {  	[tilespmem:s13+$0x180] =	vst v0  }
0x72: {  	v0 =	vld.idx.msk [tilespmem:v7+s9+$0x0], $0xffff  }
0x73: {  	[tilespmem:s16+$0x100] =	vst v1  }
0x74: {  	v1 =	vld.idx.msk [tilespmem:v4+s15+$0x0], $0xffff;
	_ =	sdelay $0x2  }
0x75: {  	[tilespmem:s13+$0x200] =	vst v0  }
0x76: {  	v0 =	vld.idx.msk [tilespmem:v7+s4+$0x0], $0xffff  }
0x77: {  	[tilespmem:s16+$0x180] =	vst v1  }
0x78: {  	v1 =	vld.idx.msk [tilespmem:v4+s9+$0x0], $0xffff;
	_ =	sdelay $0x2  }
0x79: {  	[tilespmem:s13+$0x280] =	vst v0  }
0x7a: {  	s22 =	sand.u32 $0x3, s6;
	v0 =	vld.idx.msk [tilespmem:v7+s29+$0x0], $0xffff  }
0x7b: {  	s0 =	sshll.u32 s22, $0x5;
	[tilespmem:s16+$0x200] =	vst v1  }
0x7c: {  	s24 =	sadd.s32 $0x0, s0;
	v1 =	vld.idx.msk [tilespmem:v4+s4+$0x0], $0xffff  }
0x7d: {  	s12 =	sadd.s32 $0x10, s24  }
0x7e: {  	s25 =	sor.u32 $0x300, s12  }
0x7f: {  	[tilespmem:s25+$0xBD00] =	vst v0  }
0x80: {  	v0 =	vld.idx.msk [tilespmem:v7+s30+$0x0], $0xffff;
	[dreg:$0xc] =	wrdreg s14  }
0x81: {  	s2 =	simm.s32 $0x20;
	s26 =	rddreg [dreg:$0x4];
	s0 =	simm.s32 $0x100;
	[tilespmem:s16+$0x280] =	vst v1  }
0x82: {  	s15 =	sor.u32 $0x380, s12;
	s12 =	sand.u32 $0x60, s2;
	s13 =	sand.u32 $0x1C00, s0;
	v1 =	vld.idx.msk [tilespmem:v4+s29+$0x0], $0xffff  }
0x83: {  	s14 =	sor.u32 $0x10, s12;
	s16 =	sadd.s32 s13, s26  }
0x84: {  	s22 =	sadd.s32 s14, s16  }
0x85: {  	[tilespmem:s15+$0xBD00] =	vst v0;
	v0 =	vld [tilespmem:s22+$0x0]  }
0x86: {  	s10 =	sor.u32 $0x300, s24;
	v2 =	vld.idx.msk [tilespmem:v7+s31+$0x0], $0xffff  }
0x87: {  	[tilespmem:s10+$0xBD00] =	vst v1  }
0x88: {  	s8 =	sadd.s32 s12, s16;
	v3 =	vld.idx.msk [tilespmem:v4+s30+$0x0], $0xffff  }
0x89: {  	s24 =	sadd.s32 $0xDD00, s7;
	v1 =	vld [tilespmem:s8+$0x0]  }
0x8a: {  	s25 =	sor.u32 s5, s24  }
0x8b: {  	s6 =	sor.u32 s6, s6;
	[tilespmem:s25+$0x0] =	vst v2  }
0x8c: {  	s6 =	sor.u32 $0x380, s6;
	s11 =	simm.s32 $0x0;
	v2 =	vld.idx.msk [tilespmem:v7+s3+$0x0], $0xffff  }
0x8d: {  	v5 =	vld.idx.msk [tilespmem:v0+s11+$0x0], $0xffff;
	[tilespmem:s6+$0xBD00] =	vst v3  }
0x8e: {  	v3 =	vld.idx.msk [tilespmem:v4+s31+$0x0], $0xffff  }
0x8f: {  	s26 =	sadd.s32 $0xDD80, s7  }
0x90: {  	s16 =	sor.u32 s5, s26;
	s22 =	sadd.s32 $0xBD00, s13  }
0x91: {  	s15 =	sor.u32 s14, s22;
	v6 =	vld.idx.msk [tilespmem:v1+s11+$0x0], $0xffff;
	[tilespmem:s16+$0x0] =	vst v2  }
0x92: {  	s10 =	sor.u32 s1, s24;
	s25 =	simm.s32 $0x3E8;
	v2 =	vld.idx.msk [tilespmem:v7+s19+$0x0], $0xffff;
	[tilespmem:s15+$0x0] =	vst v5  }
0x93: {  	v5 =	vld.idx.msk [tilespmem:v0+s25+$0x0], $0xffff;
	[tilespmem:s10+$0x0] =	vst v3  }
0x94: {  	v3 =	vld.idx.msk [tilespmem:v4+s3+$0x0], $0xffff  }
0x95: {  	s24 =	sadd.s32 $0xDE00, s7;
	s8 =	sor.u32 s12, s22  }
0x96: {  	s16 =	sor.u32 s5, s24;
	[tilespmem:s8+$0x0] =	vst v6  }
0x97: {  	v6 =	vld.idx.msk [tilespmem:v1+s25+$0x0], $0xffff;
	[tilespmem:s16+$0x0] =	vst v2  }
0x98: {  	s6 =	sor.u32 s1, s26;
	v2 =	vld.idx.msk [tilespmem:v7+s20+$0x0], $0xffff;
	[tilespmem:s15+$0x80] =	vst v5  }
0x99: {  	v5 =	vld.idx.msk [tilespmem:v0+s28+$0x0], $0xffff;
	[tilespmem:s6+$0x0] =	vst v3  }
0x9a: {  	v3 =	vld.idx.msk [tilespmem:v4+s19+$0x0], $0xffff  }
0x9b: {  	s26 =	sadd.s32 $0xDE80, s7  }
0x9c: {  	s11 =	sor.u32 s5, s26;
	[tilespmem:s8+$0x80] =	vst v6  }
0x9d: {  	v6 =	vld.idx.msk [tilespmem:v1+s28+$0x0], $0xffff;
	[tilespmem:s11+$0x0] =	vst v2  }
0x9e: {  	s22 =	simm.s32 $0xBB8;
	s10 =	sor.u32 s1, s24;
	v2 =	vld.idx.msk [tilespmem:v7+s21+$0x0], $0xffff;
	[tilespmem:s15+$0x100] =	vst v5  }
0x9f: {  	v5 =	vld.idx.msk [tilespmem:v0+s22+$0x0], $0xffff;
	[tilespmem:s10+$0x0] =	vst v3  }
0xa0: {  	v3 =	vld.idx.msk [tilespmem:v4+s20+$0x0], $0xffff  }
0xa1: {  	s24 =	sadd.s32 $0xDF00, s7  }
0xa2: {  	s25 =	sor.u32 s5, s24;
	[tilespmem:s8+$0x100] =	vst v6  }
0xa3: {  	v6 =	vld.idx.msk [tilespmem:v1+s22+$0x0], $0xffff;
	[tilespmem:s25+$0x0] =	vst v2  }
0xa4: {  	s6 =	sor.u32 s1, s26;
	v2 =	vld.idx.msk [tilespmem:v7+s23+$0x0], $0xffff;
	[tilespmem:s15+$0x180] =	vst v5  }
0xa5: {  	v5 =	vld.idx.msk [tilespmem:v0+s9+$0x0], $0xffff;
	[tilespmem:s6+$0x0] =	vst v3  }
0xa6: {  	v3 =	vld.idx.msk [tilespmem:v4+s21+$0x0], $0xffff  }
0xa7: {  	s26 =	sadd.s32 $0xDF80, s7  }
0xa8: {  	s11 =	sor.u32 s5, s26;
	[tilespmem:s8+$0x180] =	vst v6  }
0xa9: {  	v6 =	vld.idx.msk [tilespmem:v1+s9+$0x0], $0xffff;
	[tilespmem:s11+$0x0] =	vst v2  }
0xaa: {  	s10 =	sor.u32 s1, s24;
	v2 =	vld.idx.msk [tilespmem:v7+s17+$0x0], $0xffff;
	[tilespmem:s15+$0x200] =	vst v5  }
0xab: {  	v5 =	vld.idx.msk [tilespmem:v0+s4+$0x0], $0xffff;
	[tilespmem:s10+$0x0] =	vst v3  }
0xac: {  	v3 =	vld.idx.msk [tilespmem:v4+s23+$0x0], $0xffff  }
0xad: {  	s10 =	sor.u32 $0xE000, s7  }
0xae: {  	s22 =	sor.u32 s5, s10;
	[tilespmem:s8+$0x200] =	vst v6  }
0xaf: {  	v6 =	vld.idx.msk [tilespmem:v1+s4+$0x0], $0xffff;
	[tilespmem:s22+$0x0] =	vst v2  }
0xb0: {  	s24 =	simm.s32 $0x1;
	s6 =	sor.u32 s1, s26;
	v2 =	vld.idx.msk [tilespmem:v7+s18+$0x0], $0xffff;
	[tilespmem:s15+$0x280] =	vst v5  }
0xb1: {  	s15 =	sand.u32 $0x3, s24;
	v5 =	vld.idx.msk [tilespmem:v0+s29+$0x0], $0xffff;
	[tilespmem:s6+$0x0] =	vst v3  }
0xb2: {  	s15 =	sshll.u32 s15, $0x5;
	v3 =	vld.idx.msk [tilespmem:v4+s17+$0x0], $0xffff  }
0xb3: {  	s6 =	sor.u32 $0xE080, s7;
	s15 =	sadd.s32 $0x100, s15  }
0xb4: {  	s25 =	sor.u32 s5, s6;
	[tilespmem:s8+$0x280] =	vst v6;
	s26 =	sadd.s32 $0x10, s15  }
0xb5: {  	v6 =	vld.idx.msk [tilespmem:v1+s29+$0x0], $0xffff;
	s11 =	sor.u32 $0x300, s26;
	[tilespmem:s25+$0x0] =	vst v2;
	s25 =	simm.s32 $0x3E80  }
0xb6: {  	s17 =	sor.u32 s1, s10;
	v2 =	vld.idx.msk [tilespmem:v7+s25+$0x0], $0xffff;
	[tilespmem:s11+$0xBD00] =	vst v5  }
0xb7: {  	v5 =	vld.idx.msk [tilespmem:v0+s30+$0x0], $0xffff;
	[tilespmem:s17+$0x0] =	vst v3  }
0xb8: {  	v3 =	vld.idx.msk [tilespmem:v4+s18+$0x0], $0xffff  }
0xb9: {  	s8 =	sadd.s32 $0xFD00, s7;
	s15 =	sor.u32 $0x300, s15  }
0xba: {  	s22 =	simm.s32 $0x200;
	s18 =	sor.u32 s5, s8;
	[tilespmem:s15+$0xBD00] =	vst v6  }
0xbb: {  	s24 =	simm.s32 $0x4268;
	s16 =	sand.u32 $0x1C00, s22;
	s26 =	sor.u32 $0x380, s26;
	v8 =	vld.idx.msk [tilespmem:v1+s30+$0x0], $0xffff;
	[tilespmem:s18+$0x0] =	vst v2  }
0xbc: {  	s6 =	sor.u32 s1, s6;
	s17 =	rddreg [dreg:$0x4];
	s18 =	simm.s32 $0x40;
	v6 =	vld.idx.msk [tilespmem:v7+s24+$0x0], $0xffff;
	[tilespmem:s26+$0xBD00] =	vst v5  }
0xbd: {  	s22 =	sadd.s32 s16, s17;
	s15 =	sand.u32 $0x60, s18;
	v5 =	vld.idx.msk [tilespmem:v0+s31+$0x0], $0xffff;
	[tilespmem:s6+$0x0] =	vst v3  }
0xbe: {  	s0 =	sor.u32 s0, s2;
	s17 =	sor.u32 $0x10, s15;
	s10 =	sadd.s32 s15, s22;
	v9 =	vld.idx.msk [tilespmem:v4+s25+$0x0], $0xffff  }
0xbf: {  	s0 =	sor.u32 $0x380, s0;
	s24 =	sadd.s32 s17, s22;
	v3 =	vld [tilespmem:s10+$0x0]  }
0xc0: {  	s6 =	sadd.s32 $0xFD80, s7;
	[tilespmem:s0+$0xBD00] =	vst v8;
	v2 =	vld [tilespmem:s24+$0x0]  }
0xc1: {  	s26 =	sor.u32 s5, s6;
	v8 =	vld.idx.msk [tilespmem:v1+s31+$0x0], $0xffff  }
0xc2: {  	s18 =	sadd.s32 $0xDD00, s13;
	s22 =	simm.s32 $0x4650;
	[tilespmem:s26+$0x0] =	vst v6  }
0xc3: {  	s24 =	sor.u32 s14, s18;
	v6 =	vld.idx.msk [tilespmem:v7+s22+$0x0], $0xffff  }
0xc4: {  	s8 =	sor.u32 s1, s8;
	[tilespmem:s24+$0x0] =	vst v5  }
0xc5: {  	s11 =	simm.s32 $0x4268;
	s24 =	sor.u32 s12, s18;
	[tilespmem:s8+$0x0] =	vst v9;
	v5 =	vld.idx.msk [tilespmem:v0+s3+$0x0], $0xffff  }
0xc6: {  	s8 =	sadd.s32 $0xFE00, s7;
	v9 =	vld.idx.msk [tilespmem:v4+s11+$0x0], $0xffff;
	[tilespmem:s24+$0x0] =	vst v8  }
0xc7: {  	s10 =	simm.s32 $0x0;
	s26 =	sor.u32 s5, s8;
	v11 =	vld.idx.msk [tilespmem:v1+s3+$0x0], $0xffff  }
0xc8: {  	v8 =	vld.idx.msk [tilespmem:v3+s10+$0x0], $0xffff;
	[tilespmem:s26+$0x0] =	vst v6;
	s26 =	sadd.s32 $0xDD80, s13  }
0xc9: {  	s11 =	simm.s32 $0x4A38;
	v10 =	vld.idx.msk [tilespmem:v2+s10+$0x0], $0xffff;
	s2 =	sor.u32 s14, s26  }
0xca: {  	s6 =	sor.u32 s1, s6;
	v6 =	vld.idx.msk [tilespmem:v7+s11+$0x0], $0xffff;
	[tilespmem:s2+$0x0] =	vst v5  }
0xcb: {  	s22 =	simm.s32 $0x4650;
	s18 =	sadd.s32 $0xBD00, s16;
	s10 =	sor.u32 s12, s26;
	[tilespmem:s6+$0x0] =	vst v9;
	v5 =	vld.idx.msk [tilespmem:v0+s19+$0x0], $0xffff  }
0xcc: {  	s0 =	sor.u32 s15, s18;
	v9 =	vld.idx.msk [tilespmem:v4+s22+$0x0], $0xffff;
	[tilespmem:s10+$0x0] =	vst v11  }
0xcd: {  	s24 =	simm.s32 $0x3E8;
	s2 =	sor.u32 s17, s18;
	s6 =	sadd.s32 $0xFE80, s7;
	[tilespmem:s0+$0x0] =	vst v8;
	v11 =	vld.idx.msk [tilespmem:v1+s19+$0x0], $0xffff  }
0xce: {  	s18 =	sadd.s32 $0xDE00, s13;
	s22 =	sor.u32 s5, s6;
	[tilespmem:s2+$0x0] =	vst v10;
	v8 =	vld.idx.msk [tilespmem:v3+s24+$0x0], $0xffff  }
0xcf: {  	s26 =	simm.s32 $0x4E20;
	v10 =	vld.idx.msk [tilespmem:v2+s24+$0x0], $0xffff;
	[tilespmem:s22+$0x0] =	vst v6;
	s24 =	sor.u32 s14, s18  }
0xd0: {  	s8 =	sor.u32 s1, s8;
	v6 =	vld.idx.msk [tilespmem:v7+s26+$0x0], $0xffff;
	[tilespmem:s24+$0x0] =	vst v5  }
0xd1: {  	s19 =	sor.u32 s12, s18;
	[tilespmem:s8+$0x0] =	vst v9;
	v5 =	vld.idx.msk [tilespmem:v0+s20+$0x0], $0xffff  }
0xd2: {  	v9 =	vld.idx.msk [tilespmem:v4+s11+$0x0], $0xffff;
	[tilespmem:s19+$0x0] =	vst v11  }
0xd3: {  	s8 =	sadd.s32 $0xFF00, s7;
	[tilespmem:s0+$0x80] =	vst v8;
	v11 =	vld.idx.msk [tilespmem:v1+s20+$0x0], $0xffff  }
0xd4: {  	s18 =	sadd.s32 $0xDE80, s13;
	s11 =	sor.u32 s5, s8;
	[tilespmem:s2+$0x80] =	vst v10;
	v8 =	vld.idx.msk [tilespmem:v3+s28+$0x0], $0xffff  }
0xd5: {  	s24 =	simm.s32 $0x5208;
	v10 =	vld.idx.msk [tilespmem:v2+s28+$0x0], $0xffff;
	[tilespmem:s11+$0x0] =	vst v6;
	s11 =	sor.u32 s14, s18  }
0xd6: {  	s6 =	sor.u32 s1, s6;
	v6 =	vld.idx.msk [tilespmem:v7+s24+$0x0], $0xffff;
	[tilespmem:s11+$0x0] =	vst v5  }
0xd7: {  	s26 =	simm.s32 $0x4E20;
	s24 =	sor.u32 s12, s18;
	[tilespmem:s6+$0x0] =	vst v9;
	v5 =	vld.idx.msk [tilespmem:v0+s21+$0x0], $0xffff  }
0xd8: {  	v9 =	vld.idx.msk [tilespmem:v4+s26+$0x0], $0xffff;
	[tilespmem:s24+$0x0] =	vst v11  }
0xd9: {  	s20 =	simm.s32 $0xBB8;
	s6 =	sadd.s32 $0xFF80, s7;
	[tilespmem:s0+$0x100] =	vst v8;
	v11 =	vld.idx.msk [tilespmem:v1+s21+$0x0], $0xffff  }
0xda: {  	s19 =	sor.u32 s5, s6;
	s26 =	sadd.s32 $0xDF00, s13;
	[tilespmem:s2+$0x100] =	vst v10;
	v8 =	vld.idx.msk [tilespmem:v3+s20+$0x0], $0xffff  }
0xdb: {  	v10 =	vld.idx.msk [tilespmem:v2+s20+$0x0], $0xffff;
	[tilespmem:s19+$0x0] =	vst v6;
	s19 =	simm.s32 $0x55F0;
	s20 =	sor.u32 s14, s26  }
0xdc: {  	s8 =	sor.u32 s1, s8;
	v6 =	vld.idx.msk [tilespmem:v7+s19+$0x0], $0xffff;
	[tilespmem:s20+$0x0] =	vst v5  }
0xdd: {  	s22 =	simm.s32 $0x5208;
	s24 =	sor.u32 s12, s26;
	[tilespmem:s8+$0x0] =	vst v9;
	v5 =	vld.idx.msk [tilespmem:v0+s23+$0x0], $0xffff  }
0xde: {  	v9 =	vld.idx.msk [tilespmem:v4+s22+$0x0], $0xffff;
	[tilespmem:s24+$0x0] =	vst v11  }
0xdf: {  	s8 =	sor.u32 $0x10000, s7;
	[tilespmem:s0+$0x180] =	vst v8;
	v11 =	vld.idx.msk [tilespmem:v1+s23+$0x0], $0xffff  }
0xe0: {  	s26 =	sadd.s32 $0xDF80, s13;
	s22 =	sor.u32 s5, s8;
	[tilespmem:s2+$0x180] =	vst v10;
	v8 =	vld.idx.msk [tilespmem:v3+s9+$0x0], $0xffff  }
0xe1: {  	s21 =	sor.u32 s14, s26;
	s20 =	simm.s32 $0x59D8;
	v10 =	vld.idx.msk [tilespmem:v2+s9+$0x0], $0xffff;
	[tilespmem:s22+$0x0] =	vst v6  }
0xe2: {  	s6 =	sor.u32 s1, s6;
	v6 =	vld.idx.msk [tilespmem:v7+s20+$0x0], $0xffff;
	[tilespmem:s21+$0x0] =	vst v5;
	s21 =	simm.s32 $0x36B0  }
0xe3: {  	s19 =	simm.s32 $0x55F0;
	s23 =	sor.u32 s12, s26;
	[tilespmem:s6+$0x0] =	vst v9;
	v5 =	vld.idx.msk [tilespmem:v0+s21+$0x0], $0xffff  }
0xe4: {  	v9 =	vld.idx.msk [tilespmem:v4+s19+$0x0], $0xffff;
	[tilespmem:s23+$0x0] =	vst v11  }
0xe5: {  	s6 =	sor.u32 $0x10080, s7;
	[tilespmem:s0+$0x200] =	vst v8;
	v11 =	vld.idx.msk [tilespmem:v1+s21+$0x0], $0xffff  }
0xe6: {  	s24 =	sor.u32 $0xE000, s13;
	s22 =	sor.u32 s5, s6;
	[tilespmem:s2+$0x200] =	vst v10;
	v8 =	vld.idx.msk [tilespmem:v3+s4+$0x0], $0xffff  }
0xe7: {  	s26 =	simm.s32 $0x5DC0;
	s11 =	sor.u32 s14, s24;
	v10 =	vld.idx.msk [tilespmem:v2+s4+$0x0], $0xffff;
	[tilespmem:s22+$0x0] =	vst v6  }
0xe8: {  	s8 =	sor.u32 s1, s8;
	v6 =	vld.idx.msk [tilespmem:v7+s26+$0x0], $0xffff;
	[tilespmem:s11+$0x0] =	vst v5;
	s11 =	simm.s32 $0x3A98  }
0xe9: {  	s20 =	simm.s32 $0x59D8;
	s23 =	sor.u32 s12, s24;
	[tilespmem:s8+$0x0] =	vst v9;
	v5 =	vld.idx.msk [tilespmem:v0+s11+$0x0], $0xffff  }
0xea: {  	v9 =	vld.idx.msk [tilespmem:v4+s20+$0x0], $0xffff;
	[tilespmem:s23+$0x0] =	vst v11  }
0xeb: {  	s8 =	sadd.s32 $0x11D00, s7;
	[tilespmem:s0+$0x280] =	vst v8;
	v11 =	vld.idx.msk [tilespmem:v1+s11+$0x0], $0xffff  }
0xec: {  	s21 =	simm.s32 $0x2;
	s20 =	sor.u32 s5, s8;
	[tilespmem:s2+$0x280] =	vst v10;
	v8 =	vld.idx.msk [tilespmem:v3+s29+$0x0], $0xffff  }
0xed: {  	s24 =	sor.u32 $0xE080, s13;
	s22 =	sand.u32 $0x3, s21;
	s26 =	simm.s32 $0x61A8;
	v10 =	vld.idx.msk [tilespmem:v2+s29+$0x0], $0xffff;
	[tilespmem:s20+$0x0] =	vst v6  }
0xee: {  	s2 =	sshll.u32 s22, $0x5;
	s29 =	sor.u32 s14, s24;
	v6 =	vld.idx.msk [tilespmem:v7+s26+$0x0], $0xffff  }
0xef: {  	s6 =	sor.u32 s1, s6;
	s2 =	sadd.s32 $0x200, s2;
	[tilespmem:s29+$0x0] =	vst v5  }
0xf0: {  	s0 =	sor.u32 s12, s24;
	s10 =	sadd.s32 $0x10, s2;
	[tilespmem:s6+$0x0] =	vst v9  }
0xf1: {  	s19 =	simm.s32 $0x5DC0;
	s11 =	sor.u32 $0x300, s10;
	s6 =	sadd.s32 $0x11D80, s7;
	v5 =	vld.idx.msk [tilespmem:v0+s25+$0x0], $0xffff;
	[tilespmem:s0+$0x0] =	vst v11  }
0xf2: {  	v9 =	vld.idx.msk [tilespmem:v4+s19+$0x0], $0xffff;
	s19 =	sor.u32 s5, s6;
	[tilespmem:s11+$0xBD00] =	vst v10  }
0xf3: {  	s21 =	simm.s32 $0x6590;
	s2 =	sor.u32 $0x300, s2;
	v10 =	vld.idx.msk [tilespmem:v2+s30+$0x0], $0xffff;
	[tilespmem:s19+$0x0] =	vst v6  }
0xf4: {  	s8 =	sor.u32 s1, s8;
	[tilespmem:s2+$0xBD00] =	vst v8;
	s2 =	sadd.s32 $0xFD00, s13;
	v6 =	vld.idx.msk [tilespmem:v7+s21+$0x0], $0xffff  }
0xf5: {  	s23 =	simm.s32 $0x300;
	s20 =	simm.s32 $0x61A8;
	v11 =	vld.idx.msk [tilespmem:v1+s25+$0x0], $0xffff;
	s22 =	sor.u32 s14, s2  }
0xf6: {  	s26 =	simm.s32 $0x4268;
	s29 =	rddreg [dreg:$0x4];
	s10 =	sor.u32 $0x380, s10;
	v8 =	vld.idx.msk [tilespmem:v3+s30+$0x0], $0xffff;
	[tilespmem:s22+$0x0] =	vst v5  }
0xf7: {  	s25 =	sadd.s32 $0xFD80, s13;
	s21 =	simm.s32 $0x60;
	[tilespmem:s8+$0x0] =	vst v9;
	s8 =	sadd.s32 $0x11E00, s7;
	v12 =	vld.idx.msk [tilespmem:v0+s26+$0x0], $0xffff  }
0xf8: {  	s19 =	sand.u32 $0x1C00, s23;
	s18 =	sand.u32 $0x60, s21;
	v9 =	vld.idx.msk [tilespmem:v4+s20+$0x0], $0xffff;
	s22 =	sor.u32 s5, s8;
	[tilespmem:s10+$0xBD00] =	vst v10  }
0xf9: {  	s23 =	simm.s32 $0x6978;
	s0 =	sadd.s32 s19, s29;
	s20 =	sor.u32 $0x10, s18;
	v10 =	vld.idx.msk [tilespmem:v2+s31+$0x0], $0xffff;
	[tilespmem:s22+$0x0] =	vst v6  }
0xfa: {  	s10 =	sadd.s32 s20, s0;
	s22 =	simm.s32 $0x40;
	v13 =	vld.idx.msk [tilespmem:v7+s23+$0x0], $0xffff;
	s23 =	simm.s32 $0x200  }
0xfb: {  	s0 =	sadd.s32 s18, s0;
	v6 =	vld [tilespmem:s10+$0x0];
	s22 =	sor.u32 s23, s22;
	s23 =	sor.u32 s14, s25  }
0xfc: {  	v5 =	vld [tilespmem:s0+$0x0];
	s22 =	sor.u32 $0x380, s22;
	[tilespmem:s23+$0x0] =	vst v12;
	s23 =	simm.s32 $0x4650  }
0xfd: {  	s10 =	sor.u32 s12, s2;
	s2 =	sadd.s32 $0xDD00, s16;
	[tilespmem:s22+$0xBD00] =	vst v8;
	v8 =	vld.idx.msk [tilespmem:v0+s23+$0x0], $0xffff  }
0xfe: {  	[tilespmem:s10+$0x0] =	vst v11;
	s22 =	sor.u32 s17, s2;
	v11 =	vld.idx.msk [tilespmem:v3+s31+$0x0], $0xffff  }
0xff: {  	s6 =	sor.u32 s1, s6;
	s31 =	sadd.s32 $0x11E80, s7;
	[tilespmem:s22+$0x0] =	vst v10;
	v10 =	vld.idx.msk [tilespmem:v1+s26+$0x0], $0xffff  }
0x100: {  	s24 =	simm.s32 $0x6590;
	[tilespmem:s6+$0x0] =	vst v9;
	s0 =	sor.u32 s5, s31;
	v12 =	vld.idx.msk [tilespmem:v2+s3+$0x0], $0xffff  }
0x101: {  	s6 =	simm.s32 $0x6D60;
	s22 =	sadd.s32 $0xFE00, s13;
	[tilespmem:s0+$0x0] =	vst v13;
	v13 =	vld.idx.msk [tilespmem:v4+s24+$0x0], $0xffff  }
0x102: {  	s26 =	simm.s32 $0x0;
	s10 =	sor.u32 s14, s22;
	v9 =	vld.idx.msk [tilespmem:v7+s6+$0x0], $0xffff  }
0x103: {  	s29 =	simm.s32 $0x4A38;
	s2 =	sor.u32 s15, s2;
	v14 =	vld.idx.msk [tilespmem:v6+s26+$0x0], $0xffff;
	[tilespmem:s10+$0x0] =	vst v8  }
0x104: {  	s0 =	sor.u32 s12, s25;
	s10 =	sadd.s32 $0xDD80, s16;
	[tilespmem:s2+$0x0] =	vst v11;
	v8 =	vld.idx.msk [tilespmem:v0+s29+$0x0], $0xffff  }
0x105: {  	v11 =	vld.idx.msk [tilespmem:v5+s26+$0x0], $0xffff;
	s25 =	sor.u32 s17, s10;
	[tilespmem:s0+$0x0] =	vst v10  }
0x106: {  	s11 =	simm.s32 $0x2710;
	s6 =	sadd.s32 $0x11F00, s7;
	s0 =	sor.u32 s1, s8;
	v10 =	vld.idx.msk [tilespmem:v3+s3+$0x0], $0xffff;
	[tilespmem:s25+$0x0] =	vst v12  }
0x107: {  	s26 =	sor.u32 s5, s6;
	s25 =	sadd.s32 $0xBD00, s19;
	v12 =	vld.idx.msk [tilespmem:v2+s11+$0x0], $0xffff;
	[tilespmem:s0+$0x0] =	vst v13  }
0x108: {  	s3 =	simm.s32 $0x7148;
	s8 =	sor.u32 s20, s25;
	v13 =	vld.idx.msk [tilespmem:v1+s23+$0x0], $0xffff;
	[tilespmem:s26+$0x0] =	vst v9;
	s26 =	sadd.s32 $0xFE80, s13  }
0x109: {  	s0 =	simm.s32 $0x3E8;
	[tilespmem:s8+$0x0] =	vst v14;
	v9 =	vld.idx.msk [tilespmem:v7+s3+$0x0], $0xffff;
	s23 =	sor.u32 s14, s26  }
0x10a: {  	s2 =	sor.u32 s18, s25;
	v14 =	vld.idx.msk [tilespmem:v6+s0+$0x0], $0xffff;
	[tilespmem:s23+$0x0] =	vst v8;
	s23 =	simm.s32 $0x4E20  }
0x10b: {  	s24 =	sadd.s32 $0xDE00, s16;
	s10 =	sor.u32 s15, s10;
	[tilespmem:s2+$0x0] =	vst v11;
	v8 =	vld.idx.msk [tilespmem:v0+s23+$0x0], $0xffff  }
0x10c: {  	s3 =	sor.u32 s17, s24;
	v11 =	vld.idx.msk [tilespmem:v5+s0+$0x0], $0xffff;
	[tilespmem:s10+$0x0] =	vst v10  }
0x10d: {  	s22 =	sor.u32 s12, s22;
	s10 =	sadd.s32 $0x11F80, s7;
	v10 =	vld.idx.msk [tilespmem:v3+s11+$0x0], $0xffff;
	[tilespmem:s3+$0x0] =	vst v12;
	s3 =	simm.s32 $0x2AF8  }
0x10e: {  	s11 =	sor.u32 s5, s10;
	[tilespmem:s22+$0x0] =	vst v13;
	v12 =	vld.idx.msk [tilespmem:v2+s3+$0x0], $0xffff  }
0x10f: {  	s25 =	simm.s32 $0x7530;
	s22 =	sadd.s32 $0xFF00, s13;
	v13 =	vld.idx.msk [tilespmem:v1+s29+$0x0], $0xffff;
	[tilespmem:s11+$0x0] =	vst v9  }
0x110: {  	[tilespmem:s8+$0x80] =	vst v14;
	s11 =	sor.u32 s14, s22;
	v9 =	vld.idx.msk [tilespmem:v7+s25+$0x0], $0xffff  }
0x111: {  	v14 =	vld.idx.msk [tilespmem:v6+s28+$0x0], $0xffff;
	[tilespmem:s11+$0x0] =	vst v8;
	s11 =	simm.s32 $0x5208  }
0x112: {  	s24 =	sor.u32 s15, s24;
	s25 =	sadd.s32 $0xDE80, s16;
	[tilespmem:s2+$0x80] =	vst v11;
	v8 =	vld.idx.msk [tilespmem:v0+s11+$0x0], $0xffff  }
0x113: {  	v11 =	vld.idx.msk [tilespmem:v5+s28+$0x0], $0xffff;
	[tilespmem:s24+$0x0] =	vst v10;
	s28 =	sor.u32 s17, s25  }
0x114: {  	s26 =	sor.u32 s12, s26;
	s0 =	simm.s32 $0x2EE0;
	s24 =	sor.u32 $0x12000, s7;
	v10 =	vld.idx.msk [tilespmem:v3+s3+$0x0], $0xffff;
	[tilespmem:s28+$0x0] =	vst v12  }
0x115: {  	s28 =	sor.u32 s5, s24;
	[tilespmem:s26+$0x0] =	vst v13;
	v12 =	vld.idx.msk [tilespmem:v2+s0+$0x0], $0xffff  }
0x116: {  	s29 =	simm.s32 $0x7918;
	s26 =	sadd.s32 $0xFF80, s13;
	[tilespmem:s28+$0x0] =	vst v9;
	v9 =	vld.idx.msk [tilespmem:v1+s23+$0x0], $0xffff  }
0x117: {  	[tilespmem:s8+$0x100] =	vst v14;
	s28 =	sor.u32 s14, s26;
	v7 =	vld.idx.msk [tilespmem:v7+s29+$0x0], $0xffff;
	s29 =	simm.s32 $0xBB8  }
0x118: {  	s3 =	simm.s32 $0x55F0;
	v13 =	vld.idx.msk [tilespmem:v6+s29+$0x0], $0xffff;
	[tilespmem:s28+$0x0] =	vst v8  }
0x119: {  	s25 =	sor.u32 s15, s25;
	[tilespmem:s2+$0x100] =	vst v11;
	s28 =	sadd.s32 $0xDF00, s16;
	v8 =	vld.idx.msk [tilespmem:v0+s3+$0x0], $0xffff  }
0x11a: {  	v11 =	vld.idx.msk [tilespmem:v5+s29+$0x0], $0xffff;
	[tilespmem:s25+$0x0] =	vst v10;
	s29 =	sor.u32 s17, s28  }
0x11b: {  	s22 =	sor.u32 s12, s22;
	s25 =	sor.u32 $0x12080, s7;
	[tilespmem:s29+$0x0] =	vst v12  }
0x11c: {  	v10 =	vld.idx.msk [tilespmem:v3+s0+$0x0], $0xffff;
	s7 =	sor.u32 s5, s25;
	s5 =	simm.s32 $0x32C8;
	[tilespmem:s22+$0x0] =	vst v9  }
0x11d: {  	s29 =	simm.s32 $0x6978;
	v12 =	vld.idx.msk [tilespmem:v2+s5+$0x0], $0xffff;
	s22 =	sor.u32 $0x10000, s13;
	[tilespmem:s7+$0x0] =	vst v7  }
0x11e: {  	v7 =	vld.idx.msk [tilespmem:v4+s29+$0x0], $0xffff;
	s0 =	sor.u32 s14, s22;
	[tilespmem:s8+$0x180] =	vst v13  }
0x11f: {  	v9 =	vld.idx.msk [tilespmem:v1+s11+$0x0], $0xffff;
	[tilespmem:s0+$0x0] =	vst v8  }
0x120: {  	s28 =	sor.u32 s15, s28;
	s29 =	sadd.s32 $0xDF80, s16;
	s11 =	simm.s32 $0x59D8;
	v13 =	vld.idx.msk [tilespmem:v6+s9+$0x0], $0xffff;
	[tilespmem:s2+$0x180] =	vst v11  }
0x121: {  	v8 =	vld.idx.msk [tilespmem:v0+s11+$0x0], $0xffff;
	[tilespmem:s28+$0x0] =	vst v10;
	s28 =	sor.u32 s17, s29  }
0x122: {  	s7 =	sor.u32 s1, s31;
	v11 =	vld.idx.msk [tilespmem:v5+s9+$0x0], $0xffff;
	[tilespmem:s28+$0x0] =	vst v12  }
0x123: {  	s26 =	sor.u32 s12, s26;
	s9 =	simm.s32 $0x36B0;
	v10 =	vld.idx.msk [tilespmem:v3+s5+$0x0], $0xffff;
	[tilespmem:s7+$0x0] =	vst v7  }
0x124: {  	v12 =	vld.idx.msk [tilespmem:v2+s9+$0x0], $0xffff;
	[tilespmem:s26+$0x0] =	vst v9;
	s26 =	simm.s32 $0x6D60  }
0x125: {  	s0 =	sor.u32 $0x10080, s13;
	v7 =	vld.idx.msk [tilespmem:v4+s26+$0x0], $0xffff  }
0x126: {  	s31 =	sor.u32 s14, s0;
	v9 =	vld.idx.msk [tilespmem:v1+s3+$0x0], $0xffff;
	[tilespmem:s8+$0x200] =	vst v13  }
0x127: {  	s7 =	simm.s32 $0x5DC0;
	v13 =	vld.idx.msk [tilespmem:v6+s4+$0x0], $0xffff;
	[tilespmem:s31+$0x0] =	vst v8  }
0x128: {  	s28 =	sor.u32 $0xE000, s16;
	s3 =	sor.u32 s15, s29;
	[tilespmem:s2+$0x200] =	vst v11;
	v8 =	vld.idx.msk [tilespmem:v0+s7+$0x0], $0xffff  }
0x129: {  	v11 =	vld.idx.msk [tilespmem:v5+s4+$0x0], $0xffff;
	[tilespmem:s3+$0x0] =	vst v10;
	s4 =	sor.u32 s17, s28  }
0x12a: {  	s6 =	sor.u32 s1, s6;
	[tilespmem:s4+$0x0] =	vst v12  }
0x12b: {  	s22 =	sor.u32 s12, s22;
	v10 =	vld.idx.msk [tilespmem:v3+s9+$0x0], $0xffff;
	s4 =	simm.s32 $0x3A98;
	[tilespmem:s6+$0x0] =	vst v7  }
0x12c: {  	s5 =	simm.s32 $0x7148;
	v12 =	vld.idx.msk [tilespmem:v2+s4+$0x0], $0xffff;
	[tilespmem:s22+$0x0] =	vst v9;
	s6 =	sadd.s32 $0x11D00, s13  }
0x12d: {  	v7 =	vld.idx.msk [tilespmem:v4+s5+$0x0], $0xffff;
	s9 =	sor.u32 s14, s6;
	[tilespmem:s8+$0x280] =	vst v13  }
0x12e: {  	s23 =	simm.s32 $0x1770;
	s22 =	simm.s32 $0x3;
	v9 =	vld.idx.msk [tilespmem:v1+s11+$0x0], $0xffff;
	[tilespmem:s9+$0x0] =	vst v8  }
0x12f: {  	s11 =	sor.u32 s15, s28;
	s29 =	sand.u32 $0x3, s22;
	v13 =	vld.idx.msk [tilespmem:v6+s23+$0x0], $0xffff;
	[tilespmem:s2+$0x280] =	vst v11;
	s2 =	sor.u32 $0xE080, s16  }
0x130: {  	s26 =	sshll.u32 s29, $0x5;
	[tilespmem:s11+$0x0] =	vst v10;
	s5 =	sor.u32 s17, s2  }
0x131: {  	s10 =	sor.u32 s1, s10;
	s31 =	simm.s32 $0x61A8;
	s9 =	sadd.s32 $0x300, s26;
	[tilespmem:s5+$0x0] =	vst v12  }
0x132: {  	s0 =	sor.u32 s12, s0;
	v8 =	vld.idx.msk [tilespmem:v0+s31+$0x0], $0xffff;
	s8 =	sadd.s32 $0x10, s9;
	[tilespmem:s10+$0x0] =	vst v7  }
0x133: {  	v11 =	vld.idx.msk [tilespmem:v5+s23+$0x0], $0xffff;
	s11 =	sor.u32 $0x300, s8;
	[tilespmem:s0+$0x0] =	vst v9  }
0x134: {  	s3 =	simm.s32 $0x3E80;
	v10 =	vld.idx.msk [tilespmem:v3+s4+$0x0], $0xffff;
	[tilespmem:s11+$0xBD00] =	vst v13  }
0x135: {  	s28 =	sor.u32 s1, s24;
	s23 =	simm.s32 $0x7530;
	v14 =	vld.idx.msk [tilespmem:v2+s3+$0x0], $0xffff;
	s31 =	rddreg [dreg:$0xc]  }
0x136: {  	s26 =	sor.u32 s1, s25;
	s0 =	sadd.s32 $0x11D80, s13;
	v16 =	vld.idx.msk [tilespmem:v4+s23+$0x0], $0xffff;
	s1 =	sshll.u32 s31, $0x1  }
0x137: {  	s24 =	simm.s32 $0x6;
	v17 =	vld.idx.msk [tilespmem:v1+s7+$0x0], $0xffff;
	s25 =	sor.u32 s14, s0;
	[dreg:$0xf] =	wrdreg s1  }
0x138: {  	s29 =	simm.s32 $0x6590;
	s4 =	sor.u32 $0x300, s9;
	s5 =	simm.s32 $0x300;
	[tilespmem:s25+$0x0] =	vst v8;
	v15 =	vld.idx.msk [tilespmem:v6+s30+$0x0], $0xffff  }
0x139: {  	s9 =	sor.u32 s15, s2;
	s2 =	sor.u32 s12, s6;
	s11 =	sadd.s32 $0xFD00, s16;
	[tilespmem:s4+$0xBD00] =	vst v11;
	v13 =	vld.idx.msk [tilespmem:v0+s29+$0x0], $0xffff  }
0x13a: {  	s7 =	sor.u32 s5, s21;
	s0 =	sor.u32 s12, s0;
	s31 =	sor.u32 s17, s11;
	[tilespmem:s9+$0x0] =	vst v10;
	v10 =	vmov v1;
	v12 =	vld.idx.msk [tilespmem:v5+s30+$0x0], $0xffff  }
0x13b: {  	v7 =	vmov v6;
	v9 =	vmov v2;
	s23 =	sor.u32 $0x380, s7;
	s6 =	sor.u32 s15, s11;
	[tilespmem:s31+$0x0] =	vst v14;
	s25 =	simm.s32 $0x400;
	v8 =	vmov v3;
	v14 =	vld.idx.msk [tilespmem:v3+s3+$0x0], $0xffff  }
.LBB2_9:
0x13c: {  	s10 =	rddreg [dreg:$0x4];
	s1 =	simm.s32 $0x4268;
	[tilespmem:s28+$0x0] =	vst v16  }
0x13d: {  	s21 =	sadd.s32 $0x20, s21;
	s8 =	sor.u32 $0x380, s8;
	s4 =	simm.s32 $0x7918;
	v18 =	vld.idx.msk [tilespmem:v2+s1+$0x0], $0xffff;
	[tilespmem:s2+$0x0] =	vst v17  }
0x13e: {  	s30 =	sand.u32 $0x1C00, s25;
	s3 =	simm.s32 $0x61A8;
	s28 =	sadd.s32 $0x11E00, s13;
	v16 =	vld.idx.msk [tilespmem:v4+s4+$0x0], $0xffff  }
0x13f: {  	s2 =	sand.u32 $0x60, s21;
	[tilespmem:s8+$0xBD00] =	vst v15;
	s5 =	sor.u32 s14, s28;
	v15 =	vld.idx.msk [tilespmem:v10+s3+$0x0], $0xffff;
	s3 =	simm.s32 $0x1F40  }
0x140: {  	s10 =	sadd.s32 s30, s10;
	v4 =	vmov v1;
	v1 =	vmov v8;
	v8 =	vmov v5;
	s29 =	sor.u32 $0x10, s2;
	v17 =	vld.idx.msk [tilespmem:v7+s3+$0x0], $0xffff;
	[tilespmem:s5+$0x0] =	vst v13;
	s5 =	simm.s32 $0x6978  }
0x141: {  	v11 =	vmov v6;
	v6 =	vmov v3;
	s9 =	sadd.s32 $0xFD80, s16;
	s7 =	sadd.s32 s2, s10;
	[tilespmem:s23+$0xBD00] =	vst v12;
	s10 =	sadd.s32 s29, s10;
	v12 =	vld.idx.msk [tilespmem:v0+s5+$0x0], $0xffff  }
0x142: {  	v10 =	vmov v6;
	[tilespmem:s6+$0x0] =	vst v14;
	s6 =	sor.u32 s15, s9;
	s9 =	sor.u32 s17, s9;
	v6 =	vld [tilespmem:s10+$0x0]  }
0x143: {  	v3 =	vmov v5;
	v5 =	vld [tilespmem:s7+$0x0];
	[tilespmem:s9+$0x0] =	vst v18;
	s7 =	simm.s32 $0x4650  }
0x144: {  	s11 =	sadd.s32 $0xDD00, s19;
	v13 =	vld.idx.msk [tilespmem:v2+s7+$0x0], $0xffff;
	[tilespmem:s26+$0x0] =	vst v16  }
0x145: {  	s8 =	sor.u32 s20, s11;
	s10 =	sor.u32 s18, s11;
	s5 =	sadd.s32 $0x11E80, s13;
	v14 =	vld.idx.msk [tilespmem:v8+s3+$0x0], $0xffff;
	[tilespmem:s0+$0x0] =	vst v15  }
0x146: {  	s11 =	sor.u32 s12, s5;
	[tilespmem:s8+$0x0] =	vst v17;
	s0 =	sor.u32 s14, s5;
	s5 =	simm.s32 $0x2328;
	v15 =	vld.idx.msk [tilespmem:v1+s1+$0x0], $0xffff  }
0x147: {  	[dreg:$0x6] =	wrdreg s11;
	s11 =	simm.s32 $0x6590;
	v16 =	vld.idx.msk [tilespmem:v7+s5+$0x0], $0xffff  }
0x148: {  	s3 =	simm.s32 $0x6D60;
	[tilespmem:s0+$0x0] =	vst v12;
	s1 =	sadd.s32 $0xFE00, s16;
	v17 =	vld.idx.msk [tilespmem:v4+s11+$0x0], $0xffff  }
0x149: {  	s0 =	simm.s32 $0x0;
	v12 =	vld.idx.msk [tilespmem:v0+s3+$0x0], $0xffff;
	s8 =	sor.u32 s17, s1  }
0x14a: {  	s3 =	simm.s32 $0x4A38;
	v18 =	vld.idx.msk [tilespmem:v6+s0+$0x0], $0xffff;
	[tilespmem:s8+$0x0] =	vst v13  }
0x14b: {  	[tilespmem:s10+$0x0] =	vst v14;
	s10 =	sadd.s32 $0xDD80, s19;
	v13 =	vld.idx.msk [tilespmem:v2+s3+$0x0], $0xffff  }
0x14c: {  	s31 =	sor.u32 s25, s21;
	s9 =	sor.u32 s12, s28;
	v14 =	vld.idx.msk [tilespmem:v5+s0+$0x0], $0xffff;
	s8 =	sor.u32 s20, s10;
	[tilespmem:s6+$0x0] =	vst v15  }
0x14d: {  	s11 =	sadd.s32 $0x11F00, s13;
	s26 =	sor.u32 s15, s1;
	v15 =	vld.idx.msk [tilespmem:v8+s5+$0x0], $0xffff;
	[tilespmem:s8+$0x0] =	vst v16;
	s5 =	simm.s32 $0x2710  }
0x14e: {  	s1 =	sadd.s32 $0xFE80, s16;
	s6 =	sor.u32 s14, s11;
	s0 =	sadd.s32 $0xBD00, s30;
	[tilespmem:s9+$0x0] =	vst v17;
	v16 =	vld.idx.msk [tilespmem:v7+s5+$0x0], $0xffff  }
0x14f: {  	s28 =	sor.u32 s18, s10;
	s8 =	sor.u32 s29, s0;
	s9 =	simm.s32 $0x7148;
	[tilespmem:s6+$0x0] =	vst v12;
	v17 =	vld.idx.msk [tilespmem:v1+s7+$0x0], $0xffff  }
0x150: {  	s10 =	sor.u32 s12, s11;
	s11 =	simm.s32 $0x3E8;
	s6 =	sor.u32 s17, s1;
	v12 =	vld.idx.msk [tilespmem:v0+s9+$0x0], $0xffff;
	[tilespmem:s8+$0x0] =	vst v18  }
0x151: {  	s23 =	sor.u32 $0x380, s31;
	s31 =	sor.u32 s2, s0;
	s7 =	simm.s32 $0x4E20;
	v18 =	vld.idx.msk [tilespmem:v6+s11+$0x0], $0xffff;
	[tilespmem:s6+$0x0] =	vst v13  }
0x152: {  	s0 =	sadd.s32 $0xDE00, s19;
	[tilespmem:s31+$0x0] =	vst v14;
	v13 =	vld.idx.msk [tilespmem:v2+s7+$0x0], $0xffff  }
0x153: {  	s6 =	sor.u32 s20, s0;
	v14 =	vld.idx.msk [tilespmem:v5+s11+$0x0], $0xffff;
	[tilespmem:s28+$0x0] =	vst v15  }
0x154: {  	s28 =	sor.u32 s18, s0;
	s11 =	sadd.s32 $0x11F80, s13;
	s0 =	simm.s32 $0x2AF8;
	v15 =	vld.idx.msk [tilespmem:v8+s5+$0x0], $0xffff;
	[tilespmem:s6+$0x0] =	vst v16  }
0x155: {  	s9 =	sor.u32 s15, s1;
	s1 =	sor.u32 s14, s11;
	[tilespmem:s26+$0x0] =	vst v17;
	v16 =	vld.idx.msk [tilespmem:v7+s0+$0x0], $0xffff  }
0x156: {  	s6 =	sor.u32 s12, s11;
	s26 =	sadd.s32 $0xFF00, s16;
	s11 =	simm.s32 $0x7530;
	[tilespmem:s1+$0x0] =	vst v12;
	v17 =	vld.idx.msk [tilespmem:v1+s3+$0x0], $0xffff  }
0x157: {  	s1 =	sor.u32 s17, s26;
	v12 =	vld.idx.msk [tilespmem:v0+s11+$0x0], $0xffff;
	[tilespmem:s8+$0x80] =	vst v18;
	s11 =	sor.u32 s15, s26;
	s26 =	simm.s32 $0x7D0  }
0x158: {  	s5 =	simm.s32 $0x5208;
	v18 =	vld.idx.msk [tilespmem:v6+s26+$0x0], $0xffff;
	[tilespmem:s1+$0x0] =	vst v13  }
0x159: {  	s1 =	sadd.s32 $0xDE80, s19;
	[tilespmem:s31+$0x80] =	vst v14;
	v13 =	vld.idx.msk [tilespmem:v2+s5+$0x0], $0xffff  }
0x15a: {  	v14 =	vld.idx.msk [tilespmem:v5+s26+$0x0], $0xffff;
	[tilespmem:s28+$0x0] =	vst v15;
	s26 =	sor.u32 s18, s1;
	s1 =	sor.u32 s20, s1  }
0x15b: {  	s3 =	sor.u32 $0x12000, s13;
	v15 =	vld.idx.msk [tilespmem:v8+s0+$0x0], $0xffff;
	[tilespmem:s1+$0x0] =	vst v16;
	s0 =	simm.s32 $0x2EE0  }
0x15c: {  	s28 =	sor.u32 s12, s3;
	s3 =	sor.u32 s14, s3;
	[tilespmem:s9+$0x0] =	vst v17;
	v16 =	vld.idx.msk [tilespmem:v7+s0+$0x0], $0xffff  }
0x15d: {  	s9 =	sadd.s32 $0xFF80, s16;
	[tilespmem:s3+$0x0] =	vst v12;
	v17 =	vld.idx.msk [tilespmem:v1+s7+$0x0], $0xffff  }
0x15e: {  	s3 =	sor.u32 s15, s9;
	s1 =	sor.u32 s17, s9;
	s9 =	simm.s32 $0xBB8;
	v12 =	vld.idx.msk [tilespmem:v0+s4+$0x0], $0xffff;
	[tilespmem:s8+$0x100] =	vst v18  }
0x15f: {  	s7 =	simm.s32 $0x55F0;
	v0 =	vmov v2;
	v2 =	vmov v7;
	v18 =	vld.idx.msk [tilespmem:v6+s9+$0x0], $0xffff;
	[tilespmem:s1+$0x0] =	vst v13  }
0x160: {  	s1 =	sadd.s32 $0xDF00, s19;
	[tilespmem:s31+$0x100] =	vst v14;
	v13 =	vld.idx.msk [tilespmem:v9+s7+$0x0], $0xffff  }
0x161: {  	v9 =	vmov v11;
	v11 =	vld.idx.msk [tilespmem:v5+s9+$0x0], $0xffff;
	[tilespmem:s26+$0x0] =	vst v15;
	s9 =	sor.u32 s18, s1;
	s1 =	sor.u32 s20, s1  }
0x162: {  	s4 =	sor.u32 $0x12080, s13;
	[tilespmem:s1+$0x0] =	vst v16  }
0x163: {  	s13 =	sor.u32 s14, s4;
	s26 =	sor.u32 s12, s4;
	s4 =	simm.s32 $0x32C8;
	v14 =	vld.idx.msk [tilespmem:v8+s0+$0x0], $0xffff;
	[tilespmem:s11+$0x0] =	vst v17  }
0x164: {  	v15 =	vld.idx.msk [tilespmem:v2+s4+$0x0], $0xffff;
	[tilespmem:s13+$0x0] =	vst v12;
	s13 =	smov.u32 s16;
	s16 =	simm.s32 $0x6978  }
0x165: {  	s12 =	smov.u32 s15;
	s14 =	sor.u32 $0x10000, s13;
	v12 =	vld.idx.msk [tilespmem:v4+s16+$0x0], $0xffff;
	s16 =	smov.u32 s19  }
0x166: {  	v16 =	vld.idx.msk [tilespmem:v1+s5+$0x0], $0xffff;
	s19 =	smov.u32 s30;
	s30 =	simm.s32 $0xFA0;
	[tilespmem:s8+$0x180] =	vst v18;
	s1 =	sor.u32 s17, s14  }
0x167: {  	s15 =	smov.u32 s18;
	s18 =	smov.u32 s2;
	s2 =	sor.u32 s12, s14;
	v17 =	vld.idx.msk [tilespmem:v6+s30+$0x0], $0xffff;
	[tilespmem:s1+$0x0] =	vst v13  }
0x168: {  	s14 =	smov.u32 s17;
	s17 =	smov.u32 s20;
	s0 =	sadd.s32 $0xDF80, s16;
	[tilespmem:s31+$0x180] =	vst v11  }
0x169: {  	s20 =	smov.u32 s29;
	s29 =	simm.s32 $0x59D8;
	s1 =	sor.u32 s17, s0;
	v13 =	vld.idx.msk [tilespmem:v5+s30+$0x0], $0xffff;
	[tilespmem:s9+$0x0] =	vst v14  }
0x16a: {  	v7 =	vmov v6;
	v11 =	vld.idx.msk [tilespmem:v0+s29+$0x0], $0xffff;
	[tilespmem:s1+$0x0] =	vst v15;
	s1 =	rddreg [dreg:$0x6]  }
0x16b: {  	s5 =	simm.s32 $0x36B0;
	v14 =	vld.idx.msk [tilespmem:v8+s4+$0x0], $0xffff;
	[tilespmem:s1+$0x0] =	vst v12  }
0x16c: {  	s4 =	simm.s32 $0x6D60;
	v15 =	vld.idx.msk [tilespmem:v2+s5+$0x0], $0xffff;
	[tilespmem:s3+$0x0] =	vst v16  }
0x16d: {  	s3 =	sor.u32 $0x10080, s13;
	v12 =	vld.idx.msk [tilespmem:v4+s4+$0x0], $0xffff  }
0x16e: {  	s11 =	simm.s32 $0x1388;
	s9 =	sor.u32 s15, s0;
	[tilespmem:s8+$0x200] =	vst v17;
	v16 =	vld.idx.msk [tilespmem:v1+s7+$0x0], $0xffff;
	s0 =	sor.u32 s14, s3  }
0x16f: {  	v17 =	vld.idx.msk [tilespmem:v7+s11+$0x0], $0xffff;
	[tilespmem:s0+$0x0] =	vst v11  }
0x170: {  	s7 =	sor.u32 $0xE000, s16;
	[tilespmem:s31+$0x200] =	vst v13  }
0x171: {  	s4 =	simm.s32 $0x5DC0;
	s0 =	sor.u32 s17, s7;
	v13 =	vld.idx.msk [tilespmem:v5+s11+$0x0], $0xffff;
	[tilespmem:s9+$0x0] =	vst v14  }
0x172: {  	v11 =	vld.idx.msk [tilespmem:v0+s4+$0x0], $0xffff;
	[tilespmem:s0+$0x0] =	vst v15  }
0x173: {  	s1 =	sor.u32 s12, s3;
	s3 =	sor.u32 s15, s7;
	s7 =	simm.s32 $0x3A98;
	v14 =	vld.idx.msk [tilespmem:v8+s5+$0x0], $0xffff;
	[tilespmem:s10+$0x0] =	vst v12  }
0x174: {  	s5 =	simm.s32 $0x7148;
	v15 =	vld.idx.msk [tilespmem:v2+s7+$0x0], $0xffff;
	[tilespmem:s2+$0x0] =	vst v16  }
0x175: {  	v12 =	vld.idx.msk [tilespmem:v4+s5+$0x0], $0xffff  }
0x176: {  	s22 =	sadd.s32 $0x1, s22;
	s11 =	sadd.s32 $0x11D00, s13;
	[tilespmem:s8+$0x280] =	vst v17;
	v16 =	vld.idx.msk [tilespmem:v1+s29+$0x0], $0xffff;
	s5 =	simm.s32 $0x1770  }
0x177: {  	s0 =	sor.u32 s14, s11;
	s8 =	sand.u32 $0x3, s22;
	[tilespmem:s31+$0x280] =	vst v13;
	v17 =	vld.idx.msk [tilespmem:v7+s5+$0x0], $0xffff  }
0x178: {  	s10 =	simm.s32 $0x61A8;
	s2 =	sor.u32 s12, s11;
	s11 =	sor.u32 $0xE080, s16;
	[tilespmem:s0+$0x0] =	vst v11;
	v13 =	vld.idx.msk [tilespmem:v5+s5+$0x0], $0xffff  }
0x179: {  	s0 =	sshll.u32 s8, $0x5;
	[tilespmem:s3+$0x0] =	vst v14;
	s8 =	sor.u32 s17, s11;
	v11 =	vld.idx.msk [tilespmem:v0+s10+$0x0], $0xffff  }
0x17a: {  	s24 =	sadd.s32 $0x2, s24;
	s31 =	simm.s32 $0x3E80;
	s0 =	sadd.s32 s0, s25;
	[tilespmem:s8+$0x0] =	vst v15  }
0x17b: {  	s3 =	sor.u32 s15, s11;
	v14 =	vld.idx.msk [tilespmem:v8+s7+$0x0], $0xffff;
	s7 =	simm.s32 $0x7530;
	s8 =	sadd.s32 $0x10, s0;
	[tilespmem:s6+$0x0] =	vst v12  }
0x17c: {  	s11 =	sor.u32 $0x300, s0;
	v18 =	vld.idx.msk [tilespmem:v2+s31+$0x0], $0xffff;
	s0 =	sor.u32 $0x300, s8;
	s6 =	sadd.s32 $0x11D80, s13;
	[tilespmem:s1+$0x0] =	vst v16  }
0x17d: {  	p2 =	slt.u32 s24, $0x3E;
	s29 =	simm.s32 $0x1B58;
	[tilespmem:s0+$0xBD00] =	vst v17;
	s1 =	sor.u32 s14, s6;
	v16 =	vld.idx.msk [tilespmem:v4+s7+$0x0], $0xffff  }
.Ltmp8:
0x17e: {  	v15 =	vld.idx.msk [tilespmem:v7+s29+$0x0], $0xffff;
	[tilespmem:s1+$0x0] =	vst v11;
	(pc) =	sbr.rel @p2 .LBB2_9-.Ltmp8, $4  }
0x17f: {  	v17 =	vld.idx.msk [tilespmem:v1+s4+$0x0], $0xffff;
	[tilespmem:s11+$0xBD00] =	vst v13;
	s11 =	simm.s32 $0x6590  }
0x180: {  	s10 =	sadd.s32 $0xFD00, s16;
	v13 =	vld.idx.msk [tilespmem:v0+s11+$0x0], $0xffff  }
0x181: {  	s1 =	sor.u32 s17, s10;
	v12 =	vld.idx.msk [tilespmem:v5+s29+$0x0], $0xffff;
	[tilespmem:s3+$0x0] =	vst v14  }
0x182: {  	s25 =	sadd.s32 $0x100, s25;
	s0 =	sor.u32 s12, s6;
	s6 =	sor.u32 s15, s10;
	[tilespmem:s1+$0x0] =	vst v18;
	v14 =	vld.idx.msk [tilespmem:v8+s31+$0x0], $0xffff  }
0x183: {  	_ =	sdelay $0x2  }
0x184: {  	s5 =	simm.s32 $0x4268  }
0x185: {  	[tilespmem:s28+$0x0] =	vst v16;
	s11 =	simm.s32 $0x7918;
	v11 =	vld.idx.msk [tilespmem:v2+s5+$0x0], $0xffff  }
0x186: {  	s1 =	sor.u32 $0x380, s8;
	s3 =	sadd.s32 $0x11E00, s13;
	[tilespmem:s2+$0x0] =	vst v17;
	v4 =	vld.idx.msk [tilespmem:v4+s11+$0x0], $0xffff  }
0x187: {  	s22 =	simm.s32 $0x1F40;
	[tilespmem:s1+$0xBD00] =	vst v15;
	s21 =	sor.u32 s14, s3  }
0x188: {  	s4 =	simm.s32 $0x61A8;
	s1 =	sadd.s32 $0xFD80, s16;
	v15 =	vld.idx.msk [tilespmem:v7+s22+$0x0], $0xffff;
	[tilespmem:s21+$0x0] =	vst v13  }
0x189: {  	s24 =	sor.u32 s17, s1;
	v10 =	vld.idx.msk [tilespmem:v10+s4+$0x0], $0xffff;
	[tilespmem:s23+$0xBD00] =	vst v12;
	s23 =	simm.s32 $0x6978  }
0x18a: {  	s7 =	simm.s32 $0x1F40;
	v12 =	vld.idx.msk [tilespmem:v0+s23+$0x0], $0xffff;
	[tilespmem:s24+$0x0] =	vst v11  }
0x18b: {  	s25 =	sadd.s32 $0xDD00, s19;
	s8 =	simm.s32 $0x4650;
	[tilespmem:s26+$0x0] =	vst v4;
	v4 =	vld.idx.msk [tilespmem:v5+s7+$0x0], $0xffff  }
0x18c: {  	s9 =	sor.u32 s20, s25;
	[tilespmem:s6+$0x0] =	vst v14;
	v11 =	vld.idx.msk [tilespmem:v2+s8+$0x0], $0xffff  }
0x18d: {  	s21 =	sadd.s32 $0x11E80, s13;
	[tilespmem:s9+$0x0] =	vst v15  }
0x18e: {  	s11 =	simm.s32 $0x2328;
	s10 =	sor.u32 s14, s21;
	[tilespmem:s0+$0x0] =	vst v10  }
0x18f: {  	s2 =	sadd.s32 $0xFE00, s16;
	s22 =	simm.s32 $0x6D60;
	s6 =	sor.u32 s18, s25;
	v14 =	vld.idx.msk [tilespmem:v7+s11+$0x0], $0xffff;
	[tilespmem:s10+$0x0] =	vst v12  }
0x190: {  	s23 =	sor.u32 s17, s2;
	s9 =	simm.s32 $0x2328;
	v10 =	vld.idx.msk [tilespmem:v0+s22+$0x0], $0xffff;
	[tilespmem:s6+$0x0] =	vst v4  }
0x191: {  	[tilespmem:s23+$0x0] =	vst v11;
	v11 =	vld.idx.msk [tilespmem:v5+s9+$0x0], $0xffff  }
0x192: {  	s26 =	sadd.s32 $0xDD80, s19  }
0x193: {  	v13 =	vld.idx.msk [tilespmem:v8+s5+$0x0], $0xffff;
	s5 =	sor.u32 s20, s26;
	s22 =	sadd.s32 $0x11F00, s13  }
0x194: {  	s10 =	simm.s32 $0x2710;
	s7 =	sor.u32 s14, s22;
	[tilespmem:s5+$0x0] =	vst v14  }
0x195: {  	s24 =	simm.s32 $0x6590;
	s11 =	sor.u32 s18, s26;
	[tilespmem:s7+$0x0] =	vst v10;
	v10 =	vld.idx.msk [tilespmem:v7+s10+$0x0], $0xffff  }
0x196: {  	v12 =	vld.idx.msk [tilespmem:v1+s24+$0x0], $0xffff;
	[tilespmem:s11+$0x0] =	vst v11  }
0x197: {  	v11 =	vld.idx.msk [tilespmem:v5+s10+$0x0], $0xffff  }
0x198: {  	s25 =	sor.u32 s15, s1;
	s24 =	sadd.s32 $0xDE00, s19  }
0x199: {  	s8 =	simm.s32 $0x4A38;
	[tilespmem:s25+$0x0] =	vst v13;
	s25 =	sor.u32 s20, s24  }
0x19a: {  	s3 =	sor.u32 s12, s3;
	s26 =	simm.s32 $0x2AF8;
	v13 =	vld.idx.msk [tilespmem:v2+s8+$0x0], $0xffff;
	[tilespmem:s25+$0x0] =	vst v10  }
0x19b: {  	s0 =	sor.u32 s18, s24;
	s23 =	simm.s32 $0x7148;
	[tilespmem:s3+$0x0] =	vst v12;
	v10 =	vld.idx.msk [tilespmem:v7+s26+$0x0], $0xffff  }
0x19c: {  	v4 =	vld.idx.msk [tilespmem:v0+s23+$0x0], $0xffff;
	[tilespmem:s0+$0x0] =	vst v11  }
0x19d: {  	v11 =	vld.idx.msk [tilespmem:v5+s26+$0x0], $0xffff  }
0x19e: {  	s1 =	sadd.s32 $0xDE80, s19  }
0x19f: {  	s3 =	sor.u32 s20, s1  }
0x1a0: {  	s4 =	simm.s32 $0x2EE0;
	[tilespmem:s3+$0x0] =	vst v10  }
0x1a1: {  	s0 =	sor.u32 s18, s1;
	v10 =	vld.idx.msk [tilespmem:v7+s4+$0x0], $0xffff  }
0x1a2: {  	[tilespmem:s0+$0x0] =	vst v11  }
0x1a3: {  	v11 =	vld.idx.msk [tilespmem:v5+s4+$0x0], $0xffff  }
0x1a4: {  	s5 =	sadd.s32 $0xDF00, s19  }
0x1a5: {  	s6 =	sor.u32 s20, s5  }
0x1a6: {  	s7 =	simm.s32 $0x32C8;
	[tilespmem:s6+$0x0] =	vst v10  }
0x1a7: {  	s0 =	sor.u32 s18, s5;
	v10 =	vld.idx.msk [tilespmem:v7+s7+$0x0], $0xffff  }
0x1a8: {  	[tilespmem:s0+$0x0] =	vst v11  }
0x1a9: {  	v11 =	vld.idx.msk [tilespmem:v5+s7+$0x0], $0xffff  }
0x1aa: {  	s8 =	sadd.s32 $0xDF80, s19  }
0x1ab: {  	s11 =	sor.u32 s20, s8  }
0x1ac: {  	s23 =	simm.s32 $0x36B0;
	[tilespmem:s11+$0x0] =	vst v10  }
0x1ad: {  	s0 =	sor.u32 s18, s8;
	v10 =	vld.idx.msk [tilespmem:v7+s23+$0x0], $0xffff  }
0x1ae: {  	[tilespmem:s0+$0x0] =	vst v11  }
0x1af: {  	v11 =	vld.idx.msk [tilespmem:v5+s23+$0x0], $0xffff  }
0x1b0: {  	s24 =	sor.u32 $0xE000, s19  }
0x1b1: {  	s25 =	sor.u32 s20, s24  }
0x1b2: {  	s3 =	simm.s32 $0x3A98;
	[tilespmem:s25+$0x0] =	vst v10  }
0x1b3: {  	s0 =	sor.u32 s18, s24;
	v10 =	vld.idx.msk [tilespmem:v7+s3+$0x0], $0xffff  }
0x1b4: {  	[tilespmem:s0+$0x0] =	vst v11  }
0x1b5: {  	v11 =	vld.idx.msk [tilespmem:v5+s3+$0x0], $0xffff  }
0x1b6: {  	s4 =	sor.u32 $0xE080, s19  }
0x1b7: {  	s5 =	sor.u32 s20, s4  }
0x1b8: {  	[tilespmem:s5+$0x0] =	vst v10  }
0x1b9: {  	s0 =	sor.u32 s18, s4;
	v10 =	vld.idx.msk [tilespmem:v7+s31+$0x0], $0xffff  }
0x1ba: {  	[tilespmem:s0+$0x0] =	vst v11  }
0x1bb: {  	v11 =	vld.idx.msk [tilespmem:v5+s31+$0x0], $0xffff  }
0x1bc: {  	s6 =	sadd.s32 $0xFD00, s19  }
0x1bd: {  	s7 =	sor.u32 s20, s6  }
0x1be: {  	s8 =	simm.s32 $0x4268;
	[tilespmem:s7+$0x0] =	vst v10  }
0x1bf: {  	s0 =	sor.u32 s18, s6;
	v10 =	vld.idx.msk [tilespmem:v7+s8+$0x0], $0xffff  }
0x1c0: {  	[tilespmem:s0+$0x0] =	vst v11  }
0x1c1: {  	v11 =	vld.idx.msk [tilespmem:v5+s8+$0x0], $0xffff  }
0x1c2: {  	s11 =	sadd.s32 $0xFD80, s19  }
0x1c3: {  	s24 =	sor.u32 s20, s11;
	s25 =	simm.s32 $0x4650  }
0x1c4: {  	v12 =	vld.idx.msk [tilespmem:v8+s25+$0x0], $0xffff;
	[tilespmem:s24+$0x0] =	vst v10  }
0x1c5: {  	s0 =	sor.u32 s18, s11;
	v10 =	vld.idx.msk [tilespmem:v7+s25+$0x0], $0xffff  }
0x1c6: {  	[tilespmem:s0+$0x0] =	vst v11  }
0x1c7: {  	v11 =	vld.idx.msk [tilespmem:v5+s25+$0x0], $0xffff  }
0x1c8: {  	s4 =	sadd.s32 $0xFE00, s19;
	s3 =	sor.u32 s15, s2  }
0x1c9: {  	[tilespmem:s3+$0x0] =	vst v12;
	s5 =	sor.u32 s20, s4;
	s6 =	simm.s32 $0x4A38  }
0x1ca: {  	v12 =	vld.idx.msk [tilespmem:v8+s6+$0x0], $0xffff;
	[tilespmem:s5+$0x0] =	vst v10  }
0x1cb: {  	s1 =	sor.u32 s18, s4;
	v10 =	vld.idx.msk [tilespmem:v7+s6+$0x0], $0xffff  }
0x1cc: {  	s7 =	sadd.s32 $0xFE80, s16;
	[tilespmem:s1+$0x0] =	vst v11  }
0x1cd: {  	s8 =	sor.u32 s17, s7;
	v11 =	vld.idx.msk [tilespmem:v5+s6+$0x0], $0xffff  }
0x1ce: {  	s11 =	sadd.s32 $0xFE80, s19;
	[tilespmem:s8+$0x0] =	vst v13;
	s24 =	simm.s32 $0x4E20;
	s0 =	sor.u32 s15, s7  }
0x1cf: {  	v13 =	vld.idx.msk [tilespmem:v2+s24+$0x0], $0xffff;
	[tilespmem:s0+$0x0] =	vst v12;
	s25 =	sor.u32 s20, s11  }
0x1d0: {  	v12 =	vld.idx.msk [tilespmem:v8+s24+$0x0], $0xffff;
	[tilespmem:s25+$0x0] =	vst v10  }
0x1d1: {  	s1 =	sor.u32 s18, s11;
	v10 =	vld.idx.msk [tilespmem:v7+s24+$0x0], $0xffff  }
0x1d2: {  	[tilespmem:s1+$0x0] =	vst v11;
	s1 =	sadd.s32 $0xFF00, s16  }
0x1d3: {  	v11 =	vld.idx.msk [tilespmem:v5+s24+$0x0], $0xffff;
	s3 =	sor.u32 s17, s1  }
0x1d4: {  	s4 =	sadd.s32 $0xFF00, s19;
	s5 =	simm.s32 $0x5208;
	s0 =	sor.u32 s15, s1;
	[tilespmem:s3+$0x0] =	vst v13  }
0x1d5: {  	s6 =	sor.u32 s20, s4;
	[tilespmem:s0+$0x0] =	vst v12;
	v13 =	vld.idx.msk [tilespmem:v2+s5+$0x0], $0xffff  }
0x1d6: {  	v12 =	vld.idx.msk [tilespmem:v8+s5+$0x0], $0xffff;
	[tilespmem:s6+$0x0] =	vst v10  }
0x1d7: {  	s1 =	sor.u32 s18, s4;
	v10 =	vld.idx.msk [tilespmem:v7+s5+$0x0], $0xffff  }
0x1d8: {  	s7 =	sadd.s32 $0xFF80, s16;
	[tilespmem:s1+$0x0] =	vst v11  }
0x1d9: {  	s8 =	sor.u32 s17, s7;
	v11 =	vld.idx.msk [tilespmem:v5+s5+$0x0], $0xffff  }
0x1da: {  	s11 =	sadd.s32 $0xFF80, s19;
	s24 =	simm.s32 $0x55F0;
	s0 =	sor.u32 s15, s7;
	[tilespmem:s8+$0x0] =	vst v13  }
0x1db: {  	s25 =	sor.u32 s20, s11;
	[tilespmem:s0+$0x0] =	vst v12;
	v9 =	vld.idx.msk [tilespmem:v9+s24+$0x0], $0xffff  }
0x1dc: {  	v12 =	vld.idx.msk [tilespmem:v8+s24+$0x0], $0xffff;
	[tilespmem:s25+$0x0] =	vst v10  }
0x1dd: {  	s1 =	sor.u32 s18, s11;
	v6 =	vld.idx.msk [tilespmem:v6+s24+$0x0], $0xffff  }
0x1de: {  	[tilespmem:s1+$0x0] =	vst v11;
	s1 =	sor.u32 $0x10000, s16  }
0x1df: {  	s3 =	sor.u32 s17, s1  }
0x1e0: {  	s4 =	sor.u32 $0x10000, s19;
	s5 =	simm.s32 $0x59D8;
	v10 =	vld.idx.msk [tilespmem:v5+s24+$0x0], $0xffff;
	s0 =	sor.u32 s15, s1;
	[tilespmem:s3+$0x0] =	vst v9  }
0x1e1: {  	s6 =	sor.u32 s20, s4;
	[tilespmem:s0+$0x0] =	vst v12;
	v9 =	vld.idx.msk [tilespmem:v2+s5+$0x0], $0xffff  }
0x1e2: {  	v11 =	vld.idx.msk [tilespmem:v8+s5+$0x0], $0xffff;
	[tilespmem:s6+$0x0] =	vst v6  }
0x1e3: {  	v6 =	vld.idx.msk [tilespmem:v7+s5+$0x0], $0xffff  }
0x1e4: {  	s7 =	sor.u32 $0x10080, s16;
	s1 =	sor.u32 s18, s4  }
0x1e5: {  	s8 =	sor.u32 s17, s7;
	[tilespmem:s1+$0x0] =	vst v10  }
0x1e6: {  	s11 =	sor.u32 $0x10080, s19;
	s24 =	simm.s32 $0x5DC0;
	s0 =	sor.u32 s15, s7;
	v10 =	vld.idx.msk [tilespmem:v5+s5+$0x0], $0xffff;
	[tilespmem:s8+$0x0] =	vst v9  }
0x1e7: {  	s25 =	sor.u32 s20, s11;
	[tilespmem:s0+$0x0] =	vst v11;
	v9 =	vld.idx.msk [tilespmem:v2+s24+$0x0], $0xffff  }
0x1e8: {  	v11 =	vld.idx.msk [tilespmem:v8+s24+$0x0], $0xffff;
	[tilespmem:s25+$0x0] =	vst v6  }
0x1e9: {  	v6 =	vld.idx.msk [tilespmem:v7+s24+$0x0], $0xffff  }
0x1ea: {  	s3 =	sadd.s32 $0x11D00, s16;
	s1 =	sor.u32 s18, s11  }
0x1eb: {  	s4 =	sor.u32 s17, s3;
	[tilespmem:s1+$0x0] =	vst v10  }
0x1ec: {  	s6 =	simm.s32 $0x61A8;
	s5 =	sadd.s32 $0x11D00, s19;
	s0 =	sor.u32 s15, s3;
	v10 =	vld.idx.msk [tilespmem:v5+s24+$0x0], $0xffff;
	[tilespmem:s4+$0x0] =	vst v9  }
0x1ed: {  	s7 =	sor.u32 s20, s5;
	[tilespmem:s0+$0x0] =	vst v11;
	v9 =	vld.idx.msk [tilespmem:v2+s6+$0x0], $0xffff  }
0x1ee: {  	v3 =	vld.idx.msk [tilespmem:v3+s6+$0x0], $0xffff;
	[tilespmem:s7+$0x0] =	vst v6  }
0x1ef: {  	v6 =	vld.idx.msk [tilespmem:v7+s6+$0x0], $0xffff  }
0x1f0: {  	s8 =	sadd.s32 $0x11D80, s16;
	s1 =	sor.u32 s18, s5  }
0x1f1: {  	s11 =	sor.u32 s17, s8;
	[tilespmem:s1+$0x0] =	vst v10  }
0x1f2: {  	s25 =	simm.s32 $0x6590;
	s24 =	sadd.s32 $0x11D80, s19;
	s0 =	sor.u32 s15, s8;
	v10 =	vld.idx.msk [tilespmem:v5+s6+$0x0], $0xffff;
	[tilespmem:s11+$0x0] =	vst v9  }
0x1f3: {  	s3 =	sor.u32 s20, s24;
	[tilespmem:s0+$0x0] =	vst v3;
	v9 =	vld.idx.msk [tilespmem:v2+s25+$0x0], $0xffff  }
0x1f4: {  	v3 =	vld.idx.msk [tilespmem:v8+s25+$0x0], $0xffff;
	[tilespmem:s3+$0x0] =	vst v6  }
0x1f5: {  	s6 =	simm.s32 $0x6978;
	v6 =	vld.idx.msk [tilespmem:v7+s25+$0x0], $0xffff  }
0x1f6: {  	s4 =	sadd.s32 $0x11E00, s16;
	s1 =	sor.u32 s18, s24;
	v11 =	vld.idx.msk [tilespmem:v1+s6+$0x0], $0xffff  }
0x1f7: {  	s5 =	sor.u32 s17, s4;
	[tilespmem:s1+$0x0] =	vst v10  }
0x1f8: {  	s7 =	sadd.s32 $0x11E00, s19;
	s0 =	sor.u32 s15, s4;
	v10 =	vld.idx.msk [tilespmem:v5+s25+$0x0], $0xffff;
	[tilespmem:s5+$0x0] =	vst v9  }
0x1f9: {  	s8 =	sor.u32 s20, s7;
	[tilespmem:s0+$0x0] =	vst v3;
	v9 =	vld.idx.msk [tilespmem:v2+s6+$0x0], $0xffff  }
0x1fa: {  	s24 =	sor.u32 s12, s21;
	v3 =	vld.idx.msk [tilespmem:v8+s6+$0x0], $0xffff;
	[tilespmem:s8+$0x0] =	vst v6  }
0x1fb: {  	s3 =	simm.s32 $0x6D60;
	[tilespmem:s24+$0x0] =	vst v11;
	v6 =	vld.idx.msk [tilespmem:v7+s6+$0x0], $0xffff  }
0x1fc: {  	s11 =	sor.u32 s18, s7;
	s25 =	sadd.s32 $0x11E80, s16;
	v11 =	vld.idx.msk [tilespmem:v1+s3+$0x0], $0xffff  }
0x1fd: {  	s2 =	sor.u32 s17, s25;
	[tilespmem:s11+$0x0] =	vst v10  }
0x1fe: {  	s4 =	sadd.s32 $0x11E80, s19;
	s1 =	sor.u32 s15, s25;
	v10 =	vld.idx.msk [tilespmem:v5+s6+$0x0], $0xffff;
	[tilespmem:s2+$0x0] =	vst v9  }
0x1ff: {  	s5 =	sor.u32 s20, s4;
	[tilespmem:s1+$0x0] =	vst v3;
	v9 =	vld.idx.msk [tilespmem:v2+s3+$0x0], $0xffff  }
0x200: {  	s6 =	sor.u32 s12, s22;
	v3 =	vld.idx.msk [tilespmem:v8+s3+$0x0], $0xffff;
	[tilespmem:s5+$0x0] =	vst v6  }
0x201: {  	s11 =	simm.s32 $0x7148;
	[tilespmem:s6+$0x0] =	vst v11;
	v6 =	vld.idx.msk [tilespmem:v7+s3+$0x0], $0xffff  }
0x202: {  	s7 =	sadd.s32 $0x11F00, s16;
	s0 =	sor.u32 s18, s4;
	v11 =	vld.idx.msk [tilespmem:v1+s11+$0x0], $0xffff  }
0x203: {  	s8 =	sor.u32 s17, s7;
	[tilespmem:s0+$0x0] =	vst v10  }
0x204: {  	s21 =	sadd.s32 $0x11F00, s19;
	s1 =	sor.u32 s15, s7;
	v10 =	vld.idx.msk [tilespmem:v5+s3+$0x0], $0xffff;
	[tilespmem:s8+$0x0] =	vst v9  }
0x205: {  	s24 =	sor.u32 s20, s21;
	s25 =	sadd.s32 $0x11F80, s13;
	s22 =	simm.s32 $0x7148;
	[tilespmem:s1+$0x0] =	vst v3;
	v9 =	vld.idx.msk [tilespmem:v2+s11+$0x0], $0xffff  }
0x206: {  	s5 =	sor.u32 s12, s25;
	v3 =	vld.idx.msk [tilespmem:v8+s22+$0x0], $0xffff;
	[tilespmem:s24+$0x0] =	vst v6  }
0x207: {  	s4 =	sor.u32 s14, s25;
	s7 =	simm.s32 $0x7530;
	[tilespmem:s5+$0x0] =	vst v11;
	v6 =	vld.idx.msk [tilespmem:v7+s22+$0x0], $0xffff  }
0x208: {  	[tilespmem:s4+$0x0] =	vst v4;
	s6 =	sadd.s32 $0x11F80, s16;
	s0 =	sor.u32 s18, s21;
	v11 =	vld.idx.msk [tilespmem:v1+s7+$0x0], $0xffff  }
0x209: {  	s8 =	sor.u32 s17, s6;
	[tilespmem:s0+$0x0] =	vst v10;
	v10 =	vld.idx.msk [tilespmem:v0+s7+$0x0], $0xffff  }
0x20a: {  	s1 =	sor.u32 s15, s6;
	s11 =	sadd.s32 $0x11F80, s19;
	v4 =	vld.idx.msk [tilespmem:v5+s22+$0x0], $0xffff;
	[tilespmem:s8+$0x0] =	vst v9  }
0x20b: {  	s21 =	sor.u32 s20, s11;
	s22 =	sor.u32 $0x12000, s13;
	[tilespmem:s1+$0x0] =	vst v3;
	v9 =	vld.idx.msk [tilespmem:v2+s7+$0x0], $0xffff  }
0x20c: {  	s25 =	sor.u32 s12, s22;
	v3 =	vld.idx.msk [tilespmem:v8+s7+$0x0], $0xffff;
	[tilespmem:s21+$0x0] =	vst v6  }
0x20d: {  	s4 =	simm.s32 $0x7918;
	s24 =	sor.u32 s14, s22;
	[tilespmem:s25+$0x0] =	vst v11;
	v6 =	vld.idx.msk [tilespmem:v7+s7+$0x0], $0xffff  }
0x20e: {  	s2 =	sor.u32 $0x12000, s16;
	s0 =	sor.u32 s18, s11;
	v1 =	vld.idx.msk [tilespmem:v1+s4+$0x0], $0xffff;
	[tilespmem:s24+$0x0] =	vst v10  }
0x20f: {  	s5 =	sor.u32 s17, s2;
	[tilespmem:s0+$0x0] =	vst v4;
	v0 =	vld.idx.msk [tilespmem:v0+s4+$0x0], $0xffff  }
0x210: {  	s6 =	sor.u32 $0x12000, s19;
	s1 =	sor.u32 s15, s2;
	v4 =	vld.idx.msk [tilespmem:v5+s7+$0x0], $0xffff;
	[tilespmem:s5+$0x0] =	vst v9  }
0x211: {  	s8 =	sor.u32 $0x12080, s13;
	s7 =	sor.u32 s20, s6;
	[tilespmem:s1+$0x0] =	vst v3;
	v2 =	vld.idx.msk [tilespmem:v2+s4+$0x0], $0xffff  }
0x212: {  	s13 =	sor.u32 s12, s8;
	v3 =	vld.idx.msk [tilespmem:v8+s4+$0x0], $0xffff;
	[tilespmem:s7+$0x0] =	vst v6  }
0x213: {  	s11 =	sor.u32 s14, s8;
	[tilespmem:s13+$0x0] =	vst v1  }
0x214: {  	s14 =	sor.u32 $0x12080, s16;
	s0 =	sor.u32 s18, s6;
	[tilespmem:s11+$0x0] =	vst v0  }
0x215: {  	s16 =	sor.u32 s17, s14;
	v6 =	vld.idx.msk [tilespmem:v7+s4+$0x0], $0xffff;
	[tilespmem:s0+$0x0] =	vst v4  }
0x216: {  	s1 =	sor.u32 s15, s14;
	v0 =	vld.idx.msk [tilespmem:v5+s4+$0x0], $0xffff;
	s17 =	rddreg [dreg:$0xc];
	[tilespmem:s16+$0x0] =	vst v2  }
0x217: {  	s2 =	smul.u32 $0x1F4000, s17;
	[tilespmem:s1+$0x0] =	vst v3  }
0x218: {  	s19 =	sor.u32 $0x12080, s19;
	s3 =	rddreg [dreg:$0x7]  }
0x219: {  	p2 =	por p1, !p0;
	s21 =	sor.u32 s20, s19;
	s3 =	sadd.s32 @p0 s3, s2  }
0x21a: {  	s6 =	rddreg [dreg:$0x2];
	s0 =	sor.u32 s18, s19;
	[tilespmem:s21+$0x0] =	vst v6;
	s1 =	sshrl.u32 @p0 s3, $0x3  }
0x21b: {  	s3 =	simm.s32 @p0 $0xBD00;
	[tilespmem:s0+$0x0] =	vst v0;
	s0 =	sadd.s32 @p0 s6, s1;
	s1 =	simm.s32 @p0 $0x0  }
0x21c: {  	[hbm4b:s0+s1] =	stream.linear.scatter @p0 [tilespmem:s3], [sflag:$0x4], $0x8000, $0x38;
	[tilespmem:$0x1BD00] =	vst v63  }
0x21d: {  	s0 =	simm.s32 @!p2 $0x5  }
0x21e: {  	_ =	swait.ge @!p2 [sflag:s0], $0x8000  }
0x21f: {  	s1 =	sshrl.u32 @!p0 s2, $0x3;
	[sflag:s0] =	ssyncset.done @!p2 $0x0  }
0x220: {  	s2 =	simm.s32 @!p0 $0x11D00;
	[sflag:s0] =	ssyncadd.s32 @!p2 $0xFFFF8000;
	s0 =	sadd.s32 @!p0 s6, s1  }
0x221: {  	s22 =	rddreg [dreg:$0xf];
	s1 =	simm.s32 @!p0 $0x0;
	s0 =	sadd.s32 @!p0 $0x1F000, s0  }
0x222: {  	[hbm4b:s0+s1] =	stream.linear.scatter @!p0 [tilespmem:s2], [sflag:$0x4], $0x2000, $0x38;
	[tilespmem:$0x1BD00] =	vst v63  }
0x223: {  	p1 =	por p1, p0;
	s0 =	sor.u32 $0x1, s22  }
0x224: {  	s1 =	simm.s32 @!p1 $0x5;
	[dreg:$0xd] =	wrdreg s0  }
0x225: {  	s0 =	sshll.u32 s0, $0x7;
	_ =	swait.ge @!p1 [sflag:s1], $0x2000  }
0x226: {  	s0 =	sand.u32 $0x380, s0;
	s24 =	rddreg [dreg:$0xe]  }
0x227: {  	s0 =	sadd.s32 s0, s24  }
0x228: {  	s25 =	simm.s32 $0x0;
	[dreg:$0x5] =	wrdreg s0  }
0x229: {  	s4 =	sand.u32 $0x60, s25;
	s21 =	sand.u32 $0x1C00, s25;
	s0 =	rddreg [dreg:$0x5]  }
0x22a: {  	s5 =	sor.u32 $0x10, s4;
	[sflag:s1] =	ssyncset.done @!p1 $0x0;
	s0 =	sadd.s32 s21, s0  }
0x22b: {  	[sflag:s1] =	ssyncadd.s32 @!p1 $0xFFFFE000;
	s3 =	sadd.s32 s5, s0  }
0x22c: {  	v7 =	vld [tilespmem:s3+$0x0];
	_ =	sdelay $0x2  }
0x22d: {  	s0 =	sadd.s32 s4, s0  }
0x22e: {  	v2 =	vld [tilespmem:s0+$0x0];
	_ =	sdelay $0x2  }
0x22f: {  	s11 =	simm.s32 $0x0  }
0x230: {  	v0 =	vld.idx.msk [tilespmem:v7+s11+$0x0], $0xffff;
	_ =	sdelay $0x2  }
0x231: {  	s6 =	sadd.s32 $0x13D00, s21  }
0x232: {  	s7 =	sor.u32 s5, s6;
	v1 =	vld.idx.msk [tilespmem:v2+s11+$0x0], $0xffff  }
0x233: {  	s22 =	simm.s32 $0x3E8;
	[tilespmem:s7+$0x0] =	vst v0  }
0x234: {  	v0 =	vld.idx.msk [tilespmem:v7+s22+$0x0], $0xffff;
	_ =	sdelay $0x1  }
0x235: {  	s0 =	sor.u32 s4, s6  }
0x236: {  	s8 =	sadd.s32 $0x13D80, s21;
	[tilespmem:s0+$0x0] =	vst v1  }
0x237: {  	s12 =	sor.u32 s5, s8;
	v1 =	vld.idx.msk [tilespmem:v2+s22+$0x0], $0xffff  }
0x238: {  	s24 =	simm.s32 $0x7D0;
	[tilespmem:s12+$0x0] =	vst v0  }
0x239: {  	v0 =	vld.idx.msk [tilespmem:v7+s24+$0x0], $0xffff;
	_ =	sdelay $0x1  }
0x23a: {  	s15 =	sor.u32 s4, s8  }
0x23b: {  	s13 =	sadd.s32 $0x13E00, s21;
	[tilespmem:s15+$0x0] =	vst v1  }
0x23c: {  	s14 =	sor.u32 s5, s13;
	v1 =	vld.idx.msk [tilespmem:v2+s24+$0x0], $0xffff  }
0x23d: {  	s16 =	simm.s32 $0xBB8;
	[tilespmem:s14+$0x0] =	vst v0  }
0x23e: {  	v0 =	vld.idx.msk [tilespmem:v7+s16+$0x0], $0xffff;
	_ =	sdelay $0x1  }
0x23f: {  	s19 =	sor.u32 s4, s13  }
0x240: {  	s17 =	sadd.s32 $0x13E80, s21;
	[tilespmem:s19+$0x0] =	vst v1  }
0x241: {  	s18 =	sor.u32 s5, s17;
	v1 =	vld.idx.msk [tilespmem:v2+s16+$0x0], $0xffff  }
0x242: {  	[tilespmem:s18+$0x0] =	vst v0  }
0x243: {  	v0 =	vld.idx.msk [tilespmem:v7+s30+$0x0], $0xffff;
	_ =	sdelay $0x1  }
0x244: {  	s3 =	sor.u32 s4, s17  }
0x245: {  	s20 =	sadd.s32 $0x13F00, s21;
	[tilespmem:s3+$0x0] =	vst v1  }
0x246: {  	s25 =	sor.u32 s5, s20;
	v1 =	vld.idx.msk [tilespmem:v2+s30+$0x0], $0xffff  }
0x247: {  	s15 =	simm.s32 $0x1388;
	[tilespmem:s25+$0x0] =	vst v0  }
0x248: {  	v0 =	vld.idx.msk [tilespmem:v7+s15+$0x0], $0xffff;
	_ =	sdelay $0x1  }
0x249: {  	s8 =	sor.u32 s4, s20  }
0x24a: {  	s6 =	sadd.s32 $0x13F80, s21;
	[tilespmem:s8+$0x0] =	vst v1  }
0x24b: {  	s7 =	sor.u32 s5, s6;
	v1 =	vld.idx.msk [tilespmem:v2+s15+$0x0], $0xffff  }
0x24c: {  	[tilespmem:s7+$0x0] =	vst v0;
	s7 =	simm.s32 $0x1770  }
0x24d: {  	v0 =	vld.idx.msk [tilespmem:v7+s7+$0x0], $0xffff;
	_ =	sdelay $0x1  }
0x24e: {  	s13 =	sor.u32 s4, s6  }
0x24f: {  	s2 =	sor.u32 $0x14000, s21;
	[tilespmem:s13+$0x0] =	vst v1  }
0x250: {  	s12 =	sor.u32 s5, s2;
	v1 =	vld.idx.msk [tilespmem:v2+s7+$0x0], $0xffff  }
0x251: {  	[tilespmem:s12+$0x0] =	vst v0  }
0x252: {  	v0 =	vld.idx.msk [tilespmem:v7+s29+$0x0], $0xffff  }
0x253: {  	s17 =	simm.s32 $0x100;
	s14 =	rddreg [dreg:$0x5];
	s18 =	simm.s32 $0x20  }
0x254: {  	s13 =	sand.u32 $0x1C00, s17;
	s17 =	sor.u32 s4, s2;
	s12 =	sand.u32 $0x60, s18  }
0x255: {  	s8 =	sor.u32 $0x14080, s21;
	s20 =	sadd.s32 s13, s14;
	[tilespmem:s17+$0x0] =	vst v1;
	s14 =	sor.u32 $0x10, s12  }
0x256: {  	s19 =	sor.u32 s5, s8;
	v4 =	vld.idx.msk [tilespmem:v2+s29+$0x0], $0xffff;
	s1 =	sadd.s32 s14, s20  }
0x257: {  	s25 =	simm.s32 $0x1F40;
	[tilespmem:s19+$0x0] =	vst v0;
	v0 =	vld [tilespmem:s1+$0x0]  }
0x258: {  	v3 =	vld.idx.msk [tilespmem:v7+s25+$0x0], $0xffff  }
0x259: {  	s0 =	sadd.s32 s12, s20  }
0x25a: {  	v1 =	vld [tilespmem:s0+$0x0]  }
0x25b: {  	s8 =	sor.u32 s4, s8;
	s18 =	sadd.s32 $0x15D00, s21  }
0x25c: {  	s6 =	sor.u32 s5, s18;
	[tilespmem:s8+$0x0] =	vst v4  }
0x25d: {  	v4 =	vld.idx.msk [tilespmem:v2+s25+$0x0], $0xffff;
	[tilespmem:s6+$0x0] =	vst v3  }
0x25e: {  	v3 =	vld.idx.msk [tilespmem:v7+s9+$0x0], $0xffff  }
0x25f: {  	v5 =	vld.idx.msk [tilespmem:v0+s11+$0x0], $0xffff;
	_ =	sdelay $0x1  }
0x260: {  	s17 =	sadd.s32 $0x15D80, s21;
	s1 =	sor.u32 s4, s18  }
0x261: {  	s20 =	sadd.s32 $0x13D00, s13;
	s19 =	sor.u32 s5, s17;
	v6 =	vld.idx.msk [tilespmem:v1+s11+$0x0], $0xffff;
	[tilespmem:s1+$0x0] =	vst v4  }
0x262: {  	s10 =	simm.s32 $0x2710;
	s6 =	sor.u32 s14, s20;
	v4 =	vld.idx.msk [tilespmem:v2+s9+$0x0], $0xffff;
	[tilespmem:s19+$0x0] =	vst v3  }
0x263: {  	v3 =	vld.idx.msk [tilespmem:v7+s10+$0x0], $0xffff;
	[tilespmem:s6+$0x0] =	vst v5  }
0x264: {  	v5 =	vld.idx.msk [tilespmem:v0+s22+$0x0], $0xffff  }
0x265: {  	s2 =	sor.u32 s12, s20  }
0x266: {  	s0 =	sor.u32 s4, s17;
	s8 =	sadd.s32 $0x15E00, s21;
	[tilespmem:s2+$0x0] =	vst v6  }
0x267: {  	s18 =	sor.u32 s5, s8;
	v6 =	vld.idx.msk [tilespmem:v1+s22+$0x0], $0xffff;
	s19 =	sadd.s32 $0x13D80, s13;
	[tilespmem:s0+$0x0] =	vst v4  }
0x268: {  	s26 =	simm.s32 $0x2AF8;
	s20 =	sor.u32 s14, s19;
	v4 =	vld.idx.msk [tilespmem:v2+s10+$0x0], $0xffff;
	[tilespmem:s18+$0x0] =	vst v3  }
0x269: {  	v3 =	vld.idx.msk [tilespmem:v7+s26+$0x0], $0xffff;
	[tilespmem:s20+$0x0] =	vst v5  }
0x26a: {  	v5 =	vld.idx.msk [tilespmem:v0+s24+$0x0], $0xffff  }
0x26b: {  	s3 =	sor.u32 s12, s19  }
0x26c: {  	s1 =	sor.u32 s4, s8;
	s6 =	sadd.s32 $0x15E80, s21;
	[tilespmem:s3+$0x0] =	vst v6  }
0x26d: {  	s17 =	sor.u32 s5, s6;
	v6 =	vld.idx.msk [tilespmem:v1+s24+$0x0], $0xffff;
	s18 =	sadd.s32 $0x13E00, s13;
	[tilespmem:s1+$0x0] =	vst v4  }
0x26e: {  	s19 =	simm.s32 $0x2EE0;
	s20 =	sor.u32 s14, s18;
	v4 =	vld.idx.msk [tilespmem:v2+s26+$0x0], $0xffff;
	[tilespmem:s17+$0x0] =	vst v3  }
0x26f: {  	v3 =	vld.idx.msk [tilespmem:v7+s19+$0x0], $0xffff;
	[tilespmem:s20+$0x0] =	vst v5  }
0x270: {  	v5 =	vld.idx.msk [tilespmem:v0+s16+$0x0], $0xffff  }
0x271: {  	s2 =	sor.u32 s12, s18  }
0x272: {  	s0 =	sor.u32 s4, s6;
	s1 =	sadd.s32 $0x15F00, s21;
	[tilespmem:s2+$0x0] =	vst v6  }
0x273: {  	s8 =	sadd.s32 $0x13E80, s13;
	s26 =	sor.u32 s5, s1;
	v6 =	vld.idx.msk [tilespmem:v1+s16+$0x0], $0xffff;
	[tilespmem:s0+$0x0] =	vst v4  }
0x274: {  	s9 =	simm.s32 $0x32C8;
	s10 =	sor.u32 s14, s8;
	v4 =	vld.idx.msk [tilespmem:v2+s19+$0x0], $0xffff;
	[tilespmem:s26+$0x0] =	vst v3  }
0x275: {  	v3 =	vld.idx.msk [tilespmem:v7+s9+$0x0], $0xffff;
	[tilespmem:s10+$0x0] =	vst v5  }
0x276: {  	v5 =	vld.idx.msk [tilespmem:v0+s30+$0x0], $0xffff  }
0x277: {  	s3 =	sor.u32 s12, s8  }
0x278: {  	s1 =	sor.u32 s4, s1;
	s16 =	sadd.s32 $0x15F80, s21;
	[tilespmem:s3+$0x0] =	vst v6  }
0x279: {  	s18 =	sadd.s32 $0x13F00, s13;
	s17 =	sor.u32 s5, s16;
	v6 =	vld.idx.msk [tilespmem:v1+s30+$0x0], $0xffff;
	[tilespmem:s1+$0x0] =	vst v4  }
0x27a: {  	s19 =	simm.s32 $0x36B0;
	s20 =	sor.u32 s14, s18;
	v4 =	vld.idx.msk [tilespmem:v2+s9+$0x0], $0xffff;
	[tilespmem:s17+$0x0] =	vst v3  }
0x27b: {  	v3 =	vld.idx.msk [tilespmem:v7+s19+$0x0], $0xffff;
	[tilespmem:s20+$0x0] =	vst v5  }
0x27c: {  	v5 =	vld.idx.msk [tilespmem:v0+s15+$0x0], $0xffff  }
0x27d: {  	s2 =	sor.u32 s12, s18  }
0x27e: {  	s0 =	sor.u32 s4, s16;
	s26 =	sor.u32 $0x16000, s21;
	[tilespmem:s2+$0x0] =	vst v6  }
0x27f: {  	s8 =	sor.u32 s5, s26;
	s9 =	sadd.s32 $0x13F80, s13;
	v6 =	vld.idx.msk [tilespmem:v1+s15+$0x0], $0xffff;
	[tilespmem:s0+$0x0] =	vst v4  }
0x280: {  	s23 =	simm.s32 $0x3A98;
	s10 =	sor.u32 s14, s9;
	v4 =	vld.idx.msk [tilespmem:v2+s19+$0x0], $0xffff;
	[tilespmem:s8+$0x0] =	vst v3  }
0x281: {  	v3 =	vld.idx.msk [tilespmem:v7+s23+$0x0], $0xffff;
	[tilespmem:s10+$0x0] =	vst v5  }
0x282: {  	v5 =	vld.idx.msk [tilespmem:v0+s7+$0x0], $0xffff  }
0x283: {  	s3 =	sor.u32 s12, s9  }
0x284: {  	s1 =	sor.u32 s4, s26;
	s0 =	sor.u32 $0x16080, s21;
	[tilespmem:s3+$0x0] =	vst v6  }
0x285: {  	s17 =	sor.u32 $0x14000, s13;
	s16 =	sor.u32 s5, s0;
	v6 =	vld.idx.msk [tilespmem:v1+s7+$0x0], $0xffff;
	[tilespmem:s1+$0x0] =	vst v4  }
0x286: {  	s18 =	sor.u32 s14, s17;
	v4 =	vld.idx.msk [tilespmem:v2+s23+$0x0], $0xffff;
	[tilespmem:s16+$0x0] =	vst v3  }
0x287: {  	v3 =	vld.idx.msk [tilespmem:v7+s31+$0x0], $0xffff;
	[tilespmem:s18+$0x0] =	vst v5  }
0x288: {  	v5 =	vld.idx.msk [tilespmem:v0+s29+$0x0], $0xffff  }
0x289: {  	s26 =	simm.s32 $0x40;
	s2 =	sor.u32 s12, s17;
	s20 =	rddreg [dreg:$0x5]  }
0x28a: {  	s0 =	sor.u32 s4, s0;
	s15 =	sand.u32 $0x60, s26;
	s1 =	sadd.s32 $0x17D00, s21;
	[tilespmem:s2+$0x0] =	vst v6  }
0x28b: {  	s19 =	sor.u32 s5, s1;
	s23 =	simm.s32 $0x200;
	s7 =	sor.u32 $0x14080, s13;
	v8 =	vld.idx.msk [tilespmem:v1+s29+$0x0], $0xffff;
	[tilespmem:s0+$0x0] =	vst v4  }
0x28c: {  	s10 =	simm.s32 $0x4268;
	s17 =	sor.u32 s14, s7;
	s16 =	sand.u32 $0x1C00, s23;
	v9 =	vld.idx.msk [tilespmem:v2+s31+$0x0], $0xffff;
	[tilespmem:s19+$0x0] =	vst v3  }
0x28d: {  	s25 =	simm.s32 $0x1F40;
	s18 =	sadd.s32 s16, s20;
	v6 =	vld.idx.msk [tilespmem:v7+s10+$0x0], $0xffff;
	[tilespmem:s17+$0x0] =	vst v5;
	s17 =	sor.u32 $0x10, s15  }
0x28e: {  	v5 =	vld.idx.msk [tilespmem:v0+s25+$0x0], $0xffff;
	s6 =	sadd.s32 s17, s18  }
0x28f: {  	v3 =	vld [tilespmem:s6+$0x0]  }
0x290: {  	s20 =	sor.u32 s12, s7;
	s2 =	sadd.s32 s15, s18  }
0x291: {  	s1 =	sor.u32 s4, s1;
	s0 =	sadd.s32 $0x17D80, s21;
	v4 =	vld [tilespmem:s2+$0x0];
	[tilespmem:s20+$0x0] =	vst v8  }
0x292: {  	s23 =	sadd.s32 $0x15D00, s13;
	v8 =	vld.idx.msk [tilespmem:v1+s25+$0x0], $0xffff;
	s19 =	sor.u32 s5, s0;
	[tilespmem:s1+$0x0] =	vst v9  }
0x293: {  	s7 =	simm.s32 $0x4650;
	s26 =	sor.u32 s14, s23;
	[tilespmem:s19+$0x0] =	vst v6  }
0x294: {  	s1 =	simm.s32 $0x2328;
	v6 =	vld.idx.msk [tilespmem:v7+s7+$0x0], $0xffff;
	[tilespmem:s26+$0x0] =	vst v5  }
0x295: {  	v5 =	vld.idx.msk [tilespmem:v0+s1+$0x0], $0xffff  }
0x296: {  	v9 =	vld.idx.msk [tilespmem:v2+s10+$0x0], $0xffff;
	s10 =	sor.u32 s12, s23  }
0x297: {  	s8 =	sadd.s32 $0x17E00, s21;
	[tilespmem:s10+$0x0] =	vst v8;
	v10 =	vld.idx.msk [tilespmem:v3+s11+$0x0], $0xffff  }
0x298: {  	s9 =	sor.u32 s5, s8;
	s18 =	sadd.s32 $0x15D80, s13;
	v11 =	vld.idx.msk [tilespmem:v1+s1+$0x0], $0xffff  }
0x299: {  	v8 =	vld.idx.msk [tilespmem:v4+s11+$0x0], $0xffff;
	s19 =	sor.u32 s14, s18;
	[tilespmem:s9+$0x0] =	vst v6;
	s9 =	simm.s32 $0x4A38  }
0x29a: {  	s20 =	sadd.s32 $0x13D00, s16;
	s0 =	sor.u32 s4, s0;
	s23 =	simm.s32 $0x2710;
	v6 =	vld.idx.msk [tilespmem:v7+s9+$0x0], $0xffff;
	[tilespmem:s19+$0x0] =	vst v5  }
0x29b: {  	[tilespmem:s0+$0x0] =	vst v9;
	s26 =	sor.u32 s17, s20;
	v5 =	vld.idx.msk [tilespmem:v0+s23+$0x0], $0xffff  }
0x29c: {  	s10 =	sor.u32 s12, s18;
	v9 =	vld.idx.msk [tilespmem:v2+s7+$0x0], $0xffff;
	[tilespmem:s26+$0x0] =	vst v10  }
0x29d: {  	s2 =	sor.u32 s15, s20;
	s6 =	sadd.s32 $0x17E80, s21;
	[tilespmem:s10+$0x0] =	vst v11;
	v10 =	vld.idx.msk [tilespmem:v3+s22+$0x0], $0xffff  }
0x29e: {  	s18 =	sadd.s32 $0x15E00, s13;
	s7 =	sor.u32 s5, s6;
	[tilespmem:s2+$0x0] =	vst v8;
	v11 =	vld.idx.msk [tilespmem:v1+s23+$0x0], $0xffff  }
0x29f: {  	v8 =	vld.idx.msk [tilespmem:v4+s22+$0x0], $0xffff;
	s19 =	sor.u32 s14, s18;
	[tilespmem:s7+$0x0] =	vst v6;
	s7 =	simm.s32 $0x4E20  }
0x2a0: {  	s20 =	sadd.s32 $0x13D80, s16;
	s1 =	sor.u32 s4, s8;
	s23 =	simm.s32 $0x2AF8;
	v6 =	vld.idx.msk [tilespmem:v7+s7+$0x0], $0xffff;
	[tilespmem:s19+$0x0] =	vst v5  }
0x2a1: {  	[tilespmem:s1+$0x0] =	vst v9;
	s26 =	sor.u32 s17, s20;
	v5 =	vld.idx.msk [tilespmem:v0+s23+$0x0], $0xffff  }
0x2a2: {  	s2 =	sor.u32 s12, s18;
	v9 =	vld.idx.msk [tilespmem:v2+s9+$0x0], $0xffff;
	[tilespmem:s26+$0x0] =	vst v10  }
0x2a3: {  	s0 =	sor.u32 s15, s20;
	s1 =	sadd.s32 $0x17F00, s21;
	[tilespmem:s2+$0x0] =	vst v11;
	v10 =	vld.idx.msk [tilespmem:v3+s24+$0x0], $0xffff  }
0x2a4: {  	s10 =	sor.u32 s5, s1;
	[tilespmem:s0+$0x0] =	vst v8;
	s0 =	sadd.s32 $0x15E80, s13;
	v11 =	vld.idx.msk [tilespmem:v1+s23+$0x0], $0xffff  }
0x2a5: {  	s9 =	simm.s32 $0x5208;
	v8 =	vld.idx.msk [tilespmem:v4+s24+$0x0], $0xffff;
	s18 =	sor.u32 s14, s0;
	[tilespmem:s10+$0x0] =	vst v6  }
0x2a6: {  	s20 =	sadd.s32 $0x13E00, s16;
	s19 =	sor.u32 s4, s6;
	s23 =	simm.s32 $0x2EE0;
	v6 =	vld.idx.msk [tilespmem:v7+s9+$0x0], $0xffff;
	[tilespmem:s18+$0x0] =	vst v5  }
0x2a7: {  	[tilespmem:s19+$0x0] =	vst v9;
	s26 =	sor.u32 s17, s20;
	v5 =	vld.idx.msk [tilespmem:v0+s23+$0x0], $0xffff  }
0x2a8: {  	s0 =	sor.u32 s12, s0;
	v9 =	vld.idx.msk [tilespmem:v2+s7+$0x0], $0xffff;
	s18 =	simm.s32 $0xBB8;
	[tilespmem:s26+$0x0] =	vst v10  }
0x2a9: {  	s3 =	sadd.s32 $0x17F80, s21;
	s2 =	sor.u32 s15, s20;
	[tilespmem:s0+$0x0] =	vst v11;
	v10 =	vld.idx.msk [tilespmem:v3+s18+$0x0], $0xffff  }
0x2aa: {  	s19 =	sadd.s32 $0x15F00, s13;
	[tilespmem:s2+$0x0] =	vst v8;
	v11 =	vld.idx.msk [tilespmem:v1+s23+$0x0], $0xffff;
	s10 =	sor.u32 s5, s3  }
0x2ab: {  	s7 =	simm.s32 $0x55F0;
	s20 =	sor.u32 s14, s19;
	v8 =	vld.idx.msk [tilespmem:v4+s18+$0x0], $0xffff;
	[tilespmem:s10+$0x0] =	vst v6  }
0x2ac: {  	s1 =	sor.u32 s4, s1;
	s23 =	sadd.s32 $0x13E80, s16;
	s26 =	simm.s32 $0x32C8;
	v6 =	vld.idx.msk [tilespmem:v7+s7+$0x0], $0xffff;
	[tilespmem:s20+$0x0] =	vst v5  }
0x2ad: {  	[tilespmem:s1+$0x0] =	vst v9;
	s10 =	sor.u32 s17, s23;
	v5 =	vld.idx.msk [tilespmem:v0+s26+$0x0], $0xffff  }
0x2ae: {  	s2 =	sor.u32 s12, s19;
	v9 =	vld.idx.msk [tilespmem:v2+s9+$0x0], $0xffff;
	[tilespmem:s10+$0x0] =	vst v10  }
0x2af: {  	s1 =	sor.u32 $0x18000, s21;
	s0 =	sor.u32 s15, s23;
	[tilespmem:s2+$0x0] =	vst v11;
	v10 =	vld.idx.msk [tilespmem:v3+s30+$0x0], $0xffff  }
0x2b0: {  	s18 =	sor.u32 s5, s1;
	v11 =	vld.idx.msk [tilespmem:v1+s26+$0x0], $0xffff;
	[tilespmem:s0+$0x0] =	vst v8;
	s0 =	sadd.s32 $0x15F80, s13  }
0x2b1: {  	v8 =	vld.idx.msk [tilespmem:v4+s30+$0x0], $0xffff;
	s19 =	sor.u32 s14, s0;
	s10 =	simm.s32 $0x59D8;
	[tilespmem:s18+$0x0] =	vst v6  }
0x2b2: {  	s3 =	sor.u32 s4, s3;
	s23 =	simm.s32 $0x36B0;
	s20 =	sadd.s32 $0x13F00, s16;
	v6 =	vld.idx.msk [tilespmem:v7+s10+$0x0], $0xffff;
	[tilespmem:s19+$0x0] =	vst v5  }
0x2b3: {  	s26 =	sor.u32 s17, s20;
	[tilespmem:s3+$0x0] =	vst v9;
	v5 =	vld.idx.msk [tilespmem:v0+s23+$0x0], $0xffff  }
0x2b4: {  	s0 =	sor.u32 s12, s0;
	v9 =	vld.idx.msk [tilespmem:v2+s7+$0x0], $0xffff;
	s18 =	simm.s32 $0x1388;
	[tilespmem:s26+$0x0] =	vst v10  }
0x2b5: {  	s3 =	sor.u32 $0x18080, s21;
	s2 =	sor.u32 s15, s20;
	[tilespmem:s0+$0x0] =	vst v11;
	v10 =	vld.idx.msk [tilespmem:v3+s18+$0x0], $0xffff  }
0x2b6: {  	s9 =	sor.u32 s5, s3;
	v11 =	vld.idx.msk [tilespmem:v1+s23+$0x0], $0xffff;
	[tilespmem:s2+$0x0] =	vst v8;
	s19 =	sor.u32 $0x16000, s13  }
0x2b7: {  	v8 =	vld.idx.msk [tilespmem:v4+s18+$0x0], $0xffff;
	s20 =	sor.u32 s14, s19;
	[tilespmem:s9+$0x0] =	vst v6;
	s9 =	simm.s32 $0x5DC0  }
0x2b8: {  	s1 =	sor.u32 s4, s1;
	s23 =	sadd.s32 $0x13F80, s16;
	s26 =	simm.s32 $0x3A98;
	v6 =	vld.idx.msk [tilespmem:v7+s9+$0x0], $0xffff;
	[tilespmem:s20+$0x0] =	vst v5  }
0x2b9: {  	[tilespmem:s1+$0x0] =	vst v9;
	s7 =	sor.u32 s17, s23;
	v5 =	vld.idx.msk [tilespmem:v0+s26+$0x0], $0xffff  }
0x2ba: {  	s2 =	sor.u32 s12, s19;
	v9 =	vld.idx.msk [tilespmem:v2+s10+$0x0], $0xffff;
	s18 =	simm.s32 $0x1770;
	[tilespmem:s7+$0x0] =	vst v10  }
0x2bb: {  	s1 =	sadd.s32 $0x19D00, s21;
	s0 =	sor.u32 s15, s23;
	[tilespmem:s2+$0x0] =	vst v11;
	v10 =	vld.idx.msk [tilespmem:v3+s18+$0x0], $0xffff  }
0x2bc: {  	s19 =	sor.u32 $0x16080, s13;
	s10 =	sor.u32 s5, s1;
	v11 =	vld.idx.msk [tilespmem:v1+s26+$0x0], $0xffff;
	[tilespmem:s0+$0x0] =	vst v8  }
0x2bd: {  	s23 =	sor.u32 s14, s19;
	s20 =	simm.s32 $0x61A8;
	v8 =	vld.idx.msk [tilespmem:v4+s18+$0x0], $0xffff;
	[tilespmem:s10+$0x0] =	vst v6  }
0x2be: {  	s3 =	sor.u32 s4, s3;
	s26 =	sor.u32 $0x14000, s16;
	v6 =	vld.idx.msk [tilespmem:v7+s20+$0x0], $0xffff;
	[tilespmem:s23+$0x0] =	vst v5  }
0x2bf: {  	[tilespmem:s3+$0x0] =	vst v9;
	s7 =	sor.u32 s17, s26;
	v5 =	vld.idx.msk [tilespmem:v0+s31+$0x0], $0xffff  }
0x2c0: {  	s0 =	sor.u32 s12, s19;
	v9 =	vld.idx.msk [tilespmem:v2+s9+$0x0], $0xffff;
	[tilespmem:s7+$0x0] =	vst v10  }
0x2c1: {  	s1 =	sor.u32 s4, s1;
	s3 =	sadd.s32 $0x19D80, s21;
	s2 =	sor.u32 s15, s26;
	[tilespmem:s0+$0x0] =	vst v11;
	v10 =	vld.idx.msk [tilespmem:v3+s29+$0x0], $0xffff  }
0x2c2: {  	s19 =	simm.s32 $0x60;
	s8 =	sor.u32 s5, s3;
	v11 =	vld.idx.msk [tilespmem:v1+s31+$0x0], $0xffff;
	[tilespmem:s2+$0x0] =	vst v8;
	s2 =	sadd.s32 $0x17D00, s13  }
0x2c3: {  	s26 =	simm.s32 $0x6590;
	s0 =	rddreg [dreg:$0x5];
	v8 =	vld.idx.msk [tilespmem:v4+s29+$0x0], $0xffff;
	s9 =	sor.u32 s14, s2;
	[tilespmem:s8+$0x0] =	vst v6  }
0x2c4: {  	s10 =	simm.s32 $0x300;
	s7 =	simm.s32 $0x4268;
	s8 =	sor.u32 $0x14080, s16;
	v6 =	vld.idx.msk [tilespmem:v7+s26+$0x0], $0xffff;
	[tilespmem:s9+$0x0] =	vst v5  }
0x2c5: {  	s18 =	sand.u32 $0x60, s19;
	s19 =	sand.u32 $0x1C00, s10;
	[tilespmem:s1+$0x0] =	vst v9;
	s23 =	sor.u32 s17, s8;
	v12 =	vld.idx.msk [tilespmem:v0+s7+$0x0], $0xffff  }
0x2c6: {  	s1 =	sadd.s32 $0x19E00, s21;
	s0 =	sadd.s32 s19, s0;
	v9 =	vld.idx.msk [tilespmem:v2+s20+$0x0], $0xffff;
	s20 =	sor.u32 $0x10, s18;
	[tilespmem:s23+$0x0] =	vst v10  }
0x2c7: {  	s8 =	sor.u32 s15, s8;
	s23 =	sadd.s32 s20, s0;
	s0 =	sadd.s32 s18, s0;
	v10 =	vld.idx.msk [tilespmem:v3+s25+$0x0], $0xffff  }
0x2c8: {  	s10 =	sor.u32 s5, s1;
	s9 =	sadd.s32 $0x17D80, s13;
	[tilespmem:s8+$0x0] =	vst v8;
	v5 =	vld [tilespmem:s0+$0x0]  }
0x2c9: {  	s28 =	simm.s32 $0x6978;
	[tilespmem:s10+$0x0] =	vst v6;
	v6 =	vld [tilespmem:s23+$0x0];
	s10 =	sor.u32 s14, s9  }
0x2ca: {  	s23 =	sor.u32 s12, s2;
	v13 =	vld.idx.msk [tilespmem:v7+s28+$0x0], $0xffff;
	[tilespmem:s10+$0x0] =	vst v12  }
0x2cb: {  	s6 =	simm.s32 $0x4650;
	s2 =	sadd.s32 $0x15D00, s16;
	[tilespmem:s23+$0x0] =	vst v11;
	v11 =	vld.idx.msk [tilespmem:v4+s25+$0x0], $0xffff  }
0x2cc: {  	s25 =	sor.u32 s17, s2;
	v8 =	vld.idx.msk [tilespmem:v0+s6+$0x0], $0xffff  }
0x2cd: {  	s3 =	sor.u32 s4, s3;
	s23 =	sadd.s32 $0x19E80, s21;
	s10 =	simm.s32 $0x2328;
	[tilespmem:s25+$0x0] =	vst v10;
	v10 =	vld.idx.msk [tilespmem:v1+s7+$0x0], $0xffff  }
0x2ce: {  	[tilespmem:s3+$0x0] =	vst v9;
	s8 =	sor.u32 s5, s23;
	v12 =	vld.idx.msk [tilespmem:v3+s10+$0x0], $0xffff  }
0x2cf: {  	s3 =	sadd.s32 $0x17E00, s13;
	s2 =	sor.u32 s15, s2;
	s25 =	simm.s32 $0x6D60;
	[tilespmem:s8+$0x0] =	vst v13;
	v13 =	vld.idx.msk [tilespmem:v2+s26+$0x0], $0xffff  }
0x2d0: {  	s7 =	sor.u32 s14, s3;
	[tilespmem:s2+$0x0] =	vst v11;
	v9 =	vld.idx.msk [tilespmem:v7+s25+$0x0], $0xffff  }
0x2d1: {  	s8 =	sor.u32 s12, s9;
	s2 =	sadd.s32 $0x15D80, s16;
	[tilespmem:s7+$0x0] =	vst v8;
	v11 =	vld.idx.msk [tilespmem:v5+s11+$0x0], $0xffff  }
0x2d2: {  	s7 =	simm.s32 $0x4A38;
	s9 =	sor.u32 s17, s2;
	v14 =	vld.idx.msk [tilespmem:v6+s11+$0x0], $0xffff;
	[tilespmem:s8+$0x0] =	vst v10  }
0x2d3: {  	s1 =	sor.u32 s4, s1;
	s26 =	sadd.s32 $0x19F00, s21;
	v8 =	vld.idx.msk [tilespmem:v0+s7+$0x0], $0xffff;
	[tilespmem:s9+$0x0] =	vst v12  }
0x2d4: {  	s11 =	simm.s32 $0x2710;
	v10 =	vld.idx.msk [tilespmem:v4+s10+$0x0], $0xffff;
	s10 =	sor.u32 s5, s26;
	s9 =	sadd.s32 $0x13D00, s19;
	[tilespmem:s1+$0x0] =	vst v13  }
0x2d5: {  	v12 =	vld.idx.msk [tilespmem:v3+s11+$0x0], $0xffff;
	s25 =	sor.u32 s20, s9;
	s9 =	sor.u32 s18, s9;
	[tilespmem:s10+$0x0] =	vst v9  }
0x2d6: {  	s1 =	simm.s32 $0x7148;
	v13 =	vld.idx.msk [tilespmem:v1+s6+$0x0], $0xffff;
	s10 =	sadd.s32 $0x17E80, s13;
	[tilespmem:s9+$0x0] =	vst v11  }
0x2d7: {  	v9 =	vld.idx.msk [tilespmem:v7+s1+$0x0], $0xffff;
	[tilespmem:s25+$0x0] =	vst v14;
	s8 =	sor.u32 s14, s10  }
0x2d8: {  	s25 =	sor.u32 s15, s2;
	v11 =	vld.idx.msk [tilespmem:v5+s22+$0x0], $0xffff;
	[tilespmem:s8+$0x0] =	vst v8;
	s8 =	sadd.s32 $0x15E00, s16  }
0x2d9: {  	s6 =	simm.s32 $0x4E20;
	v14 =	vld.idx.msk [tilespmem:v6+s22+$0x0], $0xffff;
	[tilespmem:s25+$0x0] =	vst v10;
	s0 =	sor.u32 s17, s8  }
0x2da: {  	s3 =	sor.u32 s12, s3;
	s25 =	sadd.s32 $0x19F80, s21;
	v8 =	vld.idx.msk [tilespmem:v0+s6+$0x0], $0xffff;
	[tilespmem:s0+$0x0] =	vst v12  }
0x2db: {  	s9 =	sadd.s32 $0x13D80, s19;
	v10 =	vld.idx.msk [tilespmem:v4+s11+$0x0], $0xffff;
	s2 =	sor.u32 s5, s25;
	s0 =	simm.s32 $0x2AF8;
	[tilespmem:s3+$0x0] =	vst v13  }
0x2dc: {  	s11 =	sor.u32 s20, s9;
	s9 =	sor.u32 s18, s9;
	v12 =	vld.idx.msk [tilespmem:v3+s0+$0x0], $0xffff;
	[tilespmem:s2+$0x0] =	vst v9  }
0x2dd: {  	s22 =	simm.s32 $0x7530;
	s3 =	sadd.s32 $0x17F00, s13;
	v13 =	vld.idx.msk [tilespmem:v1+s7+$0x0], $0xffff;
	[tilespmem:s9+$0x0] =	vst v11  }
0x2de: {  	s7 =	sor.u32 s14, s3;
	v9 =	vld.idx.msk [tilespmem:v7+s22+$0x0], $0xffff;
	[tilespmem:s11+$0x0] =	vst v14  }
0x2df: {  	s9 =	sadd.s32 $0x15E80, s16;
	s2 =	simm.s32 $0x5208;
	s11 =	sor.u32 s15, s8;
	v14 =	vld.idx.msk [tilespmem:v6+s24+$0x0], $0xffff;
	[tilespmem:s7+$0x0] =	vst v8  }
0x2e0: {  	s22 =	sor.u32 s17, s9;
	[tilespmem:s11+$0x0] =	vst v10;
	v8 =	vld.idx.msk [tilespmem:v0+s2+$0x0], $0xffff  }
0x2e1: {  	s10 =	sor.u32 s12, s10;
	v11 =	vld.idx.msk [tilespmem:v5+s24+$0x0], $0xffff;
	s8 =	sor.u32 $0x1A000, s21;
	[tilespmem:s22+$0x0] =	vst v12  }
0x2e2: {  	s24 =	sor.u32 s5, s8;
	s11 =	sadd.s32 $0x13E00, s19;
	v10 =	vld.idx.msk [tilespmem:v4+s0+$0x0], $0xffff;
	s0 =	simm.s32 $0x2EE0;
	[tilespmem:s10+$0x0] =	vst v13  }
0x2e3: {  	s7 =	sor.u32 s20, s11;
	s22 =	sadd.s32 $0x17F80, s13;
	v12 =	vld.idx.msk [tilespmem:v3+s0+$0x0], $0xffff;
	[tilespmem:s24+$0x0] =	vst v9  }
0x2e4: {  	s24 =	simm.s32 $0x7918;
	v9 =	vld.idx.msk [tilespmem:v1+s6+$0x0], $0xffff;
	s6 =	sor.u32 s14, s22;
	[tilespmem:s7+$0x0] =	vst v14  }
0x2e5: {  	s10 =	simm.s32 $0xBB8;
	v7 =	vld.idx.msk [tilespmem:v7+s24+$0x0], $0xffff;
	s7 =	sor.u32 s18, s11;
	[tilespmem:s6+$0x0] =	vst v8  }
0x2e6: {  	s1 =	sadd.s32 $0x15F00, s16;
	s9 =	sor.u32 s15, s9;
	s24 =	simm.s32 $0x55F0;
	v8 =	vld.idx.msk [tilespmem:v6+s10+$0x0], $0xffff;
	[tilespmem:s7+$0x0] =	vst v11  }
0x2e7: {  	s11 =	sor.u32 s17, s1;
	[tilespmem:s9+$0x0] =	vst v10;
	v11 =	vld.idx.msk [tilespmem:v0+s24+$0x0], $0xffff  }
0x2e8: {  	s3 =	sor.u32 s12, s3;
	v13 =	vld.idx.msk [tilespmem:v5+s10+$0x0], $0xffff;
	s10 =	sor.u32 $0x1A080, s21;
	[tilespmem:s11+$0x0] =	vst v12  }
0x2e9: {  	v10 =	vld.idx.msk [tilespmem:v4+s0+$0x0], $0xffff;
	s0 =	sadd.s32 $0x13E80, s19;
	s21 =	sor.u32 s5, s10;
	s5 =	simm.s32 $0x32C8;
	[tilespmem:s3+$0x0] =	vst v9  }
0x2ea: {  	s6 =	sor.u32 s20, s0;
	v12 =	vld.idx.msk [tilespmem:v3+s5+$0x0], $0xffff;
	s3 =	sor.u32 $0x18000, s13;
	[tilespmem:s21+$0x0] =	vst v7  }
0x2eb: {  	v7 =	vld.idx.msk [tilespmem:v2+s28+$0x0], $0xffff;
	s7 =	sor.u32 s14, s3;
	[tilespmem:s6+$0x0] =	vst v8  }
0x2ec: {  	s21 =	sor.u32 s18, s0;
	v8 =	vld.idx.msk [tilespmem:v1+s2+$0x0], $0xffff;
	[tilespmem:s7+$0x0] =	vst v11  }
0x2ed: {  	v9 =	vld.idx.msk [tilespmem:v6+s30+$0x0], $0xffff;
	[tilespmem:s21+$0x0] =	vst v13;
	s21 =	simm.s32 $0x59D8  }
0x2ee: {  	s1 =	sor.u32 s15, s1;
	s9 =	sadd.s32 $0x15F80, s16;
	v11 =	vld.idx.msk [tilespmem:v0+s21+$0x0], $0xffff  }
0x2ef: {  	[tilespmem:s1+$0x0] =	vst v10;
	v13 =	vld.idx.msk [tilespmem:v5+s30+$0x0], $0xffff;
	s30 =	sor.u32 s17, s9  }
0x2f0: {  	s0 =	sor.u32 s4, s23;
	s7 =	simm.s32 $0x36B0;
	v10 =	vld.idx.msk [tilespmem:v4+s5+$0x0], $0xffff;
	[tilespmem:s30+$0x0] =	vst v12  }
0x2f1: {  	s23 =	simm.s32 $0x6D60;
	s2 =	sor.u32 s12, s22;
	s5 =	sadd.s32 $0x13F00, s19;
	v12 =	vld.idx.msk [tilespmem:v3+s7+$0x0], $0xffff;
	[tilespmem:s0+$0x0] =	vst v7  }
0x2f2: {  	s1 =	sor.u32 $0x18080, s13;
	s22 =	sor.u32 s20, s5;
	[tilespmem:s2+$0x0] =	vst v8;
	v7 =	vld.idx.msk [tilespmem:v2+s23+$0x0], $0xffff  }
0x2f3: {  	s30 =	sor.u32 s14, s1;
	s2 =	simm.s32 $0x1388;
	[tilespmem:s22+$0x0] =	vst v9;
	v8 =	vld.idx.msk [tilespmem:v1+s24+$0x0], $0xffff  }
0x2f4: {  	s0 =	sor.u32 s18, s5;
	s5 =	simm.s32 $0x5DC0;
	[tilespmem:s30+$0x0] =	vst v11;
	v9 =	vld.idx.msk [tilespmem:v6+s2+$0x0], $0xffff  }
0x2f5: {  	s6 =	sor.u32 $0x16000, s16;
	s9 =	sor.u32 s15, s9;
	[tilespmem:s0+$0x0] =	vst v13;
	v11 =	vld.idx.msk [tilespmem:v0+s5+$0x0], $0xffff  }
0x2f6: {  	s22 =	sor.u32 s17, s6;
	[tilespmem:s9+$0x0] =	vst v10;
	v13 =	vld.idx.msk [tilespmem:v5+s2+$0x0], $0xffff  }
0x2f7: {  	s23 =	sor.u32 s4, s26;
	v10 =	vld.idx.msk [tilespmem:v4+s7+$0x0], $0xffff;
	s7 =	simm.s32 $0x3A98;
	[tilespmem:s22+$0x0] =	vst v12  }
0x2f8: {  	s3 =	sor.u32 s12, s3;
	s24 =	sadd.s32 $0x13F80, s19;
	s30 =	simm.s32 $0x7148;
	v12 =	vld.idx.msk [tilespmem:v3+s7+$0x0], $0xffff;
	[tilespmem:s23+$0x0] =	vst v7  }
0x2f9: {  	s26 =	sor.u32 s20, s24;
	[tilespmem:s3+$0x0] =	vst v8;
	s3 =	sadd.s32 $0x19D00, s13;
	v7 =	vld.idx.msk [tilespmem:v2+s30+$0x0], $0xffff  }
0x2fa: {  	s22 =	simm.s32 $0x1770;
	[tilespmem:s26+$0x0] =	vst v9;
	v8 =	vld.idx.msk [tilespmem:v1+s21+$0x0], $0xffff;
	s11 =	sor.u32 s14, s3  }
0x2fb: {  	s23 =	simm.s32 $0x61A8;
	s21 =	sor.u32 s18, s24;
	[tilespmem:s11+$0x0] =	vst v11;
	v9 =	vld.idx.msk [tilespmem:v6+s22+$0x0], $0xffff  }
0x2fc: {  	s6 =	sor.u32 s15, s6;
	s0 =	sor.u32 $0x16080, s16;
	[tilespmem:s21+$0x0] =	vst v13;
	v11 =	vld.idx.msk [tilespmem:v0+s23+$0x0], $0xffff  }
0x2fd: {  	s24 =	sor.u32 s17, s0;
	[tilespmem:s6+$0x0] =	vst v10;
	v14 =	vld.idx.msk [tilespmem:v5+s22+$0x0], $0xffff  }
0x2fe: {  	s30 =	sor.u32 $0x14000, s19;
	s26 =	sor.u32 s4, s25;
	v10 =	vld.idx.msk [tilespmem:v4+s7+$0x0], $0xffff;
	[tilespmem:s24+$0x0] =	vst v12  }
0x2ff: {  	s1 =	sor.u32 s12, s1;
	s9 =	sor.u32 s20, s30;
	s22 =	simm.s32 $0x7530;
	v15 =	vld.idx.msk [tilespmem:v3+s31+$0x0], $0xffff;
	[tilespmem:s26+$0x0] =	vst v7  }
0x300: {  	s0 =	sor.u32 s15, s0;
	s25 =	sadd.s32 $0x17D00, s16;
	s11 =	sadd.s32 $0x19D80, s13;
	[tilespmem:s1+$0x0] =	vst v8;
	v13 =	vld.idx.msk [tilespmem:v2+s22+$0x0], $0xffff  }
0x301: {  	s28 =	sor.u32 s12, s3;
	s21 =	sor.u32 s4, s10;
	s23 =	sor.u32 s14, s11;
	[tilespmem:s9+$0x0] =	vst v9;
	v12 =	vld.idx.msk [tilespmem:v1+s5+$0x0], $0xffff  }
0x302: {  	s10 =	simm.s32 $0x3E8;
	s24 =	sor.u32 s18, s30;
	s26 =	simm.s32 $0x6590;
	[tilespmem:s23+$0x0] =	vst v11;
	v17 =	vld.idx.msk [tilespmem:v6+s29+$0x0], $0xffff  }
0x303: {  	s30 =	sor.u32 s17, s25;
	s22 =	sor.u32 s4, s8;
	s8 =	simm.s32 $0x6590;
	[tilespmem:s24+$0x0] =	vst v14;
	v11 =	vld.idx.msk [tilespmem:v0+s26+$0x0], $0xffff  }
0x304: {  	v9 =	vmov v1;
	s23 =	simm.s32 $0x6;
	[tilespmem:s0+$0x0] =	vst v10;
	s0 =	sor.u32 s15, s25;
	s24 =	simm.s32 $0x400;
	v16 =	vld.idx.msk [tilespmem:v5+s29+$0x0], $0xffff  }
0x305: {  	v7 =	vmov v6;
	v8 =	vmov v4;
	s25 =	simm.s32 $0x80;
	v10 =	vmov v3;
	s26 =	sor.u32 s12, s11;
	[tilespmem:s30+$0x0] =	vst v15;
	v15 =	vld.idx.msk [tilespmem:v4+s31+$0x0], $0xffff;
	s31 =	simm.s32 $0x1F40  }
.LBB2_11:
0x306: {  	s1 =	rddreg [dreg:$0x5];
	s4 =	simm.s32 $0x4268;
	[tilespmem:s22+$0x0] =	vst v13  }
0x307: {  	s2 =	sor.u32 $0x14080, s19;
	s6 =	sadd.s32 $0x19E00, s13;
	s7 =	simm.s32 $0x7918;
	v18 =	vld.idx.msk [tilespmem:v3+s4+$0x0], $0xffff;
	[tilespmem:s28+$0x0] =	vst v12  }
0x308: {  	s30 =	sand.u32 $0x60, s25;
	s3 =	sor.u32 s20, s2;
	s22 =	simm.s32 $0x61A8;
	v12 =	vld.idx.msk [tilespmem:v2+s7+$0x0], $0xffff  }
0x309: {  	s11 =	simm.s32 $0x6978;
	s5 =	sor.u32 s14, s6;
	s28 =	sand.u32 $0x1C00, s24;
	[tilespmem:s3+$0x0] =	vst v17;
	v13 =	vld.idx.msk [tilespmem:v9+s22+$0x0], $0xffff  }
0x30a: {  	s29 =	sor.u32 $0x10, s30;
	s2 =	sor.u32 s18, s2;
	v2 =	vmov v1;
	v1 =	vmov v8;
	v8 =	vmov v5;
	s1 =	sadd.s32 s28, s1;
	v17 =	vld.idx.msk [tilespmem:v7+s31+$0x0], $0xffff;
	[tilespmem:s5+$0x0] =	vst v11  }
0x30b: {  	v14 =	vmov v6;
	v6 =	vmov v4;
	[tilespmem:s2+$0x0] =	vst v16;
	s22 =	sadd.s32 $0x17D80, s16;
	s9 =	sadd.s32 s30, s1;
	s1 =	sadd.s32 s29, s1;
	v11 =	vld.idx.msk [tilespmem:v0+s11+$0x0], $0xffff  }
0x30c: {  	v9 =	vmov v6;
	[tilespmem:s0+$0x0] =	vst v15;
	s5 =	sor.u32 s17, s22;
	v6 =	vld [tilespmem:s1+$0x0]  }
0x30d: {  	v4 =	vmov v5;
	s0 =	sor.u32 s15, s22;
	s22 =	simm.s32 $0x4650;
	v5 =	vld [tilespmem:s9+$0x0];
	[tilespmem:s5+$0x0] =	vst v18;
	s9 =	sadd.s32 $0x15D00, s19  }
0x30e: {  	v15 =	vld.idx.msk [tilespmem:v3+s22+$0x0], $0xffff;
	s1 =	sor.u32 s20, s9;
	[tilespmem:s21+$0x0] =	vst v12  }
0x30f: {  	s3 =	sor.u32 s18, s9;
	s9 =	simm.s32 $0x2328;
	[tilespmem:s1+$0x0] =	vst v17;
	v12 =	vld.idx.msk [tilespmem:v8+s31+$0x0], $0xffff  }
0x310: {  	[tilespmem:s26+$0x0] =	vst v13;
	s26 =	sadd.s32 $0x19E80, s13;
	v16 =	vld.idx.msk [tilespmem:v7+s9+$0x0], $0xffff  }
0x311: {  	v13 =	vld.idx.msk [tilespmem:v1+s4+$0x0], $0xffff;
	s4 =	sor.u32 s14, s26  }
0x312: {  	s2 =	sor.u32 s12, s6;
	s6 =	simm.s32 $0x6D60;
	s5 =	sadd.s32 $0x17E00, s16;
	v17 =	vld.idx.msk [tilespmem:v2+s8+$0x0], $0xffff;
	[tilespmem:s4+$0x0] =	vst v11  }
0x313: {  	s1 =	sor.u32 s17, s5;
	s21 =	simm.s32 $0x0;
	v11 =	vld.idx.msk [tilespmem:v0+s6+$0x0], $0xffff  }
0x314: {  	s6 =	sor.u32 s15, s5;
	s5 =	simm.s32 $0x4A38;
	v18 =	vld.idx.msk [tilespmem:v6+s21+$0x0], $0xffff;
	[tilespmem:s1+$0x0] =	vst v15  }
0x315: {  	s31 =	sor.u32 s12, s26;
	s26 =	sadd.s32 $0x15D80, s19;
	[tilespmem:s3+$0x0] =	vst v12;
	v12 =	vld.idx.msk [tilespmem:v3+s5+$0x0], $0xffff  }
0x316: {  	s1 =	sor.u32 s20, s26;
	v15 =	vld.idx.msk [tilespmem:v5+s21+$0x0], $0xffff;
	[tilespmem:s0+$0x0] =	vst v13  }
0x317: {  	s8 =	sadd.s32 $0x13D00, s28;
	s4 =	sadd.s32 $0x19F00, s13;
	[tilespmem:s1+$0x0] =	vst v16;
	v13 =	vld.idx.msk [tilespmem:v8+s9+$0x0], $0xffff;
	s9 =	simm.s32 $0x2710  }
0x318: {  	s3 =	sor.u32 s18, s26;
	s26 =	sor.u32 s12, s4;
	s0 =	sor.u32 s14, s4;
	[tilespmem:s2+$0x0] =	vst v17;
	v16 =	vld.idx.msk [tilespmem:v7+s9+$0x0], $0xffff  }
0x319: {  	s1 =	sor.u32 s29, s8;
	s21 =	sadd.s32 $0x17E80, s16;
	s4 =	simm.s32 $0x7148;
	[tilespmem:s0+$0x0] =	vst v11;
	v17 =	vld.idx.msk [tilespmem:v1+s22+$0x0], $0xffff  }
0x31a: {  	s0 =	sor.u32 s30, s8;
	s8 =	sor.u32 s17, s21;
	v11 =	vld.idx.msk [tilespmem:v0+s4+$0x0], $0xffff;
	[tilespmem:s1+$0x0] =	vst v18  }
0x31b: {  	s4 =	simm.s32 $0x4E20;
	v18 =	vld.idx.msk [tilespmem:v6+s10+$0x0], $0xffff;
	[tilespmem:s8+$0x0] =	vst v12  }
0x31c: {  	s1 =	sor.u32 s15, s21;
	s21 =	sadd.s32 $0x15E00, s19;
	[tilespmem:s0+$0x0] =	vst v15;
	v12 =	vld.idx.msk [tilespmem:v3+s4+$0x0], $0xffff  }
0x31d: {  	s22 =	sadd.s32 $0x19F80, s13;
	s0 =	sor.u32 s20, s21;
	v15 =	vld.idx.msk [tilespmem:v5+s10+$0x0], $0xffff;
	[tilespmem:s3+$0x0] =	vst v13  }
0x31e: {  	s2 =	sor.u32 s12, s22;
	s3 =	sor.u32 s18, s21;
	s21 =	simm.s32 $0x2AF8;
	v13 =	vld.idx.msk [tilespmem:v8+s9+$0x0], $0xffff;
	[tilespmem:s0+$0x0] =	vst v16  }
0x31f: {  	s8 =	sadd.s32 $0x17F00, s16;
	s10 =	sadd.s32 $0x13D80, s28;
	s9 =	sor.u32 s14, s22;
	[tilespmem:s6+$0x0] =	vst v17;
	v16 =	vld.idx.msk [tilespmem:v7+s21+$0x0], $0xffff  }
0x320: {  	s22 =	sor.u32 s29, s10;
	[tilespmem:s9+$0x0] =	vst v11;
	s9 =	sor.u32 s30, s10;
	s10 =	simm.s32 $0x7530;
	v17 =	vld.idx.msk [tilespmem:v1+s5+$0x0], $0xffff  }
0x321: {  	s0 =	sor.u32 s15, s8;
	s6 =	sor.u32 s17, s8;
	s8 =	simm.s32 $0x7D0;
	v11 =	vld.idx.msk [tilespmem:v0+s10+$0x0], $0xffff;
	[tilespmem:s22+$0x0] =	vst v18  }
0x322: {  	s5 =	simm.s32 $0x5208;
	v18 =	vld.idx.msk [tilespmem:v6+s8+$0x0], $0xffff;
	[tilespmem:s6+$0x0] =	vst v12  }
0x323: {  	s22 =	sadd.s32 $0x15E80, s19;
	[tilespmem:s9+$0x0] =	vst v15;
	v12 =	vld.idx.msk [tilespmem:v3+s5+$0x0], $0xffff  }
0x324: {  	s6 =	sor.u32 s20, s22;
	v15 =	vld.idx.msk [tilespmem:v5+s8+$0x0], $0xffff;
	[tilespmem:s3+$0x0] =	vst v13  }
0x325: {  	s9 =	sor.u32 $0x1A000, s13;
	s3 =	sor.u32 s18, s22;
	v13 =	vld.idx.msk [tilespmem:v8+s21+$0x0], $0xffff;
	[tilespmem:s6+$0x0] =	vst v16;
	s21 =	simm.s32 $0x2EE0  }
0x326: {  	s22 =	sor.u32 s12, s9;
	s9 =	sor.u32 s14, s9;
	s8 =	sadd.s32 $0x13E00, s28;
	[tilespmem:s1+$0x0] =	vst v17;
	v16 =	vld.idx.msk [tilespmem:v7+s21+$0x0], $0xffff  }
0x327: {  	s6 =	sor.u32 s29, s8;
	[tilespmem:s9+$0x0] =	vst v11;
	s9 =	sor.u32 s30, s8;
	s8 =	sadd.s32 $0x17F80, s16;
	v17 =	vld.idx.msk [tilespmem:v1+s4+$0x0], $0xffff  }
0x328: {  	v11 =	vld.idx.msk [tilespmem:v0+s7+$0x0], $0xffff;
	v0 =	vmov v3;
	v3 =	vmov v7;
	[tilespmem:s6+$0x0] =	vst v18;
	s6 =	sor.u32 s15, s8;
	s1 =	sor.u32 s17, s8;
	s8 =	simm.s32 $0xBB8  }
0x329: {  	s7 =	simm.s32 $0x55F0;
	v18 =	vld.idx.msk [tilespmem:v6+s8+$0x0], $0xffff;
	[tilespmem:s1+$0x0] =	vst v12  }
0x32a: {  	s4 =	sor.u32 $0x1A080, s13;
	[tilespmem:s9+$0x0] =	vst v15;
	s9 =	sadd.s32 $0x15F00, s19;
	v12 =	vld.idx.msk [tilespmem:v10+s7+$0x0], $0xffff  }
0x32b: {  	s13 =	sadd.s32 $0x13E80, s28;
	v10 =	vmov v14;
	v14 =	vld.idx.msk [tilespmem:v5+s8+$0x0], $0xffff;
	[tilespmem:s3+$0x0] =	vst v13;
	s3 =	sor.u32 s18, s9;
	s1 =	sor.u32 s20, s9  }
0x32c: {  	s9 =	sor.u32 s14, s4;
	v13 =	vld.idx.msk [tilespmem:v8+s21+$0x0], $0xffff;
	[tilespmem:s1+$0x0] =	vst v16;
	s21 =	sor.u32 s12, s4;
	s4 =	simm.s32 $0x32C8  }
0x32d: {  	s8 =	sor.u32 s29, s13;
	s14 =	sor.u32 $0x18000, s16;
	[tilespmem:s0+$0x0] =	vst v17;
	v15 =	vld.idx.msk [tilespmem:v3+s4+$0x0], $0xffff  }
0x32e: {  	s12 =	smov.u32 s15;
	s15 =	smov.u32 s18;
	s18 =	smov.u32 s30;
	[tilespmem:s9+$0x0] =	vst v11;
	v11 =	vld.idx.msk [tilespmem:v2+s11+$0x0], $0xffff  }
0x32f: {  	s0 =	sor.u32 s17, s14;
	s9 =	simm.s32 $0xFA0;
	s1 =	sor.u32 s18, s13;
	v16 =	vld.idx.msk [tilespmem:v1+s5+$0x0], $0xffff;
	[tilespmem:s8+$0x0] =	vst v18  }
0x330: {  	s13 =	smov.u32 s16;
	s16 =	smov.u32 s19;
	s8 =	sor.u32 s12, s14;
	v17 =	vld.idx.msk [tilespmem:v6+s9+$0x0], $0xffff;
	[tilespmem:s0+$0x0] =	vst v12  }
0x331: {  	s14 =	smov.u32 s17;
	s5 =	sadd.s32 $0x15F80, s16;
	s17 =	smov.u32 s20;
	[tilespmem:s1+$0x0] =	vst v14  }
0x332: {  	s19 =	smov.u32 s28;
	s28 =	simm.s32 $0x59D8;
	s0 =	sor.u32 s17, s5;
	v14 =	vld.idx.msk [tilespmem:v5+s9+$0x0], $0xffff;
	[tilespmem:s3+$0x0] =	vst v13  }
0x333: {  	v7 =	vmov v6;
	s20 =	smov.u32 s29;
	v12 =	vld.idx.msk [tilespmem:v0+s28+$0x0], $0xffff;
	[tilespmem:s0+$0x0] =	vst v15  }
0x334: {  	s11 =	sadd.s32 $0x13F00, s19;
	s1 =	sor.u32 s15, s5;
	s5 =	simm.s32 $0x36B0;
	v13 =	vld.idx.msk [tilespmem:v8+s4+$0x0], $0xffff;
	[tilespmem:s31+$0x0] =	vst v11  }
0x335: {  	s3 =	sor.u32 s18, s11;
	s0 =	sor.u32 s20, s11;
	s11 =	simm.s32 $0x6D60;
	v15 =	vld.idx.msk [tilespmem:v3+s5+$0x0], $0xffff;
	[tilespmem:s6+$0x0] =	vst v16  }
0x336: {  	s6 =	sor.u32 $0x18080, s13;
	v11 =	vld.idx.msk [tilespmem:v2+s11+$0x0], $0xffff  }
0x337: {  	s4 =	simm.s32 $0x1388;
	[tilespmem:s0+$0x0] =	vst v17;
	v16 =	vld.idx.msk [tilespmem:v1+s7+$0x0], $0xffff;
	s0 =	sor.u32 s12, s6;
	s6 =	sor.u32 s14, s6  }
0x338: {  	s7 =	simm.s32 $0x5DC0;
	v17 =	vld.idx.msk [tilespmem:v7+s4+$0x0], $0xffff;
	[tilespmem:s6+$0x0] =	vst v12  }
0x339: {  	s6 =	sor.u32 $0x16000, s16;
	[tilespmem:s3+$0x0] =	vst v14;
	v12 =	vld.idx.msk [tilespmem:v0+s7+$0x0], $0xffff  }
0x33a: {  	s3 =	sor.u32 s17, s6;
	v14 =	vld.idx.msk [tilespmem:v5+s4+$0x0], $0xffff;
	[tilespmem:s1+$0x0] =	vst v13  }
0x33b: {  	[tilespmem:s3+$0x0] =	vst v15  }
0x33c: {  	s11 =	sadd.s32 $0x13F80, s19;
	v13 =	vld.idx.msk [tilespmem:v8+s5+$0x0], $0xffff;
	s5 =	simm.s32 $0x3A98;
	[tilespmem:s26+$0x0] =	vst v11  }
0x33d: {  	s3 =	sor.u32 s20, s11;
	v15 =	vld.idx.msk [tilespmem:v3+s5+$0x0], $0xffff;
	s26 =	simm.s32 $0x7148;
	[tilespmem:s8+$0x0] =	vst v16;
	s8 =	sadd.s32 $0x19D00, s13  }
0x33e: {  	s29 =	simm.s32 $0x1770;
	[tilespmem:s3+$0x0] =	vst v17;
	v11 =	vld.idx.msk [tilespmem:v2+s26+$0x0], $0xffff;
	s26 =	sor.u32 s14, s8  }
0x33f: {  	s1 =	sor.u32 s15, s6;
	s6 =	sor.u32 s18, s11;
	v17 =	vld.idx.msk [tilespmem:v7+s29+$0x0], $0xffff;
	[tilespmem:s26+$0x0] =	vst v12  }
0x340: {  	s11 =	sor.u32 $0x16080, s16;
	v16 =	vld.idx.msk [tilespmem:v1+s28+$0x0], $0xffff;
	[tilespmem:s6+$0x0] =	vst v14  }
0x341: {  	s3 =	sor.u32 s17, s11;
	s26 =	simm.s32 $0x61A8;
	v18 =	vld.idx.msk [tilespmem:v5+s29+$0x0], $0xffff;
	[tilespmem:s1+$0x0] =	vst v13  }
0x342: {  	s6 =	sor.u32 $0x14000, s19;
	v14 =	vld.idx.msk [tilespmem:v0+s26+$0x0], $0xffff;
	[tilespmem:s3+$0x0] =	vst v15  }
0x343: {  	s23 =	sadd.s32 $0x2, s23;
	v19 =	vld.idx.msk [tilespmem:v8+s5+$0x0], $0xffff;
	s5 =	simm.s32 $0x3E80;
	s3 =	sor.u32 s20, s6;
	[tilespmem:s2+$0x0] =	vst v11  }
0x344: {  	p1 =	slt.u32 s23, $0x3E;
	s30 =	simm.s32 $0x1B58;
	v20 =	vld.idx.msk [tilespmem:v3+s5+$0x0], $0xffff;
	[tilespmem:s3+$0x0] =	vst v17  }
0x345: {  	s1 =	sor.u32 s15, s11;
	s11 =	sor.u32 s18, s6;
	s6 =	sadd.s32 $0x19D80, s13;
	[tilespmem:s0+$0x0] =	vst v16;
	v17 =	vld.idx.msk [tilespmem:v7+s30+$0x0], $0xffff  }
.Ltmp9:
0x346: {  	s0 =	sor.u32 s14, s6;
	v13 =	vld.idx.msk [tilespmem:v2+s10+$0x0], $0xffff;
	(pc) =	sbr.rel @p1 .LBB2_11-.Ltmp9, $4  }
0x347: {  	s28 =	sor.u32 s12, s8;
	s8 =	simm.s32 $0x6590;
	v12 =	vld.idx.msk [tilespmem:v1+s7+$0x0], $0xffff;
	[tilespmem:s0+$0x0] =	vst v14  }
0x348: {  	s25 =	sadd.s32 $0x20, s25;
	[tilespmem:s11+$0x0] =	vst v18;
	s7 =	sadd.s32 $0x17D00, s16;
	v11 =	vld.idx.msk [tilespmem:v0+s8+$0x0], $0xffff  }
0x349: {  	s24 =	sadd.s32 $0x100, s24;
	s31 =	simm.s32 $0x1F40;
	v16 =	vld.idx.msk [tilespmem:v5+s30+$0x0], $0xffff;
	[tilespmem:s1+$0x0] =	vst v19;
	s11 =	sor.u32 s17, s7  }
0x34a: {  	s26 =	sor.u32 s12, s6;
	s10 =	simm.s32 $0x3E8;
	s0 =	sor.u32 s15, s7;
	v15 =	vld.idx.msk [tilespmem:v8+s5+$0x0], $0xffff;
	[tilespmem:s11+$0x0] =	vst v20  }
0x34b: {  	_ = 	snop  }
0x34c: {  	s1 =	sor.u32 $0x14080, s19  }
0x34d: {  	s2 =	sor.u32 s20, s1  }
0x34e: {  	s1 =	sor.u32 s18, s1;
	[tilespmem:s2+$0x0] =	vst v17  }
0x34f: {  	v14 =	vld.idx.msk [tilespmem:v7+s31+$0x0], $0xffff;
	[tilespmem:s1+$0x0] =	vst v16  }
0x350: {  	v16 =	vld.idx.msk [tilespmem:v5+s31+$0x0], $0xffff;
	_ =	sdelay $0x1  }
0x351: {  	s2 =	sadd.s32 $0x15D00, s19  }
0x352: {  	s3 =	sor.u32 s20, s2  }
0x353: {  	s5 =	simm.s32 $0x2328;
	s1 =	sor.u32 s18, s2;
	[tilespmem:s3+$0x0] =	vst v14  }
0x354: {  	v14 =	vld.idx.msk [tilespmem:v7+s5+$0x0], $0xffff;
	[tilespmem:s1+$0x0] =	vst v16  }
0x355: {  	v16 =	vld.idx.msk [tilespmem:v5+s5+$0x0], $0xffff;
	_ =	sdelay $0x1  }
0x356: {  	s6 =	sadd.s32 $0x15D80, s19  }
0x357: {  	s7 =	sor.u32 s20, s6  }
0x358: {  	s11 =	simm.s32 $0x2710;
	s1 =	sor.u32 s18, s6;
	[tilespmem:s7+$0x0] =	vst v14  }
0x359: {  	v14 =	vld.idx.msk [tilespmem:v7+s11+$0x0], $0xffff;
	[tilespmem:s1+$0x0] =	vst v16  }
0x35a: {  	v16 =	vld.idx.msk [tilespmem:v5+s11+$0x0], $0xffff;
	_ =	sdelay $0x1  }
0x35b: {  	s23 =	sadd.s32 $0x15E00, s19  }
0x35c: {  	s24 =	sor.u32 s20, s23  }
0x35d: {  	s25 =	simm.s32 $0x2AF8;
	s1 =	sor.u32 s18, s23;
	[tilespmem:s24+$0x0] =	vst v14  }
0x35e: {  	v14 =	vld.idx.msk [tilespmem:v7+s25+$0x0], $0xffff;
	[tilespmem:s1+$0x0] =	vst v16  }
0x35f: {  	v16 =	vld.idx.msk [tilespmem:v5+s25+$0x0], $0xffff;
	_ =	sdelay $0x1  }
0x360: {  	s2 =	sadd.s32 $0x15E80, s19  }
0x361: {  	s3 =	sor.u32 s20, s2  }
0x362: {  	s5 =	simm.s32 $0x2EE0;
	s1 =	sor.u32 s18, s2;
	[tilespmem:s3+$0x0] =	vst v14  }
0x363: {  	v14 =	vld.idx.msk [tilespmem:v7+s5+$0x0], $0xffff;
	[tilespmem:s1+$0x0] =	vst v16  }
0x364: {  	v16 =	vld.idx.msk [tilespmem:v5+s5+$0x0], $0xffff;
	_ =	sdelay $0x1  }
0x365: {  	s6 =	sadd.s32 $0x15F00, s19  }
0x366: {  	s7 =	sor.u32 s20, s6  }
0x367: {  	s11 =	simm.s32 $0x32C8;
	s1 =	sor.u32 s18, s6;
	[tilespmem:s7+$0x0] =	vst v14  }
0x368: {  	v14 =	vld.idx.msk [tilespmem:v7+s11+$0x0], $0xffff;
	[tilespmem:s1+$0x0] =	vst v16  }
0x369: {  	v16 =	vld.idx.msk [tilespmem:v5+s11+$0x0], $0xffff;
	_ =	sdelay $0x1  }
0x36a: {  	s23 =	sadd.s32 $0x15F80, s19  }
0x36b: {  	s24 =	sor.u32 s20, s23  }
0x36c: {  	s25 =	simm.s32 $0x36B0;
	s1 =	sor.u32 s18, s23;
	[tilespmem:s24+$0x0] =	vst v14  }
0x36d: {  	v14 =	vld.idx.msk [tilespmem:v7+s25+$0x0], $0xffff;
	[tilespmem:s1+$0x0] =	vst v16  }
0x36e: {  	v16 =	vld.idx.msk [tilespmem:v5+s25+$0x0], $0xffff;
	_ =	sdelay $0x1  }
0x36f: {  	s2 =	sor.u32 $0x16000, s19  }
0x370: {  	s3 =	sor.u32 s20, s2  }
0x371: {  	s5 =	simm.s32 $0x3A98;
	s1 =	sor.u32 s18, s2;
	[tilespmem:s3+$0x0] =	vst v14  }
0x372: {  	v14 =	vld.idx.msk [tilespmem:v7+s5+$0x0], $0xffff;
	[tilespmem:s1+$0x0] =	vst v16  }
0x373: {  	v16 =	vld.idx.msk [tilespmem:v5+s5+$0x0], $0xffff;
	_ =	sdelay $0x1  }
0x374: {  	s6 =	sor.u32 $0x16080, s19  }
0x375: {  	s7 =	sor.u32 s20, s6  }
0x376: {  	s11 =	simm.s32 $0x3E80;
	s1 =	sor.u32 s18, s6;
	[tilespmem:s7+$0x0] =	vst v14  }
0x377: {  	v14 =	vld.idx.msk [tilespmem:v7+s11+$0x0], $0xffff;
	[tilespmem:s1+$0x0] =	vst v16  }
0x378: {  	v16 =	vld.idx.msk [tilespmem:v5+s11+$0x0], $0xffff;
	_ =	sdelay $0x1  }
0x379: {  	s23 =	sadd.s32 $0x17D00, s19;
	s24 =	simm.s32 $0x4268  }
0x37a: {  	[tilespmem:s0+$0x0] =	vst v15;
	v47 =	vld.idx.msk [tilespmem:v3+s24+$0x0], $0xffff;
	s25 =	sor.u32 s20, s23  }
0x37b: {  	v15 =	vld.idx.msk [tilespmem:v8+s24+$0x0], $0xffff;
	s1 =	sor.u32 s18, s23;
	[tilespmem:s25+$0x0] =	vst v14  }
0x37c: {  	v14 =	vld.idx.msk [tilespmem:v7+s24+$0x0], $0xffff;
	[tilespmem:s1+$0x0] =	vst v16  }
0x37d: {  	s1 =	sadd.s32 $0x17D80, s16;
	v16 =	vld.idx.msk [tilespmem:v5+s24+$0x0], $0xffff  }
0x37e: {  	s2 =	sor.u32 s17, s1  }
0x37f: {  	s3 =	sadd.s32 $0x17D80, s19;
	s5 =	simm.s32 $0x4650;
	s0 =	sor.u32 s15, s1;
	[tilespmem:s2+$0x0] =	vst v47  }
0x380: {  	s6 =	sor.u32 s20, s3;
	[tilespmem:s0+$0x0] =	vst v15;
	v17 =	vld.idx.msk [tilespmem:v3+s5+$0x0], $0xffff  }
0x381: {  	s1 =	sor.u32 s18, s3;
	v15 =	vld.idx.msk [tilespmem:v8+s5+$0x0], $0xffff;
	[tilespmem:s6+$0x0] =	vst v14  }
0x382: {  	v14 =	vld.idx.msk [tilespmem:v7+s5+$0x0], $0xffff;
	[tilespmem:s1+$0x0] =	vst v16  }
0x383: {  	s7 =	sadd.s32 $0x17E00, s16;
	v16 =	vld.idx.msk [tilespmem:v5+s5+$0x0], $0xffff  }
0x384: {  	s11 =	sor.u32 s17, s7  }
0x385: {  	s23 =	sadd.s32 $0x17E00, s19;
	s24 =	simm.s32 $0x4A38;
	s0 =	sor.u32 s15, s7;
	[tilespmem:s11+$0x0] =	vst v17  }
0x386: {  	s25 =	sor.u32 s20, s23;
	[tilespmem:s0+$0x0] =	vst v15;
	v17 =	vld.idx.msk [tilespmem:v3+s24+$0x0], $0xffff  }
0x387: {  	s1 =	sor.u32 s18, s23;
	v15 =	vld.idx.msk [tilespmem:v8+s24+$0x0], $0xffff;
	[tilespmem:s25+$0x0] =	vst v14  }
0x388: {  	v14 =	vld.idx.msk [tilespmem:v7+s24+$0x0], $0xffff;
	[tilespmem:s1+$0x0] =	vst v16  }
0x389: {  	s1 =	sadd.s32 $0x17E80, s16;
	v16 =	vld.idx.msk [tilespmem:v5+s24+$0x0], $0xffff  }
0x38a: {  	s2 =	sor.u32 s17, s1  }
0x38b: {  	s3 =	sadd.s32 $0x17E80, s19;
	s5 =	simm.s32 $0x4E20;
	s0 =	sor.u32 s15, s1;
	[tilespmem:s2+$0x0] =	vst v17  }
0x38c: {  	s6 =	sor.u32 s20, s3;
	[tilespmem:s0+$0x0] =	vst v15;
	v17 =	vld.idx.msk [tilespmem:v3+s5+$0x0], $0xffff  }
0x38d: {  	s1 =	sor.u32 s18, s3;
	v15 =	vld.idx.msk [tilespmem:v8+s5+$0x0], $0xffff;
	[tilespmem:s6+$0x0] =	vst v14  }
0x38e: {  	v14 =	vld.idx.msk [tilespmem:v7+s5+$0x0], $0xffff;
	[tilespmem:s1+$0x0] =	vst v16  }
0x38f: {  	s7 =	sadd.s32 $0x17F00, s16;
	v16 =	vld.idx.msk [tilespmem:v5+s5+$0x0], $0xffff  }
0x390: {  	s11 =	sor.u32 s17, s7  }
0x391: {  	s23 =	sadd.s32 $0x17F00, s19;
	s24 =	simm.s32 $0x5208;
	s0 =	sor.u32 s15, s7;
	[tilespmem:s11+$0x0] =	vst v17  }
0x392: {  	s25 =	sor.u32 s20, s23;
	[tilespmem:s0+$0x0] =	vst v15;
	v17 =	vld.idx.msk [tilespmem:v3+s24+$0x0], $0xffff  }
0x393: {  	s1 =	sor.u32 s18, s23;
	v15 =	vld.idx.msk [tilespmem:v8+s24+$0x0], $0xffff;
	[tilespmem:s25+$0x0] =	vst v14  }
0x394: {  	v14 =	vld.idx.msk [tilespmem:v7+s24+$0x0], $0xffff;
	[tilespmem:s1+$0x0] =	vst v16  }
0x395: {  	s1 =	sadd.s32 $0x17F80, s16;
	v16 =	vld.idx.msk [tilespmem:v5+s24+$0x0], $0xffff  }
0x396: {  	s2 =	sor.u32 s17, s1  }
0x397: {  	s3 =	sadd.s32 $0x17F80, s19;
	s5 =	simm.s32 $0x55F0;
	s0 =	sor.u32 s15, s1;
	[tilespmem:s2+$0x0] =	vst v17  }
0x398: {  	s6 =	sor.u32 s20, s3;
	[tilespmem:s0+$0x0] =	vst v15;
	v10 =	vld.idx.msk [tilespmem:v10+s5+$0x0], $0xffff  }
0x399: {  	s1 =	sor.u32 s18, s3;
	v15 =	vld.idx.msk [tilespmem:v8+s5+$0x0], $0xffff;
	[tilespmem:s6+$0x0] =	vst v14  }
0x39a: {  	v6 =	vld.idx.msk [tilespmem:v6+s5+$0x0], $0xffff;
	[tilespmem:s1+$0x0] =	vst v16  }
0x39b: {  	s7 =	sor.u32 $0x18000, s16;
	v48 =	vld.idx.msk [tilespmem:v5+s5+$0x0], $0xffff  }
0x39c: {  	s11 =	sor.u32 s17, s7  }
0x39d: {  	s23 =	sor.u32 $0x18000, s19;
	s24 =	simm.s32 $0x59D8;
	s0 =	sor.u32 s15, s7;
	[tilespmem:s11+$0x0] =	vst v10  }
0x39e: {  	s25 =	sor.u32 s20, s23;
	[tilespmem:s0+$0x0] =	vst v15;
	v10 =	vld.idx.msk [tilespmem:v3+s24+$0x0], $0xffff  }
0x39f: {  	s1 =	sor.u32 s18, s23;
	v15 =	vld.idx.msk [tilespmem:v8+s24+$0x0], $0xffff;
	[tilespmem:s25+$0x0] =	vst v6  }
0x3a0: {  	v6 =	vld.idx.msk [tilespmem:v7+s24+$0x0], $0xffff;
	[tilespmem:s1+$0x0] =	vst v48  }
0x3a1: {  	s1 =	sor.u32 $0x18080, s16;
	v14 =	vld.idx.msk [tilespmem:v5+s24+$0x0], $0xffff  }
0x3a2: {  	s3 =	sor.u32 s17, s1  }
0x3a3: {  	s6 =	simm.s32 $0x5DC0;
	s5 =	sor.u32 $0x18080, s19;
	s0 =	sor.u32 s15, s1;
	[tilespmem:s3+$0x0] =	vst v10  }
0x3a4: {  	s7 =	sor.u32 s20, s5;
	[tilespmem:s0+$0x0] =	vst v15;
	v10 =	vld.idx.msk [tilespmem:v3+s6+$0x0], $0xffff  }
0x3a5: {  	s11 =	sor.u32 s18, s5;
	v49 =	vld.idx.msk [tilespmem:v8+s6+$0x0], $0xffff;
	[tilespmem:s7+$0x0] =	vst v6  }
0x3a6: {  	[tilespmem:s11+$0x0] =	vst v14;
	v50 =	vld.idx.msk [tilespmem:v7+s6+$0x0], $0xffff  }
0x3a7: {  	[tilespmem:s28+$0x0] =	vst v12;
	s23 =	sadd.s32 $0x19D00, s16;
	s25 =	simm.s32 $0x61A8;
	v51 =	vld.idx.msk [tilespmem:v5+s6+$0x0], $0xffff  }
0x3a8: {  	[tilespmem:s22+$0x0] =	vst v13;
	v9 =	vld.idx.msk [tilespmem:v9+s25+$0x0], $0xffff;
	s24 =	sor.u32 s17, s23  }
0x3a9: {  	s28 =	sadd.s32 $0x19D00, s19;
	s0 =	sor.u32 s15, s23;
	[tilespmem:s24+$0x0] =	vst v10  }
0x3aa: {  	s3 =	sor.u32 s20, s28;
	[tilespmem:s0+$0x0] =	vst v49;
	v10 =	vld.idx.msk [tilespmem:v3+s25+$0x0], $0xffff  }
0x3ab: {  	s1 =	sor.u32 s18, s28;
	v4 =	vld.idx.msk [tilespmem:v4+s25+$0x0], $0xffff;
	[tilespmem:s3+$0x0] =	vst v50  }
0x3ac: {  	s5 =	sadd.s32 $0x19E00, s13;
	[tilespmem:s1+$0x0] =	vst v51;
	v52 =	vld.idx.msk [tilespmem:v7+s25+$0x0], $0xffff  }
0x3ad: {  	s7 =	sadd.s32 $0x19D80, s16;
	[tilespmem:s26+$0x0] =	vst v9;
	s6 =	sor.u32 s14, s5;
	v53 =	vld.idx.msk [tilespmem:v5+s25+$0x0], $0xffff  }
0x3ae: {  	s11 =	sor.u32 s17, s7;
	v9 =	vld.idx.msk [tilespmem:v1+s8+$0x0], $0xffff;
	[tilespmem:s6+$0x0] =	vst v11;
	s3 =	simm.s32 $0x7918  }
0x3af: {  	s22 =	sadd.s32 $0x19D80, s19;
	v2 =	vld.idx.msk [tilespmem:v2+s3+$0x0], $0xffff;
	s1 =	sor.u32 s15, s7;
	[tilespmem:s11+$0x0] =	vst v10  }
0x3b0: {  	s23 =	sor.u32 s20, s22;
	[tilespmem:s1+$0x0] =	vst v4;
	v10 =	vld.idx.msk [tilespmem:v3+s8+$0x0], $0xffff  }
0x3b1: {  	s24 =	sor.u32 s18, s22;
	v4 =	vld.idx.msk [tilespmem:v8+s8+$0x0], $0xffff;
	[tilespmem:s23+$0x0] =	vst v52  }
0x3b2: {  	s0 =	sor.u32 s12, s5;
	[tilespmem:s24+$0x0] =	vst v53;
	v6 =	vld.idx.msk [tilespmem:v7+s8+$0x0], $0xffff  }
0x3b3: {  	s26 =	simm.s32 $0x6978;
	[tilespmem:s0+$0x0] =	vst v9;
	s25 =	sadd.s32 $0x19E00, s16;
	v54 =	vld.idx.msk [tilespmem:v5+s8+$0x0], $0xffff  }
0x3b4: {  	v55 =	vld.idx.msk [tilespmem:v0+s26+$0x0], $0xffff;
	s28 =	sor.u32 s17, s25;
	[tilespmem:s21+$0x0] =	vst v2  }
0x3b5: {  	s5 =	sadd.s32 $0x19E00, s19;
	v9 =	vld.idx.msk [tilespmem:v1+s26+$0x0], $0xffff;
	s1 =	sor.u32 s15, s25;
	[tilespmem:s28+$0x0] =	vst v10  }
0x3b6: {  	s6 =	sor.u32 s20, s5;
	[tilespmem:s1+$0x0] =	vst v4;
	v10 =	vld.idx.msk [tilespmem:v3+s26+$0x0], $0xffff  }
0x3b7: {  	s7 =	sadd.s32 $0x19E80, s13;
	s1 =	sor.u32 s18, s5;
	v4 =	vld.idx.msk [tilespmem:v8+s26+$0x0], $0xffff;
	[tilespmem:s6+$0x0] =	vst v6  }
0x3b8: {  	s8 =	sor.u32 s14, s7;
	[tilespmem:s1+$0x0] =	vst v54;
	v56 =	vld.idx.msk [tilespmem:v7+s26+$0x0], $0xffff  }
0x3b9: {  	s0 =	sor.u32 s12, s7;
	s11 =	sadd.s32 $0x19E80, s16;
	s21 =	simm.s32 $0x6D60;
	[tilespmem:s8+$0x0] =	vst v55;
	v57 =	vld.idx.msk [tilespmem:v5+s26+$0x0], $0xffff  }
0x3ba: {  	s22 =	sor.u32 s17, s11;
	[tilespmem:s0+$0x0] =	vst v9;
	v11 =	vld.idx.msk [tilespmem:v0+s21+$0x0], $0xffff  }
0x3bb: {  	s23 =	sadd.s32 $0x19E80, s19;
	v9 =	vld.idx.msk [tilespmem:v1+s21+$0x0], $0xffff;
	s1 =	sor.u32 s15, s11;
	[tilespmem:s22+$0x0] =	vst v10  }
0x3bc: {  	s24 =	sor.u32 s20, s23;
	[tilespmem:s1+$0x0] =	vst v4;
	v10 =	vld.idx.msk [tilespmem:v3+s21+$0x0], $0xffff  }
0x3bd: {  	s25 =	sadd.s32 $0x19F00, s13;
	s0 =	sor.u32 s18, s23;
	v58 =	vld.idx.msk [tilespmem:v8+s21+$0x0], $0xffff;
	[tilespmem:s24+$0x0] =	vst v56  }
0x3be: {  	s26 =	sor.u32 s14, s25;
	[tilespmem:s0+$0x0] =	vst v57;
	v59 =	vld.idx.msk [tilespmem:v7+s21+$0x0], $0xffff  }
0x3bf: {  	s28 =	sadd.s32 $0x19F00, s16;
	s5 =	simm.s32 $0x7148;
	s1 =	sor.u32 s12, s25;
	[tilespmem:s26+$0x0] =	vst v11;
	v6 =	vld.idx.msk [tilespmem:v5+s21+$0x0], $0xffff  }
0x3c0: {  	s6 =	sor.u32 s17, s28;
	v11 =	vld.idx.msk [tilespmem:v0+s5+$0x0], $0xffff;
	[tilespmem:s1+$0x0] =	vst v9  }
0x3c1: {  	s7 =	sadd.s32 $0x19F00, s19;
	v9 =	vld.idx.msk [tilespmem:v1+s5+$0x0], $0xffff;
	s0 =	sor.u32 s15, s28;
	[tilespmem:s6+$0x0] =	vst v10  }
0x3c2: {  	s8 =	sor.u32 s20, s7;
	[tilespmem:s0+$0x0] =	vst v58;
	v10 =	vld.idx.msk [tilespmem:v3+s5+$0x0], $0xffff  }
0x3c3: {  	s11 =	sadd.s32 $0x19F80, s13;
	s1 =	sor.u32 s18, s7;
	v2 =	vld.idx.msk [tilespmem:v8+s5+$0x0], $0xffff;
	[tilespmem:s8+$0x0] =	vst v59  }
0x3c4: {  	s21 =	sor.u32 s14, s11;
	[tilespmem:s1+$0x0] =	vst v6;
	v4 =	vld.idx.msk [tilespmem:v7+s5+$0x0], $0xffff  }
0x3c5: {  	s23 =	simm.s32 $0x7530;
	s22 =	sadd.s32 $0x19F80, s16;
	s0 =	sor.u32 s12, s11;
	[tilespmem:s21+$0x0] =	vst v11;
	v6 =	vld.idx.msk [tilespmem:v5+s5+$0x0], $0xffff  }
0x3c6: {  	s24 =	sor.u32 s17, s22;
	v11 =	vld.idx.msk [tilespmem:v0+s23+$0x0], $0xffff;
	[tilespmem:s0+$0x0] =	vst v9  }
0x3c7: {  	s25 =	sadd.s32 $0x19F80, s19;
	v9 =	vld.idx.msk [tilespmem:v1+s23+$0x0], $0xffff;
	s1 =	sor.u32 s15, s22;
	[tilespmem:s24+$0x0] =	vst v10  }
0x3c8: {  	s26 =	sor.u32 s20, s25;
	[tilespmem:s1+$0x0] =	vst v2;
	v10 =	vld.idx.msk [tilespmem:v3+s23+$0x0], $0xffff  }
0x3c9: {  	s28 =	sor.u32 $0x1A000, s13;
	s0 =	sor.u32 s18, s25;
	v2 =	vld.idx.msk [tilespmem:v8+s23+$0x0], $0xffff;
	[tilespmem:s26+$0x0] =	vst v4  }
0x3ca: {  	s5 =	sor.u32 s14, s28;
	[tilespmem:s0+$0x0] =	vst v6;
	v4 =	vld.idx.msk [tilespmem:v7+s23+$0x0], $0xffff  }
0x3cb: {  	s6 =	sor.u32 $0x1A000, s16;
	s1 =	sor.u32 s12, s28;
	[tilespmem:s5+$0x0] =	vst v11;
	v6 =	vld.idx.msk [tilespmem:v5+s23+$0x0], $0xffff  }
0x3cc: {  	s7 =	sor.u32 s17, s6;
	v60 =	vld.idx.msk [tilespmem:v0+s3+$0x0], $0xffff;
	[tilespmem:s1+$0x0] =	vst v9  }
0x3cd: {  	s8 =	sor.u32 $0x1A000, s19;
	v61 =	vld.idx.msk [tilespmem:v1+s3+$0x0], $0xffff;
	s0 =	sor.u32 s15, s6;
	[tilespmem:s7+$0x0] =	vst v10  }
0x3ce: {  	s11 =	sor.u32 s20, s8;
	[tilespmem:s0+$0x0] =	vst v2;
	v62 =	vld.idx.msk [tilespmem:v3+s3+$0x0], $0xffff  }
0x3cf: {  	s21 =	sor.u32 $0x1A080, s13;
	s1 =	sor.u32 s18, s8;
	v2 =	vld.idx.msk [tilespmem:v8+s3+$0x0], $0xffff;
	[tilespmem:s11+$0x0] =	vst v4  }
0x3d0: {  	s22 =	sor.u32 s14, s21;
	[tilespmem:s1+$0x0] =	vst v6;
	v4 =	vld.idx.msk [tilespmem:v7+s3+$0x0], $0xffff  }
0x3d1: {  	s23 =	sor.u32 $0x1A080, s16;
	s0 =	sor.u32 s12, s21;
	[tilespmem:s22+$0x0] =	vst v60;
	v63 =	vld.idx.msk [tilespmem:v5+s3+$0x0], $0xffff  }
0x3d2: {  	s24 =	sor.u32 s17, s23;
	[tilespmem:s0+$0x0] =	vst v61  }
0x3d3: {  	s25 =	sor.u32 $0x1A080, s19;
	s1 =	sor.u32 s15, s23;
	[tilespmem:s24+$0x0] =	vst v62  }
.Ltmp10:
0x3d4: {  	s19 =	simm.s32 $0x2710;
	s26 =	sor.u32 s20, s25;
	[tilespmem:s1+$0x0] =	vst v2;
	(pc) =	sbr.rel @p0 .LBB2_15-.Ltmp10, $4  }
0x3d5: {  	s20 =	simm.s32 $0x2AF8;
	s21 =	simm.s32 $0x2EE0;
	s0 =	sor.u32 s18, s25;
	[tilespmem:s26+$0x0] =	vst v4  }
0x3d6: {  	s17 =	simm.s32 $0x36B0;
	s18 =	simm.s32 $0x3A98;
	s28 =	rddreg [dreg:$0xc];
	[tilespmem:s0+$0x0] =	vst v63  }
0x3d7: {  	s23 =	simm.s32 $0x32C8;
	s14 =	sadd.s32 $0x1, s28;
	s0 =	rddreg [dreg:$0xd]  }
0x3d8: {  	s3 =	simm.s32 $0x2328;
	s0 =	smul.u32 $0xFA000, s0;
	p1 =	seq.s32 s14, $0x19  }
.Ltmp11:
0x3d9: {  	_ = 	snop;
	(pc) =	sbr.rel @!p1 .LBB2_2-.Ltmp11, $4  }
.Ltmp12:
0x3da: {  	s1 =	rddreg [dreg:$0x2];
	s0 =	sshrl.u32 s0, $0x3;
	(pc) =	sbr.rel @p1 .LBB2_14-.Ltmp12, $4  }
0x3db: {  	s26 =	simm.s32 $0x19D00;
	s2 =	simm.s32 $0x0;
	s0 =	sadd.s32 s1, s0  }
0x3dc: {  	s28 =	simm.s32 $0x7D0;
	s15 =	simm.s32 $0xBB8;
	s0 =	sadd.s32 $0x1F000, s0  }
0x3dd: {  	[hbm4b:s0+s2] =	stream.linear.scatter [tilespmem:s26], [sflag:$0x5], $0x2000, $0x38;
	[tilespmem:$0x1BD00] =	vst v63  }
0x3de: {  	_ = 	snop  }
.LBB2_5:
.Ltmp13:
0x3df: {  	(pc) =	sbr.rel .LBB2_8-.Ltmp13, $2  }
0x3e0: {  	_ =	sdelay $0x2  }
0x3e1: {  	p1 =	por $0x1, $0x1  }
.LBB2_14:
0x3e2: {  	s0 =	simm.s32 $0x4  }
0x3e3: {  	_ =	swait.ge [sflag:s0], $0x2000  }
.Ltmp14:
0x3e4: {  	[sflag:s0] =	ssyncset.done $0x0;
	(pc) =	sbr.rel .LBB2_17-.Ltmp14, $4  }
0x3e5: {  	s26 =	simm.s32 $0x5;
	[sflag:s0] =	ssyncadd.s32 $0xFFFFE000  }
0x3e6: {  	_ =	swait.ge [sflag:s26], $0x2000  }
0x3e7: {  	[sflag:s26] =	ssyncset.done $0x0  }
0x3e8: {  	s1 =	rddreg [dreg:$0xb];
	[sflag:s26] =	ssyncadd.s32 $0xFFFFE000  }
.LBB2_18:
0x3e9: {  	_ =	sfence.sel $0x180000  }
0x3ea: {  	[bflag:$0x0] =	sbarrier.arrive $0xFFFF  }
0x3eb: {  	_ =	strace $0x90000047  }
0x3ec: {  	s0 =	stileid.u32;
	[bflag:$0x2] =	sbarrier.arrive $0xFFFF  }
0x3ed: {  	p0 =	sne.s32 s0, $0x0;
	s0 =	rddreg [dreg:$0x3]  }
0x3ee: {  	s0 =	sadd.s32 @!p0 $0x100000, s0  }
0x3ef: {  	[sflag:s0] =	ssyncadd.tile.s32 @!p0 $0x1;
	_ =	shalt  }
.Lfunc_end2:
_tile_overlayer_lowered:
.L_overlay_start_2:
0x3f0: {  	(tag) =	ssettag $0x2  }
0x3f1: {  	s0 =	rddreg [dreg:$0x0];
	s2 =	stileid.u32  }
0x3f2: {  	s1 =	rddreg [dreg:$0x1];
	p0 =	sne.s32 s2, $0x0  }
0x3f3: {  	s3 =	rddreg [dreg:$0x2];
	[bflag:$0x3] =	sbarrier.arrive $0xFFFF;
	s2 =	simm.s32 @!p0 $0x1C06  }
0x3f4: {  	[timem:s3], [sflag:s2] =	dma.local @!p0 [hbm:s0], s1  }
0x3f5: {  	s0 =	simm.s32 @!p0 $0x6  }
0x3f6: {  	_ =	swait.ge @!p0 [sflag:s0], s1  }
0x3f7: {  	s1 =	ssub.s32 @!p0 $0x0, s1;
	[sflag:s0] =	ssyncset.done @!p0 $0x0  }
0x3f8: {  	[sflag:s0] =	ssyncadd.s32 @!p0 s1  }
0x3f9: {  	[bflag:$0x3] =	sbarrier.arrive $0xFFFF  }
0x3fa: {  	_ =	shalt  }

</sc_bundles>
